<compile_context>
chip_gen: v7x
topology: tpu7x:2x2x1
jax: 0.10.2.dev20260603
libtpu: 0.0.44.dev20260713+nightly
codegen_flags: <defaults>
</compile_context>

<pallas_src>
import functools

import jax
import jax.numpy as jnp
from jax import lax
from jax.experimental import pallas as pl
from jax.experimental.pallas import tpu as pltpu
from jax.experimental.pallas import tpu_sc as plsc

N = 10000
E = 320000
D_IN = 128
HIDDEN = 64
EMB = 2
G = 16

NC = 2
NS = 16
NW = NC * NS
NPAD = 10240
RPT = NPAD // NS
CH = 128
CHUNKS = 80
EPW = CH * CHUNKS
EPAD = EPW * NW
RING = 4
HALF = RING // 2



def _deg_body(dst_hbm, out_hbm, idx_v, ones_v, zb_v, acc, sem):
    cid = lax.axis_index("c")
    sid = lax.axis_index("s")
    wid = sid * NC + cid

    @pl.loop(0, RPT // 16)
    def _zero(i):
        zb_v[pl.ds(i * 16, 16)] = jnp.zeros((16,), jnp.float32)

    for i in range(CH // 16):
        ones_v[pl.ds(i * 16, 16)] = jnp.ones((16,), jnp.float32)

    pltpu.sync_copy(zb_v, acc.at[pl.ds(sid * RPT, RPT)])
    plsc.subcore_barrier()

    pltpu.async_copy(dst_hbm.at[wid], idx_v, sem).wait()

    @pl.loop(0, CHUNKS)
    def _edges(j):
        pltpu.sync_copy(ones_v, acc.at[idx_v.at[j]], add=True)

    plsc.subcore_barrier()
    pltpu.sync_copy(acc.at[pl.ds(sid * RPT, RPT)],
                    out_hbm.at[cid, 0, pl.ds(sid * RPT, RPT)])


@functools.cache
def _deg_call():
    return pl.kernel(
        _deg_body,
        out_type=jax.ShapeDtypeStruct((NC, 1, NPAD), jnp.float32),
        mesh=plsc.VectorSubcoreMesh(core_axis_name="c", subcore_axis_name="s",
                                    num_cores=NC, num_subcores=NS),
        scratch_types=[
            pltpu.VMEM((CHUNKS, CH), jnp.int32),
            pltpu.VMEM((CH,), jnp.float32),
            pltpu.VMEM((RPT,), jnp.float32),
            pltpu.VMEM_SHARED((NPAD,), jnp.float32),
            pltpu.SemaphoreType.DMA,
        ],
        compiler_params=pltpu.CompilerParams(use_tc_tiling_on_sc=False),
    )



def _agg_body(d, g_hbm, src_hbm, dst_hbm, out_hbm,
              idx_s, idx_d, rows, zb_v, acc, gsem, isem):
    cid = lax.axis_index("c")
    sid = lax.axis_index("s")
    wid = sid * NC + cid

    @pl.loop(0, CH)
    def _zero(i):
        for k in range(d // 16):
            zb_v[i, pl.ds(k * 16, 16)] = jnp.zeros((16,), jnp.float32)

    @pl.loop(0, RPT // CH)
    def _zacc(k):
        pltpu.sync_copy(zb_v, acc.at[pl.ds(sid * RPT + k * CH, CH)])

    plsc.subcore_barrier()

    pltpu.async_copy(src_hbm.at[wid], idx_s, isem)
    pltpu.async_copy(dst_hbm.at[wid], idx_d, isem)
    pltpu.make_async_copy(src_hbm.at[wid], idx_s, isem).wait()
    pltpu.make_async_copy(dst_hbm.at[wid], idx_d, isem).wait()

    for b in range(RING):
        pltpu.async_copy(g_hbm.at[idx_s.at[b]], rows.at[b], gsem.at[b])

    @pl.loop(0, CHUNKS, step=RING)
    def _edges(j0):
        for b in range(RING):
            j = j0 + b
            pltpu.make_async_copy(g_hbm.at[idx_s.at[b]], rows.at[b],
                                  gsem.at[b]).wait()
            pltpu.sync_copy(rows.at[b], acc.at[idx_d.at[j]], add=True)

            @pl.when(j + RING < CHUNKS)
            def _ng():
                pltpu.async_copy(g_hbm.at[idx_s.at[j + RING]], rows.at[b],
                                 gsem.at[b])

    plsc.subcore_barrier()
    pltpu.sync_copy(acc.at[pl.ds(sid * RPT, RPT)],
                    out_hbm.at[cid, pl.ds(sid * RPT, RPT)])


@functools.cache
def _make_agg(d):
    return pl.kernel(
        functools.partial(_agg_body, d),
        out_type=jax.ShapeDtypeStruct((NC, NPAD, d), jnp.float32),
        mesh=plsc.VectorSubcoreMesh(core_axis_name="c", subcore_axis_name="s",
                                    num_cores=NC, num_subcores=NS),
        scratch_types=[
            pltpu.VMEM((CHUNKS, CH), jnp.int32),
            pltpu.VMEM((CHUNKS, CH), jnp.int32),
            pltpu.VMEM((RING, CH, d), jnp.float32),
            pltpu.VMEM((CH, d), jnp.float32),
            pltpu.VMEM_SHARED((NPAD, d), jnp.float32),
            pltpu.SemaphoreType.DMA((RING,)),
            pltpu.SemaphoreType.DMA,
        ],
        compiler_params=pltpu.CompilerParams(use_tc_tiling_on_sc=False),
    )



def _agg2e_body(ga_hbm, gb_hbm, src_hbm, dst_hbm, oa_hbm, ob_hbm,
                idx_s, idx_d, va, vb, zb_v, acc_a, acc_b, gsa, gsb, isem):
    cid = lax.axis_index("c")
    sid = lax.axis_index("s")
    wid = sid * NC + cid

    @pl.loop(0, RPT // 16)
    def _zero(i):
        zb_v[pl.ds(i * 16, 16)] = jnp.zeros((16,), jnp.float32)

    pltpu.sync_copy(zb_v, acc_a.at[pl.ds(sid * RPT, RPT)])
    pltpu.sync_copy(zb_v, acc_b.at[pl.ds(sid * RPT, RPT)])
    plsc.subcore_barrier()

    pltpu.async_copy(src_hbm.at[wid], idx_s, isem)
    pltpu.async_copy(dst_hbm.at[wid], idx_d, isem)
    pltpu.make_async_copy(src_hbm.at[wid], idx_s, isem).wait()
    pltpu.make_async_copy(dst_hbm.at[wid], idx_d, isem).wait()

    for b in range(RING):
        pltpu.async_copy(ga_hbm.at[idx_s.at[b]], va.at[b], gsa.at[b])
        pltpu.async_copy(gb_hbm.at[idx_s.at[b]], vb.at[b], gsb.at[b])

    @pl.loop(0, CHUNKS, step=RING)
    def _edges(j0):
        for b in range(RING):
            j = j0 + b
            pltpu.make_async_copy(ga_hbm.at[idx_s.at[b]], va.at[b],
                                  gsa.at[b]).wait()
            pltpu.make_async_copy(gb_hbm.at[idx_s.at[b]], vb.at[b],
                                  gsb.at[b]).wait()
            pltpu.sync_copy(va.at[b], acc_a.at[idx_d.at[j]], add=True)
            pltpu.sync_copy(vb.at[b], acc_b.at[idx_d.at[j]], add=True)

            @pl.when(j + RING < CHUNKS)
            def _ng():
                pltpu.async_copy(ga_hbm.at[idx_s.at[j + RING]], va.at[b],
                                 gsa.at[b])
                pltpu.async_copy(gb_hbm.at[idx_s.at[j + RING]], vb.at[b],
                                 gsb.at[b])

    plsc.subcore_barrier()
    pltpu.sync_copy(acc_a.at[pl.ds(sid * RPT, RPT)],
                    oa_hbm.at[cid, 0, pl.ds(sid * RPT, RPT)])
    pltpu.sync_copy(acc_b.at[pl.ds(sid * RPT, RPT)],
                    ob_hbm.at[cid, 0, pl.ds(sid * RPT, RPT)])


@functools.cache
def _agg2e_call():
    return pl.kernel(
        _agg2e_body,
        out_type=[jax.ShapeDtypeStruct((NC, 1, NPAD), jnp.float32),
                  jax.ShapeDtypeStruct((NC, 1, NPAD), jnp.float32)],
        mesh=plsc.VectorSubcoreMesh(core_axis_name="c", subcore_axis_name="s",
                                    num_cores=NC, num_subcores=NS),
        scratch_types=[
            pltpu.VMEM((CHUNKS, CH), jnp.int32),
            pltpu.VMEM((CHUNKS, CH), jnp.int32),
            pltpu.VMEM((RING, CH), jnp.float32),
            pltpu.VMEM((RING, CH), jnp.float32),
            pltpu.VMEM((RPT,), jnp.float32),
            pltpu.VMEM_SHARED((NPAD,), jnp.float32),
            pltpu.VMEM_SHARED((NPAD,), jnp.float32),
            pltpu.SemaphoreType.DMA((RING,)),
            pltpu.SemaphoreType.DMA((RING,)),
            pltpu.SemaphoreType.DMA,
        ],
        compiler_params=pltpu.CompilerParams(use_tc_tiling_on_sc=False),
    )



BLK = 1024


def _b_body(deg_ref, x_ref, w1_ref, g1_ref, dinv_ref):
    d = deg_ref[:, 0:1] + deg_ref[:, 1:2] + 1.0
    dinv = lax.rsqrt(d)
    h = jnp.dot(x_ref[...], w1_ref[...], preferred_element_type=jnp.float32)
    g1_ref[...] = h * dinv
    dinv_ref[...] = dinv


def _b_call(deg, x_p, W1):
    return pl.pallas_call(
        _b_body,
        grid=(NPAD // BLK,),
        in_specs=[
            pl.BlockSpec((BLK, NC), lambda i: (i, 0)),
            pl.BlockSpec((BLK, D_IN), lambda i: (i, 0)),
            pl.BlockSpec((D_IN, HIDDEN), lambda i: (0, 0)),
        ],
        out_specs=[
            pl.BlockSpec((BLK, HIDDEN), lambda i: (i, 0)),
            pl.BlockSpec((BLK, 1), lambda i: (i, 0)),
        ],
        out_shape=[
            jax.ShapeDtypeStruct((NPAD, HIDDEN), jnp.float32),
            jax.ShapeDtypeStruct((NPAD, 1), jnp.float32),
        ],
    )(deg, x_p, W1)


def _d_body(p_ref, g1_ref, dinv_ref, w2_ref, b1_ref, g2t_ref):
    s = p_ref[0] + p_ref[1] + g1_ref[...]
    h1 = jnp.maximum(dinv_ref[...] * s + b1_ref[...], 0.0)
    u = h1 * dinv_ref[...]
    g2t_ref[...] = lax.dot_general(
        w2_ref[...], u, (((0,), (1,)), ((), ())),
        preferred_element_type=jnp.float32)


def _d_call(p, g1, dinv, W2, b1):
    return pl.pallas_call(
        _d_body,
        grid=(NPAD // BLK,),
        in_specs=[
            pl.BlockSpec((NC, BLK, HIDDEN), lambda i: (0, i, 0)),
            pl.BlockSpec((BLK, HIDDEN), lambda i: (i, 0)),
            pl.BlockSpec((BLK, 1), lambda i: (i, 0)),
            pl.BlockSpec((HIDDEN, EMB), lambda i: (0, 0)),
            pl.BlockSpec((1, HIDDEN), lambda i: (0, 0)),
        ],
        out_specs=pl.BlockSpec((EMB, BLK), lambda i: (0, i)),
        out_shape=jax.ShapeDtypeStruct((EMB, NPAD), jnp.float32),
    )(p, g1, dinv, W2, b1)


def _e_body(qa_ref, qb_ref, g2t_ref, dinvt_ref, batch_ref, b2_ref, out_ref,
            cnt_ref):
    i = pl.program_id(0)

    @pl.when(i == 0)
    def _init():
        out_ref[...] = jnp.zeros_like(out_ref)
        cnt_ref[...] = jnp.zeros_like(cnt_ref)

    dinvt = dinvt_ref[...]
    na = dinvt * (qa_ref[0] + qa_ref[1] + g2t_ref[0:1, :])
    nb = dinvt * (qb_ref[0] + qb_ref[1] + g2t_ref[1:2, :])
    ids = lax.broadcasted_iota(jnp.int32, (G, BLK), 0)
    m = (batch_ref[...] == ids).astype(jnp.float32)
    ra = jnp.sum(m * na, axis=1, keepdims=True)
    rb = jnp.sum(m * nb, axis=1, keepdims=True)
    out_ref[...] += jnp.concatenate([ra, rb], axis=1)
    cnt_ref[...] += jnp.sum(m, axis=1, keepdims=True)

    @pl.when(i == NPAD // BLK - 1)
    def _fin():
        cnt = cnt_ref[...]
        mean = out_ref[...] / jnp.maximum(cnt, 1.0)
        out_ref[...] = mean + b2_ref[...] * (cnt > 0.0)


def _e_call(qa, qb, g2t, dinv_t, batch_p, b2):
    return pl.pallas_call(
        _e_body,
        grid=(NPAD // BLK,),
        in_specs=[
            pl.BlockSpec((NC, 1, BLK), lambda i: (0, 0, i)),
            pl.BlockSpec((NC, 1, BLK), lambda i: (0, 0, i)),
            pl.BlockSpec((EMB, BLK), lambda i: (0, i)),
            pl.BlockSpec((1, BLK), lambda i: (0, i)),
            pl.BlockSpec((1, BLK), lambda i: (0, i)),
            pl.BlockSpec((1, EMB), lambda i: (0, 0)),
        ],
        out_specs=pl.BlockSpec((G, EMB), lambda i: (0, 0)),
        out_shape=jax.ShapeDtypeStruct((G, EMB), jnp.float32),
        scratch_shapes=[pltpu.VMEM((G, 1), jnp.float32)],
    )(qa, qb, g2t, dinv_t, batch_p, b2)



@jax.jit
def kernel(x, edge_index, batch, W1, b1, W2, b2):
    src = edge_index[0].astype(jnp.int32)
    dst = edge_index[1].astype(jnp.int32)
    pad = N + (jnp.arange(EPAD - E, dtype=jnp.int32) % (NPAD - N))
    src3 = jnp.concatenate([src, pad]).reshape(NW, CHUNKS, CH)
    dst3 = jnp.concatenate([dst, pad]).reshape(NW, CHUNKS, CH)
    x_p = jnp.pad(x.astype(jnp.float32), ((0, NPAD - N), (0, 0)))
    batch_p = jnp.pad(batch.astype(jnp.int32), (0, NPAD - N),
                      constant_values=G).reshape(1, NPAD)

    deg = _deg_call()(dst3)
    deg_t = jnp.transpose(deg.reshape(NC, NPAD))
    g1, dinv = _b_call(deg_t, x_p, W1)
    p = _make_agg(HIDDEN)(g1, src3, dst3)
    g2t = _d_call(p, g1, dinv, W2, b1.reshape(1, HIDDEN))
    qa, qb = _agg2e_call()(g2t[0], g2t[1], src3, dst3)
    dinv_t = jnp.transpose(dinv)
    out = _e_call(qa, qb, g2t, dinv_t, batch_p, b2.reshape(1, EMB))
    return out

# --- scband reference (transcript-rebuilt; emitter-appended) ---
"""Pipeline reference for scband-gnnencoder-30021821399451 (READ-ONLY COPY).

The authoritative reference and input builder live on the scoring server;
editing this copy changes nothing except your own understanding.
"""

import jax, jax.numpy as jnp
import numpy as np

N = 10000
E = 320000
D_IN = 128
HIDDEN = 64
EMB = 2
NUM_GRAPHS = 16


def setup_inputs(seed: int = 0) -> dict:
    key = jax.random.key(seed)
    k1, k2, k3, k4, k5, k6, k7 = jax.random.split(key, 7)
    x = jax.random.normal(k1, (N, D_IN), dtype=jnp.float32)
    edge_index = jax.random.randint(k2, (2, E), 0, N, dtype=jnp.int64)
    batch = jnp.sort(jax.random.randint(k3, (N,), 0, NUM_GRAPHS, dtype=jnp.int64))
    # GCNConv parameters (glorot-ish init)
    W1 = jax.random.normal(k4, (D_IN, HIDDEN), dtype=jnp.float32) * (1.0 / np.sqrt(D_IN))
    b1 = jnp.zeros((HIDDEN,), dtype=jnp.float32)
    W2 = jax.random.normal(k5, (HIDDEN, EMB), dtype=jnp.float32) * (1.0 / np.sqrt(HIDDEN))
    b2 = jnp.zeros((EMB,), dtype=jnp.float32)
    return {"x": x, "edge_index": edge_index, "batch": batch, "W1": W1, "b1": b1, "W2": W2, "b2": b2}


def _gcn_conv(x, edge_index, W, b):
    n = x.shape[0]
    src = edge_index[0]
    dst = edge_index[1]
    # add self-loops (PyG GCNConv default)
    loop = jnp.arange(n, dtype=src.dtype)
    src = jnp.concatenate([src, loop])
    dst = jnp.concatenate([dst, loop])
    h = x @ W
    deg = jnp.zeros((n,), dtype=h.dtype).at[dst].add(1.0)
    dinv = jnp.where(deg > 0, jax.lax.rsqrt(deg), 0.0)
    norm = dinv[src] * dinv[dst]
    msg = h[src] * norm[:, None]
    out = jnp.zeros((n, W.shape[1]), dtype=h.dtype).at[dst].add(msg)
    return out + b


def _global_mean_pool(x, batch, num_graphs):
    sums = jax.ops.segment_sum(x, batch, num_segments=num_graphs)
    counts = jax.ops.segment_sum(jnp.ones((x.shape[0],), dtype=x.dtype), batch, num_segments=num_graphs)
    return sums / jnp.maximum(counts, 1.0)[:, None]


def reference(x, edge_index, batch, W1, b1, W2, b2):
    x = x.astype(jnp.float32)
    h = _gcn_conv(x, edge_index, W1, b1)
    h = jax.nn.relu(h)
    h = _gcn_conv(h, edge_index, W2, b2)
    out = _global_mean_pool(h, batch, NUM_GRAPHS)
    return out

if __name__ == "__main__":
    import jax
    _d = setup_inputs()
    print(jax.jit(kernel)(*tuple(_d.values())))

</pallas_src>

<mosaic_0001>
#map = affine_map<(d0, d1) -> (0)>
#map1 = affine_map<(d0, d1) -> (0, 0, 0)>
module attributes {stable_mosaic.version = 14 : i64} {
  func.func @_agg2e_body(%arg0: i32, %arg1: i32, %arg2: memref<10240xf32, #tpu.memory_space<hbm>>, %arg3: memref<10240xf32, #tpu.memory_space<hbm>>, %arg4: memref<32x80x128xi32, #tpu.memory_space<hbm>>, %arg5: memref<32x80x128xi32, #tpu.memory_space<hbm>>, %arg6: memref<2x1x10240xf32, #tpu.memory_space<hbm>>, %arg7: memref<2x1x10240xf32, #tpu.memory_space<hbm>>, %arg8: memref<80x128xi32, #tpu.memory_space<vmem>>, %arg9: memref<80x128xi32, #tpu.memory_space<vmem>>, %arg10: memref<4x128xf32, #tpu.memory_space<vmem>>, %arg11: memref<4x128xf32, #tpu.memory_space<vmem>>, %arg12: memref<640xf32, #tpu.memory_space<vmem>>, %arg13: memref<10240xf32, #tpu.memory_space<vmem_shared>>, %arg14: memref<10240xf32, #tpu.memory_space<vmem_shared>>, %arg15: memref<4x!tpu.dma_semaphore, #tpu.memory_space<semaphore_mem>>, %arg16: memref<4x!tpu.dma_semaphore, #tpu.memory_space<semaphore_mem>>, %arg17: memref<!tpu.dma_semaphore, #tpu.memory_space<semaphore_mem>>) attributes {dimension_semantics = [#tpu.dimension_semantics<core_parallel>, #tpu.dimension_semantics<subcore_parallel>], iteration_bounds = array<i64: 2, 16>, scalar_prefetch = 0 : i64, scratch_operands = 10 : i64, tpu.core_type = #tpu.core_type<sc_vector_subcore>, window_params = [{transform_indices = #map}, {transform_indices = #map}, {transform_indices = #map1}, {transform_indices = #map1}, {transform_indices = #map1}, {transform_indices = #map1}]} {
    %mul3A = arith.constant 2 : i32
    %mul3A_0 = arith.muli %arg1, %mul3A : i32
    %add3A = arith.addi %mul3A_0, %arg0 : i32
    %scan3A = arith.constant 0 : i32
    %scan3A_1 = arith.constant 40 : i32
    %scan3A_2 = arith.addi %scan3A, %scan3A_1 : i32
    %scan3A_3 = arith.constant 1 : i32
    scf.for %scan3A_158 = %scan3A to %scan3A_2 step %scan3A_3  : i32 {
      %mul3A_159 = arith.constant 1 : i32
      %mul3A_160 = arith.muli %scan3A_158, %mul3A_159 : i32
      %add3A_161 = arith.constant 0 : i32
      %add3A_162 = arith.addi %add3A_161, %mul3A_160 : i32
      %broadcast_in_dim3A = arith.constant 0.000000e+00 : f32
      %broadcast_in_dim3A_163 = vector.broadcast %broadcast_in_dim3A : f32 to vector<16xf32>
      %mul3A_164 = arith.constant 16 : i32
      %mul3A_165 = arith.muli %add3A_162, %mul3A_164 : i32
      %swap3A = arith.index_cast %mul3A_165 : i32 to index
      %swap3A_166 = tpu.vector_load %arg12[%swap3A] {strides = array<i32>} : memref<640xf32, #tpu.memory_space<vmem>>, vector<16xf32>,
      %swap3A_167 = vector.shape_cast %swap3A_166 : vector<16xf32> to vector<16xf32>
      %swap3A_168 = vector.shape_cast %broadcast_in_dim3A_163 : vector<16xf32> to vector<16xf32>
      tpu.vector_store %arg12[%swap3A], %swap3A_168 {strides = array<i32>} : memref<640xf32, #tpu.memory_space<vmem>>, vector<16xf32>,
    }
    %scan3A_4 = arith.constant 40 : i32
    %mul3A_5 = arith.constant 640 : i32
    %mul3A_6 = arith.muli %arg1, %mul3A_5 : i32
    "tpu.region"() ({
      %run_scoped3A_158 = tpu.sem_alloc : memref<!tpu.dma_semaphore, #tpu.memory_space<semaphore_mem>>
      %dma_start3A_159 = tpu.memref_slice %arg13[%mul3A_6] : memref<10240xf32, #tpu.memory_space<vmem_shared>> -> memref<640xf32, #tpu.memory_space<vmem_shared>>
      %dma_start3A_160 = tpu.memref_slice %arg13[%mul3A_6] : memref<10240xf32, #tpu.memory_space<vmem_shared>> -> memref<640xf32, #tpu.memory_space<vmem_shared>>
      tpu.enqueue_dma source(%arg12 : memref<640xf32, #tpu.memory_space<vmem>>) target(%dma_start3A_160 : memref<640xf32, #tpu.memory_space<vmem_shared>>) target_semaphore(%run_scoped3A_158 : memref<!tpu.dma_semaphore, #tpu.memory_space<semaphore_mem>>)
      %dma_wait3A_161 = tpu.memref_slice %arg13[%mul3A_6] : memref<10240xf32, #tpu.memory_space<vmem_shared>> -> memref<640xf32, #tpu.memory_space<vmem_shared>>
      %dma_wait3A_162 = tpu.memref_slice %arg13[%mul3A_6] : memref<10240xf32, #tpu.memory_space<vmem_shared>> -> memref<640xf32, #tpu.memory_space<vmem_shared>>
      tpu.wait_dma2 semaphore(%run_scoped3A_158 : memref<!tpu.dma_semaphore, #tpu.memory_space<semaphore_mem>>) src(%arg12 : memref<640xf32, #tpu.memory_space<vmem>>) dst(%dma_wait3A_162 : memref<640xf32, #tpu.memory_space<vmem_shared>>)
      tpu.yield
    }) : () -> ()
    %mul3A_7 = arith.constant 640 : i32
    %mul3A_8 = arith.muli %arg1, %mul3A_7 : i32
    "tpu.region"() ({
      %run_scoped3A_158 = tpu.sem_alloc : memref<!tpu.dma_semaphore, #tpu.memory_space<semaphore_mem>>
      %dma_start3A_159 = tpu.memref_slice %arg14[%mul3A_8] : memref<10240xf32, #tpu.memory_space<vmem_shared>> -> memref<640xf32, #tpu.memory_space<vmem_shared>>
      %dma_start3A_160 = tpu.memref_slice %arg14[%mul3A_8] : memref<10240xf32, #tpu.memory_space<vmem_shared>> -> memref<640xf32, #tpu.memory_space<vmem_shared>>
      tpu.enqueue_dma source(%arg12 : memref<640xf32, #tpu.memory_space<vmem>>) target(%dma_start3A_160 : memref<640xf32, #tpu.memory_space<vmem_shared>>) target_semaphore(%run_scoped3A_158 : memref<!tpu.dma_semaphore, #tpu.memory_space<semaphore_mem>>)
      %dma_wait3A_161 = tpu.memref_slice %arg14[%mul3A_8] : memref<10240xf32, #tpu.memory_space<vmem_shared>> -> memref<640xf32, #tpu.memory_space<vmem_shared>>
      %dma_wait3A_162 = tpu.memref_slice %arg14[%mul3A_8] : memref<10240xf32, #tpu.memory_space<vmem_shared>> -> memref<640xf32, #tpu.memory_space<vmem_shared>>
      tpu.wait_dma2 semaphore(%run_scoped3A_158 : memref<!tpu.dma_semaphore, #tpu.memory_space<semaphore_mem>>) src(%arg12 : memref<640xf32, #tpu.memory_space<vmem>>) dst(%dma_wait3A_162 : memref<640xf32, #tpu.memory_space<vmem_shared>>)
      tpu.yield
    }) : () -> ()
    %barrier3A = arith.constant 0 : index
    tpu.barrier barrier_id(%barrier3A)
    %dma_start3A = arith.constant 0 : i32
    %dma_start3A_9 = arith.constant 0 : i32
    %dma_start3A_10 = tpu.memref_slice %arg4[%add3A, %dma_start3A, %dma_start3A_9] : memref<32x80x128xi32, #tpu.memory_space<hbm>> -> memref<1x80x128xi32, #tpu.memory_space<hbm>>
    %dma_start3A_11 = tpu.memref_squeeze %dma_start3A_10 : memref<1x80x128xi32, #tpu.memory_space<hbm>> -> memref<80x128xi32, #tpu.memory_space<hbm>>
    %dma_start3A_12 = arith.constant 0 : i32
    %dma_start3A_13 = arith.constant 0 : i32
    %dma_start3A_14 = tpu.memref_slice %arg4[%add3A, %dma_start3A_12, %dma_start3A_13] : memref<32x80x128xi32, #tpu.memory_space<hbm>> -> memref<1x80x128xi32, #tpu.memory_space<hbm>>
    %dma_start3A_15 = tpu.memref_squeeze %dma_start3A_14 : memref<1x80x128xi32, #tpu.memory_space<hbm>> -> memref<80x128xi32, #tpu.memory_space<hbm>>
    tpu.enqueue_dma source(%dma_start3A_15 : memref<80x128xi32, #tpu.memory_space<hbm>>) target(%arg8 : memref<80x128xi32, #tpu.memory_space<vmem>>) target_semaphore(%arg17 : memref<!tpu.dma_semaphore, #tpu.memory_space<semaphore_mem>>)
    %dma_start3A_16 = arith.constant 0 : i32
    %dma_start3A_17 = arith.constant 0 : i32
    %dma_start3A_18 = tpu.memref_slice %arg5[%add3A, %dma_start3A_16, %dma_start3A_17] : memref<32x80x128xi32, #tpu.memory_space<hbm>> -> memref<1x80x128xi32, #tpu.memory_space<hbm>>
    %dma_start3A_19 = tpu.memref_squeeze %dma_start3A_18 : memref<1x80x128xi32, #tpu.memory_space<hbm>> -> memref<80x128xi32, #tpu.memory_space<hbm>>
    %dma_start3A_20 = arith.constant 0 : i32
    %dma_start3A_21 = arith.constant 0 : i32
    %dma_start3A_22 = tpu.memref_slice %arg5[%add3A, %dma_start3A_20, %dma_start3A_21] : memref<32x80x128xi32, #tpu.memory_space<hbm>> -> memref<1x80x128xi32, #tpu.memory_space<hbm>>
    %dma_start3A_23 = tpu.memref_squeeze %dma_start3A_22 : memref<1x80x128xi32, #tpu.memory_space<hbm>> -> memref<80x128xi32, #tpu.memory_space<hbm>>
    tpu.enqueue_dma source(%dma_start3A_23 : memref<80x128xi32, #tpu.memory_space<hbm>>) target(%arg9 : memref<80x128xi32, #tpu.memory_space<vmem>>) target_semaphore(%arg17 : memref<!tpu.dma_semaphore, #tpu.memory_space<semaphore_mem>>)
    %dma_wait3A = arith.constant 0 : i32
    %dma_wait3A_24 = arith.constant 0 : i32
    %dma_wait3A_25 = tpu.memref_slice %arg4[%add3A, %dma_wait3A, %dma_wait3A_24] : memref<32x80x128xi32, #tpu.memory_space<hbm>> -> memref<1x80x128xi32, #tpu.memory_space<hbm>>
    %dma_wait3A_26 = tpu.memref_squeeze %dma_wait3A_25 : memref<1x80x128xi32, #tpu.memory_space<hbm>> -> memref<80x128xi32, #tpu.memory_space<hbm>>
    %dma_wait3A_27 = arith.constant 0 : i32
    %dma_wait3A_28 = arith.constant 0 : i32
    %dma_wait3A_29 = tpu.memref_slice %arg4[%add3A, %dma_wait3A_27, %dma_wait3A_28] : memref<32x80x128xi32, #tpu.memory_space<hbm>> -> memref<1x80x128xi32, #tpu.memory_space<hbm>>
    %dma_wait3A_30 = tpu.memref_squeeze %dma_wait3A_29 : memref<1x80x128xi32, #tpu.memory_space<hbm>> -> memref<80x128xi32, #tpu.memory_space<hbm>>
    tpu.wait_dma2 semaphore(%arg17 : memref<!tpu.dma_semaphore, #tpu.memory_space<semaphore_mem>>) src(%dma_wait3A_30 : memref<80x128xi32, #tpu.memory_space<hbm>>) dst(%arg8 : memref<80x128xi32, #tpu.memory_space<vmem>>)
    %dma_wait3A_31 = arith.constant 0 : i32
    %dma_wait3A_32 = arith.constant 0 : i32
    %dma_wait3A_33 = tpu.memref_slice %arg5[%add3A, %dma_wait3A_31, %dma_wait3A_32] : memref<32x80x128xi32, #tpu.memory_space<hbm>> -> memref<1x80x128xi32, #tpu.memory_space<hbm>>
    %dma_wait3A_34 = tpu.memref_squeeze %dma_wait3A_33 : memref<1x80x128xi32, #tpu.memory_space<hbm>> -> memref<80x128xi32, #tpu.memory_space<hbm>>
    %dma_wait3A_35 = arith.constant 0 : i32
    %dma_wait3A_36 = arith.constant 0 : i32
    %dma_wait3A_37 = tpu.memref_slice %arg5[%add3A, %dma_wait3A_35, %dma_wait3A_36] : memref<32x80x128xi32, #tpu.memory_space<hbm>> -> memref<1x80x128xi32, #tpu.memory_space<hbm>>
    %dma_wait3A_38 = tpu.memref_squeeze %dma_wait3A_37 : memref<1x80x128xi32, #tpu.memory_space<hbm>> -> memref<80x128xi32, #tpu.memory_space<hbm>>
    tpu.wait_dma2 semaphore(%arg17 : memref<!tpu.dma_semaphore, #tpu.memory_space<semaphore_mem>>) src(%dma_wait3A_38 : memref<80x128xi32, #tpu.memory_space<hbm>>) dst(%arg9 : memref<80x128xi32, #tpu.memory_space<vmem>>)
    %dma_start3A_39 = arith.constant 0 : i32
    %dma_start3A_40 = arith.constant 0 : i32
    %dma_start3A_41 = arith.constant 0 : i32
    %dma_start3A_42 = arith.constant 0 : i32
    %dma_start3A_43 = tpu.memref_slice %arg10[%dma_start3A_40, %dma_start3A_42] : memref<4x128xf32, #tpu.memory_space<vmem>> -> memref<1x128xf32, #tpu.memory_space<vmem>>
    %dma_start3A_44 = tpu.memref_squeeze %dma_start3A_43 : memref<1x128xf32, #tpu.memory_space<vmem>> -> memref<128xf32, #tpu.memory_space<vmem>>
    %dma_start3A_45 = arith.constant 0 : i32
    %dma_start3A_46 = tpu.memref_slice %arg8[%dma_start3A_39, %dma_start3A_45] : memref<80x128xi32, #tpu.memory_space<vmem>> -> memref<1x128xi32, #tpu.memory_space<vmem>>
    %dma_start3A_47 = tpu.memref_squeeze %dma_start3A_46 : memref<1x128xi32, #tpu.memory_space<vmem>> -> memref<128xi32, #tpu.memory_space<vmem>>
    %dma_start3A_48 = arith.constant 0 : i32
    %dma_start3A_49 = tpu.memref_slice %arg2[%dma_start3A_48] : memref<10240xf32, #tpu.memory_space<hbm>> -> memref<10240xf32, #tpu.memory_space<hbm>>
    %dma_start3A_50 = tpu.memref_slice %arg15[%dma_start3A_41] : memref<4x!tpu.dma_semaphore, #tpu.memory_space<semaphore_mem>> -> memref<1x!tpu.dma_semaphore, #tpu.memory_space<semaphore_mem>>
    %dma_start3A_51 = tpu.memref_squeeze %dma_start3A_50 : memref<1x!tpu.dma_semaphore, #tpu.memory_space<semaphore_mem>> -> memref<!tpu.dma_semaphore, #tpu.memory_space<semaphore_mem>>
    tpu.enqueue_indirect_dma source(%dma_start3A_49 : memref<10240xf32, #tpu.memory_space<hbm>>) target(%dma_start3A_44 : memref<128xf32, #tpu.memory_space<vmem>>) offsets(%dma_start3A_47 : memref<128xi32, #tpu.memory_space<vmem>>) semaphore(%dma_start3A_51 : memref<!tpu.dma_semaphore, #tpu.memory_space<semaphore_mem>>)
    %dma_start3A_52 = arith.constant 0 : i32
    %dma_start3A_53 = arith.constant 0 : i32
    %dma_start3A_54 = arith.constant 0 : i32
    %dma_start3A_55 = arith.constant 0 : i32
    %dma_start3A_56 = tpu.memref_slice %arg11[%dma_start3A_53, %dma_start3A_55] : memref<4x128xf32, #tpu.memory_space<vmem>> -> memref<1x128xf32, #tpu.memory_space<vmem>>
    %dma_start3A_57 = tpu.memref_squeeze %dma_start3A_56 : memref<1x128xf32, #tpu.memory_space<vmem>> -> memref<128xf32, #tpu.memory_space<vmem>>
    %dma_start3A_58 = arith.constant 0 : i32
    %dma_start3A_59 = tpu.memref_slice %arg8[%dma_start3A_52, %dma_start3A_58] : memref<80x128xi32, #tpu.memory_space<vmem>> -> memref<1x128xi32, #tpu.memory_space<vmem>>
    %dma_start3A_60 = tpu.memref_squeeze %dma_start3A_59 : memref<1x128xi32, #tpu.memory_space<vmem>> -> memref<128xi32, #tpu.memory_space<vmem>>
    %dma_start3A_61 = arith.constant 0 : i32
    %dma_start3A_62 = tpu.memref_slice %arg3[%dma_start3A_61] : memref<10240xf32, #tpu.memory_space<hbm>> -> memref<10240xf32, #tpu.memory_space<hbm>>
    %dma_start3A_63 = tpu.memref_slice %arg16[%dma_start3A_54] : memref<4x!tpu.dma_semaphore, #tpu.memory_space<semaphore_mem>> -> memref<1x!tpu.dma_semaphore, #tpu.memory_space<semaphore_mem>>
    %dma_start3A_64 = tpu.memref_squeeze %dma_start3A_63 : memref<1x!tpu.dma_semaphore, #tpu.memory_space<semaphore_mem>> -> memref<!tpu.dma_semaphore, #tpu.memory_space<semaphore_mem>>
    tpu.enqueue_indirect_dma source(%dma_start3A_62 : memref<10240xf32, #tpu.memory_space<hbm>>) target(%dma_start3A_57 : memref<128xf32, #tpu.memory_space<vmem>>) offsets(%dma_start3A_60 : memref<128xi32, #tpu.memory_space<vmem>>) semaphore(%dma_start3A_64 : memref<!tpu.dma_semaphore, #tpu.memory_space<semaphore_mem>>)
    %dma_start3A_65 = arith.constant 1 : i32
    %dma_start3A_66 = arith.constant 1 : i32
    %dma_start3A_67 = arith.constant 1 : i32
    %dma_start3A_68 = arith.constant 0 : i32
    %dma_start3A_69 = tpu.memref_slice %arg10[%dma_start3A_66, %dma_start3A_68] : memref<4x128xf32, #tpu.memory_space<vmem>> -> memref<1x128xf32, #tpu.memory_space<vmem>>
    %dma_start3A_70 = tpu.memref_squeeze %dma_start3A_69 : memref<1x128xf32, #tpu.memory_space<vmem>> -> memref<128xf32, #tpu.memory_space<vmem>>
    %dma_start3A_71 = arith.constant 0 : i32
    %dma_start3A_72 = tpu.memref_slice %arg8[%dma_start3A_65, %dma_start3A_71] : memref<80x128xi32, #tpu.memory_space<vmem>> -> memref<1x128xi32, #tpu.memory_space<vmem>>
    %dma_start3A_73 = tpu.memref_squeeze %dma_start3A_72 : memref<1x128xi32, #tpu.memory_space<vmem>> -> memref<128xi32, #tpu.memory_space<vmem>>
    %dma_start3A_74 = arith.constant 0 : i32
    %dma_start3A_75 = tpu.memref_slice %arg2[%dma_start3A_74] : memref<10240xf32, #tpu.memory_space<hbm>> -> memref<10240xf32, #tpu.memory_space<hbm>>
    %dma_start3A_76 = tpu.memref_slice %arg15[%dma_start3A_67] : memref<4x!tpu.dma_semaphore, #tpu.memory_space<semaphore_mem>> -> memref<1x!tpu.dma_semaphore, #tpu.memory_space<semaphore_mem>>
    %dma_start3A_77 = tpu.memref_squeeze %dma_start3A_76 : memref<1x!tpu.dma_semaphore, #tpu.memory_space<semaphore_mem>> -> memref<!tpu.dma_semaphore, #tpu.memory_space<semaphore_mem>>
    tpu.enqueue_indirect_dma source(%dma_start3A_75 : memref<10240xf32, #tpu.memory_space<hbm>>) target(%dma_start3A_70 : memref<128xf32, #tpu.memory_space<vmem>>) offsets(%dma_start3A_73 : memref<128xi32, #tpu.memory_space<vmem>>) semaphore(%dma_start3A_77 : memref<!tpu.dma_semaphore, #tpu.memory_space<semaphore_mem>>)
    %dma_start3A_78 = arith.constant 1 : i32
    %dma_start3A_79 = arith.constant 1 : i32
    %dma_start3A_80 = arith.constant 1 : i32
    %dma_start3A_81 = arith.constant 0 : i32
    %dma_start3A_82 = tpu.memref_slice %arg11[%dma_start3A_79, %dma_start3A_81] : memref<4x128xf32, #tpu.memory_space<vmem>> -> memref<1x128xf32, #tpu.memory_space<vmem>>
    %dma_start3A_83 = tpu.memref_squeeze %dma_start3A_82 : memref<1x128xf32, #tpu.memory_space<vmem>> -> memref<128xf32, #tpu.memory_space<vmem>>
    %dma_start3A_84 = arith.constant 0 : i32
    %dma_start3A_85 = tpu.memref_slice %arg8[%dma_start3A_78, %dma_start3A_84] : memref<80x128xi32, #tpu.memory_space<vmem>> -> memref<1x128xi32, #tpu.memory_space<vmem>>
    %dma_start3A_86 = tpu.memref_squeeze %dma_start3A_85 : memref<1x128xi32, #tpu.memory_space<vmem>> -> memref<128xi32, #tpu.memory_space<vmem>>
    %dma_start3A_87 = arith.constant 0 : i32
    %dma_start3A_88 = tpu.memref_slice %arg3[%dma_start3A_87] : memref<10240xf32, #tpu.memory_space<hbm>> -> memref<10240xf32, #tpu.memory_space<hbm>>
    %dma_start3A_89 = tpu.memref_slice %arg16[%dma_start3A_80] : memref<4x!tpu.dma_semaphore, #tpu.memory_space<semaphore_mem>> -> memref<1x!tpu.dma_semaphore, #tpu.memory_space<semaphore_mem>>
    %dma_start3A_90 = tpu.memref_squeeze %dma_start3A_89 : memref<1x!tpu.dma_semaphore, #tpu.memory_space<semaphore_mem>> -> memref<!tpu.dma_semaphore, #tpu.memory_space<semaphore_mem>>
    tpu.enqueue_indirect_dma source(%dma_start3A_88 : memref<10240xf32, #tpu.memory_space<hbm>>) target(%dma_start3A_83 : memref<128xf32, #tpu.memory_space<vmem>>) offsets(%dma_start3A_86 : memref<128xi32, #tpu.memory_space<vmem>>) semaphore(%dma_start3A_90 : memref<!tpu.dma_semaphore, #tpu.memory_space<semaphore_mem>>)
    %dma_start3A_91 = arith.constant 2 : i32
    %dma_start3A_92 = arith.constant 2 : i32
    %dma_start3A_93 = arith.constant 2 : i32
    %dma_start3A_94 = arith.constant 0 : i32
    %dma_start3A_95 = tpu.memref_slice %arg10[%dma_start3A_92, %dma_start3A_94] : memref<4x128xf32, #tpu.memory_space<vmem>> -> memref<1x128xf32, #tpu.memory_space<vmem>>
    %dma_start3A_96 = tpu.memref_squeeze %dma_start3A_95 : memref<1x128xf32, #tpu.memory_space<vmem>> -> memref<128xf32, #tpu.memory_space<vmem>>
    %dma_start3A_97 = arith.constant 0 : i32
    %dma_start3A_98 = tpu.memref_slice %arg8[%dma_start3A_91, %dma_start3A_97] : memref<80x128xi32, #tpu.memory_space<vmem>> -> memref<1x128xi32, #tpu.memory_space<vmem>>
    %dma_start3A_99 = tpu.memref_squeeze %dma_start3A_98 : memref<1x128xi32, #tpu.memory_space<vmem>> -> memref<128xi32, #tpu.memory_space<vmem>>
    %dma_start3A_100 = arith.constant 0 : i32
    %dma_start3A_101 = tpu.memref_slice %arg2[%dma_start3A_100] : memref<10240xf32, #tpu.memory_space<hbm>> -> memref<10240xf32, #tpu.memory_space<hbm>>
    %dma_start3A_102 = tpu.memref_slice %arg15[%dma_start3A_93] : memref<4x!tpu.dma_semaphore, #tpu.memory_space<semaphore_mem>> -> memref<1x!tpu.dma_semaphore, #tpu.memory_space<semaphore_mem>>
    %dma_start3A_103 = tpu.memref_squeeze %dma_start3A_102 : memref<1x!tpu.dma_semaphore, #tpu.memory_space<semaphore_mem>> -> memref<!tpu.dma_semaphore, #tpu.memory_space<semaphore_mem>>
    tpu.enqueue_indirect_dma source(%dma_start3A_101 : memref<10240xf32, #tpu.memory_space<hbm>>) target(%dma_start3A_96 : memref<128xf32, #tpu.memory_space<vmem>>) offsets(%dma_start3A_99 : memref<128xi32, #tpu.memory_space<vmem>>) semaphore(%dma_start3A_103 : memref<!tpu.dma_semaphore, #tpu.memory_space<semaphore_mem>>)
    %dma_start3A_104 = arith.constant 2 : i32
    %dma_start3A_105 = arith.constant 2 : i32
    %dma_start3A_106 = arith.constant 2 : i32
    %dma_start3A_107 = arith.constant 0 : i32
    %dma_start3A_108 = tpu.memref_slice %arg11[%dma_start3A_105, %dma_start3A_107] : memref<4x128xf32, #tpu.memory_space<vmem>> -> memref<1x128xf32, #tpu.memory_space<vmem>>
    %dma_start3A_109 = tpu.memref_squeeze %dma_start3A_108 : memref<1x128xf32, #tpu.memory_space<vmem>> -> memref<128xf32, #tpu.memory_space<vmem>>
    %dma_start3A_110 = arith.constant 0 : i32
    %dma_start3A_111 = tpu.memref_slice %arg8[%dma_start3A_104, %dma_start3A_110] : memref<80x128xi32, #tpu.memory_space<vmem>> -> memref<1x128xi32, #tpu.memory_space<vmem>>
    %dma_start3A_112 = tpu.memref_squeeze %dma_start3A_111 : memref<1x128xi32, #tpu.memory_space<vmem>> -> memref<128xi32, #tpu.memory_space<vmem>>
    %dma_start3A_113 = arith.constant 0 : i32
    %dma_start3A_114 = tpu.memref_slice %arg3[%dma_start3A_113] : memref<10240xf32, #tpu.memory_space<hbm>> -> memref<10240xf32, #tpu.memory_space<hbm>>
    %dma_start3A_115 = tpu.memref_slice %arg16[%dma_start3A_106] : memref<4x!tpu.dma_semaphore, #tpu.memory_space<semaphore_mem>> -> memref<1x!tpu.dma_semaphore, #tpu.memory_space<semaphore_mem>>
    %dma_start3A_116 = tpu.memref_squeeze %dma_start3A_115 : memref<1x!tpu.dma_semaphore, #tpu.memory_space<semaphore_mem>> -> memref<!tpu.dma_semaphore, #tpu.memory_space<semaphore_mem>>
    tpu.enqueue_indirect_dma source(%dma_start3A_114 : memref<10240xf32, #tpu.memory_space<hbm>>) target(%dma_start3A_109 : memref<128xf32, #tpu.memory_space<vmem>>) offsets(%dma_start3A_112 : memref<128xi32, #tpu.memory_space<vmem>>) semaphore(%dma_start3A_116 : memref<!tpu.dma_semaphore, #tpu.memory_space<semaphore_mem>>)
    %dma_start3A_117 = arith.constant 3 : i32
    %dma_start3A_118 = arith.constant 3 : i32
    %dma_start3A_119 = arith.constant 3 : i32
    %dma_start3A_120 = arith.constant 0 : i32
    %dma_start3A_121 = tpu.memref_slice %arg10[%dma_start3A_118, %dma_start3A_120] : memref<4x128xf32, #tpu.memory_space<vmem>> -> memref<1x128xf32, #tpu.memory_space<vmem>>
    %dma_start3A_122 = tpu.memref_squeeze %dma_start3A_121 : memref<1x128xf32, #tpu.memory_space<vmem>> -> memref<128xf32, #tpu.memory_space<vmem>>
    %dma_start3A_123 = arith.constant 0 : i32
    %dma_start3A_124 = tpu.memref_slice %arg8[%dma_start3A_117, %dma_start3A_123] : memref<80x128xi32, #tpu.memory_space<vmem>> -> memref<1x128xi32, #tpu.memory_space<vmem>>
    %dma_start3A_125 = tpu.memref_squeeze %dma_start3A_124 : memref<1x128xi32, #tpu.memory_space<vmem>> -> memref<128xi32, #tpu.memory_space<vmem>>
    %dma_start3A_126 = arith.constant 0 : i32
    %dma_start3A_127 = tpu.memref_slice %arg2[%dma_start3A_126] : memref<10240xf32, #tpu.memory_space<hbm>> -> memref<10240xf32, #tpu.memory_space<hbm>>
    %dma_start3A_128 = tpu.memref_slice %arg15[%dma_start3A_119] : memref<4x!tpu.dma_semaphore, #tpu.memory_space<semaphore_mem>> -> memref<1x!tpu.dma_semaphore, #tpu.memory_space<semaphore_mem>>
    %dma_start3A_129 = tpu.memref_squeeze %dma_start3A_128 : memref<1x!tpu.dma_semaphore, #tpu.memory_space<semaphore_mem>> -> memref<!tpu.dma_semaphore, #tpu.memory_space<semaphore_mem>>
    tpu.enqueue_indirect_dma source(%dma_start3A_127 : memref<10240xf32, #tpu.memory_space<hbm>>) target(%dma_start3A_122 : memref<128xf32, #tpu.memory_space<vmem>>) offsets(%dma_start3A_125 : memref<128xi32, #tpu.memory_space<vmem>>) semaphore(%dma_start3A_129 : memref<!tpu.dma_semaphore, #tpu.memory_space<semaphore_mem>>)
    %dma_start3A_130 = arith.constant 3 : i32
    %dma_start3A_131 = arith.constant 3 : i32
    %dma_start3A_132 = arith.constant 3 : i32
    %dma_start3A_133 = arith.constant 0 : i32
    %dma_start3A_134 = tpu.memref_slice %arg11[%dma_start3A_131, %dma_start3A_133] : memref<4x128xf32, #tpu.memory_space<vmem>> -> memref<1x128xf32, #tpu.memory_space<vmem>>
    %dma_start3A_135 = tpu.memref_squeeze %dma_start3A_134 : memref<1x128xf32, #tpu.memory_space<vmem>> -> memref<128xf32, #tpu.memory_space<vmem>>
    %dma_start3A_136 = arith.constant 0 : i32
    %dma_start3A_137 = tpu.memref_slice %arg8[%dma_start3A_130, %dma_start3A_136] : memref<80x128xi32, #tpu.memory_space<vmem>> -> memref<1x128xi32, #tpu.memory_space<vmem>>
    %dma_start3A_138 = tpu.memref_squeeze %dma_start3A_137 : memref<1x128xi32, #tpu.memory_space<vmem>> -> memref<128xi32, #tpu.memory_space<vmem>>
    %dma_start3A_139 = arith.constant 0 : i32
    %dma_start3A_140 = tpu.memref_slice %arg3[%dma_start3A_139] : memref<10240xf32, #tpu.memory_space<hbm>> -> memref<10240xf32, #tpu.memory_space<hbm>>
    %dma_start3A_141 = tpu.memref_slice %arg16[%dma_start3A_132] : memref<4x!tpu.dma_semaphore, #tpu.memory_space<semaphore_mem>> -> memref<1x!tpu.dma_semaphore, #tpu.memory_space<semaphore_mem>>
    %dma_start3A_142 = tpu.memref_squeeze %dma_start3A_141 : memref<1x!tpu.dma_semaphore, #tpu.memory_space<semaphore_mem>> -> memref<!tpu.dma_semaphore, #tpu.memory_space<semaphore_mem>>
    tpu.enqueue_indirect_dma source(%dma_start3A_140 : memref<10240xf32, #tpu.memory_space<hbm>>) target(%dma_start3A_135 : memref<128xf32, #tpu.memory_space<vmem>>) offsets(%dma_start3A_138 : memref<128xi32, #tpu.memory_space<vmem>>) semaphore(%dma_start3A_142 : memref<!tpu.dma_semaphore, #tpu.memory_space<semaphore_mem>>)
    %scan3A_143 = arith.constant 0 : i32
    %scan3A_144 = arith.constant 20 : i32
    %scan3A_145 = arith.addi %scan3A_143, %scan3A_144 : i32
    %scan3A_146 = arith.constant 1 : i32
    scf.for %scan3A_158 = %scan3A_143 to %scan3A_145 step %scan3A_146  : i32 {
      %mul3A_159 = arith.constant 4 : i32
      %mul3A_160 = arith.muli %scan3A_158, %mul3A_159 : i32
      %add3A_161 = arith.constant 0 : i32
      %add3A_162 = arith.addi %add3A_161, %mul3A_160 : i32
      %add3A_163 = arith.constant 0 : i32
      %add3A_164 = arith.addi %add3A_162, %add3A_163 : i32
      %dma_wait3A_165 = arith.constant 0 : i32
      %dma_wait3A_166 = arith.constant 0 : i32
      %dma_wait3A_167 = arith.constant 0 : i32
      %dma_wait3A_168 = arith.constant 0 : i32
      %dma_wait3A_169 = tpu.memref_slice %arg10[%dma_wait3A_166, %dma_wait3A_168] : memref<4x128xf32, #tpu.memory_space<vmem>> -> memref<1x128xf32, #tpu.memory_space<vmem>>
      %dma_wait3A_170 = tpu.memref_squeeze %dma_wait3A_169 : memref<1x128xf32, #tpu.memory_space<vmem>> -> memref<128xf32, #tpu.memory_space<vmem>>
      %dma_wait3A_171 = arith.constant 0 : i32
      %dma_wait3A_172 = tpu.memref_slice %arg8[%dma_wait3A_165, %dma_wait3A_171] : memref<80x128xi32, #tpu.memory_space<vmem>> -> memref<1x128xi32, #tpu.memory_space<vmem>>
      %dma_wait3A_173 = tpu.memref_squeeze %dma_wait3A_172 : memref<1x128xi32, #tpu.memory_space<vmem>> -> memref<128xi32, #tpu.memory_space<vmem>>
      %dma_wait3A_174 = arith.constant 0 : i32
      %dma_wait3A_175 = tpu.memref_slice %arg2[%dma_wait3A_174] : memref<10240xf32, #tpu.memory_space<hbm>> -> memref<10240xf32, #tpu.memory_space<hbm>>
      %dma_wait3A_176 = tpu.memref_slice %arg15[%dma_wait3A_167] : memref<4x!tpu.dma_semaphore, #tpu.memory_space<semaphore_mem>> -> memref<1x!tpu.dma_semaphore, #tpu.memory_space<semaphore_mem>>
      %dma_wait3A_177 = tpu.memref_squeeze %dma_wait3A_176 : memref<1x!tpu.dma_semaphore, #tpu.memory_space<semaphore_mem>> -> memref<!tpu.dma_semaphore, #tpu.memory_space<semaphore_mem>>
      tpu.wait_indirect_dma semaphore(%dma_wait3A_177 : memref<!tpu.dma_semaphore, #tpu.memory_space<semaphore_mem>>) src(%dma_wait3A_175 : memref<10240xf32, #tpu.memory_space<hbm>>) dst(%dma_wait3A_170 : memref<128xf32, #tpu.memory_space<vmem>>)
      %dma_wait3A_178 = arith.constant 0 : i32
      %dma_wait3A_179 = arith.constant 0 : i32
      %dma_wait3A_180 = arith.constant 0 : i32
      %dma_wait3A_181 = arith.constant 0 : i32
      %dma_wait3A_182 = tpu.memref_slice %arg11[%dma_wait3A_179, %dma_wait3A_181] : memref<4x128xf32, #tpu.memory_space<vmem>> -> memref<1x128xf32, #tpu.memory_space<vmem>>
      %dma_wait3A_183 = tpu.memref_squeeze %dma_wait3A_182 : memref<1x128xf32, #tpu.memory_space<vmem>> -> memref<128xf32, #tpu.memory_space<vmem>>
      %dma_wait3A_184 = arith.constant 0 : i32
      %dma_wait3A_185 = tpu.memref_slice %arg8[%dma_wait3A_178, %dma_wait3A_184] : memref<80x128xi32, #tpu.memory_space<vmem>> -> memref<1x128xi32, #tpu.memory_space<vmem>>
      %dma_wait3A_186 = tpu.memref_squeeze %dma_wait3A_185 : memref<1x128xi32, #tpu.memory_space<vmem>> -> memref<128xi32, #tpu.memory_space<vmem>>
      %dma_wait3A_187 = arith.constant 0 : i32
      %dma_wait3A_188 = tpu.memref_slice %arg3[%dma_wait3A_187] : memref<10240xf32, #tpu.memory_space<hbm>> -> memref<10240xf32, #tpu.memory_space<hbm>>
      %dma_wait3A_189 = tpu.memref_slice %arg16[%dma_wait3A_180] : memref<4x!tpu.dma_semaphore, #tpu.memory_space<semaphore_mem>> -> memref<1x!tpu.dma_semaphore, #tpu.memory_space<semaphore_mem>>
      %dma_wait3A_190 = tpu.memref_squeeze %dma_wait3A_189 : memref<1x!tpu.dma_semaphore, #tpu.memory_space<semaphore_mem>> -> memref<!tpu.dma_semaphore, #tpu.memory_space<semaphore_mem>>
      tpu.wait_indirect_dma semaphore(%dma_wait3A_190 : memref<!tpu.dma_semaphore, #tpu.memory_space<semaphore_mem>>) src(%dma_wait3A_188 : memref<10240xf32, #tpu.memory_space<hbm>>) dst(%dma_wait3A_183 : memref<128xf32, #tpu.memory_space<vmem>>)
      %run_scoped3A_191 = arith.constant 0 : i32
      "tpu.region"() ({
        %run_scoped3A_308 = tpu.sem_alloc : memref<!tpu.dma_semaphore, #tpu.memory_space<semaphore_mem>>
        %dma_start3A_309 = arith.constant 0 : i32
        %dma_start3A_310 = tpu.memref_slice %arg10[%run_scoped3A_191, %dma_start3A_309] : memref<4x128xf32, #tpu.memory_space<vmem>> -> memref<1x128xf32, #tpu.memory_space<vmem>>
        %dma_start3A_311 = tpu.memref_squeeze %dma_start3A_310 : memref<1x128xf32, #tpu.memory_space<vmem>> -> memref<128xf32, #tpu.memory_space<vmem>>
        %dma_start3A_312 = arith.constant 0 : i32
        %dma_start3A_313 = tpu.memref_slice %arg9[%add3A_164, %dma_start3A_312] : memref<80x128xi32, #tpu.memory_space<vmem>> -> memref<1x128xi32, #tpu.memory_space<vmem>>
        %dma_start3A_314 = tpu.memref_squeeze %dma_start3A_313 : memref<1x128xi32, #tpu.memory_space<vmem>> -> memref<128xi32, #tpu.memory_space<vmem>>
        %dma_start3A_315 = arith.constant 0 : i32
        %dma_start3A_316 = tpu.memref_slice %arg13[%dma_start3A_315] : memref<10240xf32, #tpu.memory_space<vmem_shared>> -> memref<10240xf32, #tpu.memory_space<vmem_shared>>
        tpu.enqueue_indirect_dma source(%dma_start3A_311 : memref<128xf32, #tpu.memory_space<vmem>>) target(%dma_start3A_316 : memref<10240xf32, #tpu.memory_space<vmem_shared>>) offsets(%dma_start3A_314 : memref<128xi32, #tpu.memory_space<vmem>>) semaphore(%run_scoped3A_308 : memref<!tpu.dma_semaphore, #tpu.memory_space<semaphore_mem>>) {add = true}
        %dma_wait3A_317 = arith.constant 0 : i32
        %dma_wait3A_318 = tpu.memref_slice %arg10[%run_scoped3A_191, %dma_wait3A_317] : memref<4x128xf32, #tpu.memory_space<vmem>> -> memref<1x128xf32, #tpu.memory_space<vmem>>
        %dma_wait3A_319 = tpu.memref_squeeze %dma_wait3A_318 : memref<1x128xf32, #tpu.memory_space<vmem>> -> memref<128xf32, #tpu.memory_space<vmem>>
        %dma_wait3A_320 = arith.constant 0 : i32
        %dma_wait3A_321 = tpu.memref_slice %arg9[%add3A_164, %dma_wait3A_320] : memref<80x128xi32, #tpu.memory_space<vmem>> -> memref<1x128xi32, #tpu.memory_space<vmem>>
        %dma_wait3A_322 = tpu.memref_squeeze %dma_wait3A_321 : memref<1x128xi32, #tpu.memory_space<vmem>> -> memref<128xi32, #tpu.memory_space<vmem>>
        %dma_wait3A_323 = arith.constant 0 : i32
        %dma_wait3A_324 = tpu.memref_slice %arg13[%dma_wait3A_323] : memref<10240xf32, #tpu.memory_space<vmem_shared>> -> memref<10240xf32, #tpu.memory_space<vmem_shared>>
        tpu.wait_indirect_dma semaphore(%run_scoped3A_308 : memref<!tpu.dma_semaphore, #tpu.memory_space<semaphore_mem>>) src(%dma_wait3A_319 : memref<128xf32, #tpu.memory_space<vmem>>) dst(%dma_wait3A_324 : memref<10240xf32, #tpu.memory_space<vmem_shared>>)
        tpu.yield
      }) : () -> ()
      %run_scoped3A_192 = arith.constant 0 : i32
      "tpu.region"() ({
        %run_scoped3A_308 = tpu.sem_alloc : memref<!tpu.dma_semaphore, #tpu.memory_space<semaphore_mem>>
        %dma_start3A_309 = arith.constant 0 : i32
        %dma_start3A_310 = tpu.memref_slice %arg11[%run_scoped3A_192, %dma_start3A_309] : memref<4x128xf32, #tpu.memory_space<vmem>> -> memref<1x128xf32, #tpu.memory_space<vmem>>
        %dma_start3A_311 = tpu.memref_squeeze %dma_start3A_310 : memref<1x128xf32, #tpu.memory_space<vmem>> -> memref<128xf32, #tpu.memory_space<vmem>>
        %dma_start3A_312 = arith.constant 0 : i32
        %dma_start3A_313 = tpu.memref_slice %arg9[%add3A_164, %dma_start3A_312] : memref<80x128xi32, #tpu.memory_space<vmem>> -> memref<1x128xi32, #tpu.memory_space<vmem>>
        %dma_start3A_314 = tpu.memref_squeeze %dma_start3A_313 : memref<1x128xi32, #tpu.memory_space<vmem>> -> memref<128xi32, #tpu.memory_space<vmem>>
        %dma_start3A_315 = arith.constant 0 : i32
        %dma_start3A_316 = tpu.memref_slice %arg14[%dma_start3A_315] : memref<10240xf32, #tpu.memory_space<vmem_shared>> -> memref<10240xf32, #tpu.memory_space<vmem_shared>>
        tpu.enqueue_indirect_dma source(%dma_start3A_311 : memref<128xf32, #tpu.memory_space<vmem>>) target(%dma_start3A_316 : memref<10240xf32, #tpu.memory_space<vmem_shared>>) offsets(%dma_start3A_314 : memref<128xi32, #tpu.memory_space<vmem>>) semaphore(%run_scoped3A_308 : memref<!tpu.dma_semaphore, #tpu.memory_space<semaphore_mem>>) {add = true}
        %dma_wait3A_317 = arith.constant 0 : i32
        %dma_wait3A_318 = tpu.memref_slice %arg11[%run_scoped3A_192, %dma_wait3A_317] : memref<4x128xf32, #tpu.memory_space<vmem>> -> memref<1x128xf32, #tpu.memory_space<vmem>>
        %dma_wait3A_319 = tpu.memref_squeeze %dma_wait3A_318 : memref<1x128xf32, #tpu.memory_space<vmem>> -> memref<128xf32, #tpu.memory_space<vmem>>
        %dma_wait3A_320 = arith.constant 0 : i32
        %dma_wait3A_321 = tpu.memref_slice %arg9[%add3A_164, %dma_wait3A_320] : memref<80x128xi32, #tpu.memory_space<vmem>> -> memref<1x128xi32, #tpu.memory_space<vmem>>
        %dma_wait3A_322 = tpu.memref_squeeze %dma_wait3A_321 : memref<1x128xi32, #tpu.memory_space<vmem>> -> memref<128xi32, #tpu.memory_space<vmem>>
        %dma_wait3A_323 = arith.constant 0 : i32
        %dma_wait3A_324 = tpu.memref_slice %arg14[%dma_wait3A_323] : memref<10240xf32, #tpu.memory_space<vmem_shared>> -> memref<10240xf32, #tpu.memory_space<vmem_shared>>
        tpu.wait_indirect_dma semaphore(%run_scoped3A_308 : memref<!tpu.dma_semaphore, #tpu.memory_space<semaphore_mem>>) src(%dma_wait3A_319 : memref<128xf32, #tpu.memory_space<vmem>>) dst(%dma_wait3A_324 : memref<10240xf32, #tpu.memory_space<vmem_shared>>)
        tpu.yield
      }) : () -> ()
      %add3A_193 = arith.constant 4 : i32
      %add3A_194 = arith.addi %add3A_164, %add3A_193 : i32
      %lt3A = arith.constant 80 : i32
      %lt3A_195 = arith.cmpi slt, %add3A_194, %lt3A : i32
      %convert_element_type3A = arith.extui %lt3A_195 : i1 to i32
      %cond3A = arith.constant 0 : i32
      %cond3A_196 = arith.cmpi ne, %convert_element_type3A, %cond3A : i32
      scf.if %cond3A_196 {
        %add3A_308 = arith.constant 4 : i32
        %add3A_309 = arith.addi %add3A_164, %add3A_308 : i32
        %dma_start3A_310 = arith.constant 0 : i32
        %dma_start3A_311 = arith.constant 0 : i32
        %dma_start3A_312 = arith.constant 0 : i32
        %dma_start3A_313 = tpu.memref_slice %arg10[%dma_start3A_310, %dma_start3A_312] : memref<4x128xf32, #tpu.memory_space<vmem>> -> memref<1x128xf32, #tpu.memory_space<vmem>>
        %dma_start3A_314 = tpu.memref_squeeze %dma_start3A_313 : memref<1x128xf32, #tpu.memory_space<vmem>> -> memref<128xf32, #tpu.memory_space<vmem>>
        %dma_start3A_315 = arith.constant 0 : i32
        %dma_start3A_316 = tpu.memref_slice %arg8[%add3A_309, %dma_start3A_315] : memref<80x128xi32, #tpu.memory_space<vmem>> -> memref<1x128xi32, #tpu.memory_space<vmem>>
        %dma_start3A_317 = tpu.memref_squeeze %dma_start3A_316 : memref<1x128xi32, #tpu.memory_space<vmem>> -> memref<128xi32, #tpu.memory_space<vmem>>
        %dma_start3A_318 = arith.constant 0 : i32
        %dma_start3A_319 = tpu.memref_slice %arg2[%dma_start3A_318] : memref<10240xf32, #tpu.memory_space<hbm>> -> memref<10240xf32, #tpu.memory_space<hbm>>
        %dma_start3A_320 = tpu.memref_slice %arg15[%dma_start3A_311] : memref<4x!tpu.dma_semaphore, #tpu.memory_space<semaphore_mem>> -> memref<1x!tpu.dma_semaphore, #tpu.memory_space<semaphore_mem>>
        %dma_start3A_321 = tpu.memref_squeeze %dma_start3A_320 : memref<1x!tpu.dma_semaphore, #tpu.memory_space<semaphore_mem>> -> memref<!tpu.dma_semaphore, #tpu.memory_space<semaphore_mem>>
        tpu.enqueue_indirect_dma source(%dma_start3A_319 : memref<10240xf32, #tpu.memory_space<hbm>>) target(%dma_start3A_314 : memref<128xf32, #tpu.memory_space<vmem>>) offsets(%dma_start3A_317 : memref<128xi32, #tpu.memory_space<vmem>>) semaphore(%dma_start3A_321 : memref<!tpu.dma_semaphore, #tpu.memory_space<semaphore_mem>>)
        %add3A_322 = arith.constant 4 : i32
        %add3A_323 = arith.addi %add3A_164, %add3A_322 : i32
        %dma_start3A_324 = arith.constant 0 : i32
        %dma_start3A_325 = arith.constant 0 : i32
        %dma_start3A_326 = arith.constant 0 : i32
        %dma_start3A_327 = tpu.memref_slice %arg11[%dma_start3A_324, %dma_start3A_326] : memref<4x128xf32, #tpu.memory_space<vmem>> -> memref<1x128xf32, #tpu.memory_space<vmem>>
        %dma_start3A_328 = tpu.memref_squeeze %dma_start3A_327 : memref<1x128xf32, #tpu.memory_space<vmem>> -> memref<128xf32, #tpu.memory_space<vmem>>
        %dma_start3A_329 = arith.constant 0 : i32
        %dma_start3A_330 = tpu.memref_slice %arg8[%add3A_323, %dma_start3A_329] : memref<80x128xi32, #tpu.memory_space<vmem>> -> memref<1x128xi32, #tpu.memory_space<vmem>>
        %dma_start3A_331 = tpu.memref_squeeze %dma_start3A_330 : memref<1x128xi32, #tpu.memory_space<vmem>> -> memref<128xi32, #tpu.memory_space<vmem>>
        %dma_start3A_332 = arith.constant 0 : i32
        %dma_start3A_333 = tpu.memref_slice %arg3[%dma_start3A_332] : memref<10240xf32, #tpu.memory_space<hbm>> -> memref<10240xf32, #tpu.memory_space<hbm>>
        %dma_start3A_334 = tpu.memref_slice %arg16[%dma_start3A_325] : memref<4x!tpu.dma_semaphore, #tpu.memory_space<semaphore_mem>> -> memref<1x!tpu.dma_semaphore, #tpu.memory_space<semaphore_mem>>
        %dma_start3A_335 = tpu.memref_squeeze %dma_start3A_334 : memref<1x!tpu.dma_semaphore, #tpu.memory_space<semaphore_mem>> -> memref<!tpu.dma_semaphore, #tpu.memory_space<semaphore_mem>>
        tpu.enqueue_indirect_dma source(%dma_start3A_333 : memref<10240xf32, #tpu.memory_space<hbm>>) target(%dma_start3A_328 : memref<128xf32, #tpu.memory_space<vmem>>) offsets(%dma_start3A_331 : memref<128xi32, #tpu.memory_space<vmem>>) semaphore(%dma_start3A_335 : memref<!tpu.dma_semaphore, #tpu.memory_space<semaphore_mem>>)
      } else {
      }
      %add3A_197 = arith.constant 1 : i32
      %add3A_198 = arith.addi %add3A_162, %add3A_197 : i32
      %dma_wait3A_199 = arith.constant 1 : i32
      %dma_wait3A_200 = arith.constant 1 : i32
      %dma_wait3A_201 = arith.constant 1 : i32
      %dma_wait3A_202 = arith.constant 0 : i32
      %dma_wait3A_203 = tpu.memref_slice %arg10[%dma_wait3A_200, %dma_wait3A_202] : memref<4x128xf32, #tpu.memory_space<vmem>> -> memref<1x128xf32, #tpu.memory_space<vmem>>
      %dma_wait3A_204 = tpu.memref_squeeze %dma_wait3A_203 : memref<1x128xf32, #tpu.memory_space<vmem>> -> memref<128xf32, #tpu.memory_space<vmem>>
      %dma_wait3A_205 = arith.constant 0 : i32
      %dma_wait3A_206 = tpu.memref_slice %arg8[%dma_wait3A_199, %dma_wait3A_205] : memref<80x128xi32, #tpu.memory_space<vmem>> -> memref<1x128xi32, #tpu.memory_space<vmem>>
      %dma_wait3A_207 = tpu.memref_squeeze %dma_wait3A_206 : memref<1x128xi32, #tpu.memory_space<vmem>> -> memref<128xi32, #tpu.memory_space<vmem>>
      %dma_wait3A_208 = arith.constant 0 : i32
      %dma_wait3A_209 = tpu.memref_slice %arg2[%dma_wait3A_208] : memref<10240xf32, #tpu.memory_space<hbm>> -> memref<10240xf32, #tpu.memory_space<hbm>>
      %dma_wait3A_210 = tpu.memref_slice %arg15[%dma_wait3A_201] : memref<4x!tpu.dma_semaphore, #tpu.memory_space<semaphore_mem>> -> memref<1x!tpu.dma_semaphore, #tpu.memory_space<semaphore_mem>>
      %dma_wait3A_211 = tpu.memref_squeeze %dma_wait3A_210 : memref<1x!tpu.dma_semaphore, #tpu.memory_space<semaphore_mem>> -> memref<!tpu.dma_semaphore, #tpu.memory_space<semaphore_mem>>
      tpu.wait_indirect_dma semaphore(%dma_wait3A_211 : memref<!tpu.dma_semaphore, #tpu.memory_space<semaphore_mem>>) src(%dma_wait3A_209 : memref<10240xf32, #tpu.memory_space<hbm>>) dst(%dma_wait3A_204 : memref<128xf32, #tpu.memory_space<vmem>>)
      %dma_wait3A_212 = arith.constant 1 : i32
      %dma_wait3A_213 = arith.constant 1 : i32
      %dma_wait3A_214 = arith.constant 1 : i32
      %dma_wait3A_215 = arith.constant 0 : i32
      %dma_wait3A_216 = tpu.memref_slice %arg11[%dma_wait3A_213, %dma_wait3A_215] : memref<4x128xf32, #tpu.memory_space<vmem>> -> memref<1x128xf32, #tpu.memory_space<vmem>>
      %dma_wait3A_217 = tpu.memref_squeeze %dma_wait3A_216 : memref<1x128xf32, #tpu.memory_space<vmem>> -> memref<128xf32, #tpu.memory_space<vmem>>
      %dma_wait3A_218 = arith.constant 0 : i32
      %dma_wait3A_219 = tpu.memref_slice %arg8[%dma_wait3A_212, %dma_wait3A_218] : memref<80x128xi32, #tpu.memory_space<vmem>> -> memref<1x128xi32, #tpu.memory_space<vmem>>
      %dma_wait3A_220 = tpu.memref_squeeze %dma_wait3A_219 : memref<1x128xi32, #tpu.memory_space<vmem>> -> memref<128xi32, #tpu.memory_space<vmem>>
      %dma_wait3A_221 = arith.constant 0 : i32
      %dma_wait3A_222 = tpu.memref_slice %arg3[%dma_wait3A_221] : memref<10240xf32, #tpu.memory_space<hbm>> -> memref<10240xf32, #tpu.memory_space<hbm>>
      %dma_wait3A_223 = tpu.memref_slice %arg16[%dma_wait3A_214] : memref<4x!tpu.dma_semaphore, #tpu.memory_space<semaphore_mem>> -> memref<1x!tpu.dma_semaphore, #tpu.memory_space<semaphore_mem>>
      %dma_wait3A_224 = tpu.memref_squeeze %dma_wait3A_223 : memref<1x!tpu.dma_semaphore, #tpu.memory_space<semaphore_mem>> -> memref<!tpu.dma_semaphore, #tpu.memory_space<semaphore_mem>>
      tpu.wait_indirect_dma semaphore(%dma_wait3A_224 : memref<!tpu.dma_semaphore, #tpu.memory_space<semaphore_mem>>) src(%dma_wait3A_222 : memref<10240xf32, #tpu.memory_space<hbm>>) dst(%dma_wait3A_217 : memref<128xf32, #tpu.memory_space<vmem>>)
      %run_scoped3A_225 = arith.constant 1 : i32
      "tpu.region"() ({
        %run_scoped3A_308 = tpu.sem_alloc : memref<!tpu.dma_semaphore, #tpu.memory_space<semaphore_mem>>
        %dma_start3A_309 = arith.constant 0 : i32
        %dma_start3A_310 = tpu.memref_slice %arg10[%run_scoped3A_225, %dma_start3A_309] : memref<4x128xf32, #tpu.memory_space<vmem>> -> memref<1x128xf32, #tpu.memory_space<vmem>>
        %dma_start3A_311 = tpu.memref_squeeze %dma_start3A_310 : memref<1x128xf32, #tpu.memory_space<vmem>> -> memref<128xf32, #tpu.memory_space<vmem>>
        %dma_start3A_312 = arith.constant 0 : i32
        %dma_start3A_313 = tpu.memref_slice %arg9[%add3A_198, %dma_start3A_312] : memref<80x128xi32, #tpu.memory_space<vmem>> -> memref<1x128xi32, #tpu.memory_space<vmem>>
        %dma_start3A_314 = tpu.memref_squeeze %dma_start3A_313 : memref<1x128xi32, #tpu.memory_space<vmem>> -> memref<128xi32, #tpu.memory_space<vmem>>
        %dma_start3A_315 = arith.constant 0 : i32
        %dma_start3A_316 = tpu.memref_slice %arg13[%dma_start3A_315] : memref<10240xf32, #tpu.memory_space<vmem_shared>> -> memref<10240xf32, #tpu.memory_space<vmem_shared>>
        tpu.enqueue_indirect_dma source(%dma_start3A_311 : memref<128xf32, #tpu.memory_space<vmem>>) target(%dma_start3A_316 : memref<10240xf32, #tpu.memory_space<vmem_shared>>) offsets(%dma_start3A_314 : memref<128xi32, #tpu.memory_space<vmem>>) semaphore(%run_scoped3A_308 : memref<!tpu.dma_semaphore, #tpu.memory_space<semaphore_mem>>) {add = true}
        %dma_wait3A_317 = arith.constant 0 : i32
        %dma_wait3A_318 = tpu.memref_slice %arg10[%run_scoped3A_225, %dma_wait3A_317] : memref<4x128xf32, #tpu.memory_space<vmem>> -> memref<1x128xf32, #tpu.memory_space<vmem>>
        %dma_wait3A_319 = tpu.memref_squeeze %dma_wait3A_318 : memref<1x128xf32, #tpu.memory_space<vmem>> -> memref<128xf32, #tpu.memory_space<vmem>>
        %dma_wait3A_320 = arith.constant 0 : i32
        %dma_wait3A_321 = tpu.memref_slice %arg9[%add3A_198, %dma_wait3A_320] : memref<80x128xi32, #tpu.memory_space<vmem>> -> memref<1x128xi32, #tpu.memory_space<vmem>>
        %dma_wait3A_322 = tpu.memref_squeeze %dma_wait3A_321 : memref<1x128xi32, #tpu.memory_space<vmem>> -> memref<128xi32, #tpu.memory_space<vmem>>
        %dma_wait3A_323 = arith.constant 0 : i32
        %dma_wait3A_324 = tpu.memref_slice %arg13[%dma_wait3A_323] : memref<10240xf32, #tpu.memory_space<vmem_shared>> -> memref<10240xf32, #tpu.memory_space<vmem_shared>>
        tpu.wait_indirect_dma semaphore(%run_scoped3A_308 : memref<!tpu.dma_semaphore, #tpu.memory_space<semaphore_mem>>) src(%dma_wait3A_319 : memref<128xf32, #tpu.memory_space<vmem>>) dst(%dma_wait3A_324 : memref<10240xf32, #tpu.memory_space<vmem_shared>>)
        tpu.yield
      }) : () -> ()
      %run_scoped3A_226 = arith.constant 1 : i32
      "tpu.region"() ({
        %run_scoped3A_308 = tpu.sem_alloc : memref<!tpu.dma_semaphore, #tpu.memory_space<semaphore_mem>>
        %dma_start3A_309 = arith.constant 0 : i32
        %dma_start3A_310 = tpu.memref_slice %arg11[%run_scoped3A_226, %dma_start3A_309] : memref<4x128xf32, #tpu.memory_space<vmem>> -> memref<1x128xf32, #tpu.memory_space<vmem>>
        %dma_start3A_311 = tpu.memref_squeeze %dma_start3A_310 : memref<1x128xf32, #tpu.memory_space<vmem>> -> memref<128xf32, #tpu.memory_space<vmem>>
        %dma_start3A_312 = arith.constant 0 : i32
        %dma_start3A_313 = tpu.memref_slice %arg9[%add3A_198, %dma_start3A_312] : memref<80x128xi32, #tpu.memory_space<vmem>> -> memref<1x128xi32, #tpu.memory_space<vmem>>
        %dma_start3A_314 = tpu.memref_squeeze %dma_start3A_313 : memref<1x128xi32, #tpu.memory_space<vmem>> -> memref<128xi32, #tpu.memory_space<vmem>>
        %dma_start3A_315 = arith.constant 0 : i32
        %dma_start3A_316 = tpu.memref_slice %arg14[%dma_start3A_315] : memref<10240xf32, #tpu.memory_space<vmem_shared>> -> memref<10240xf32, #tpu.memory_space<vmem_shared>>
        tpu.enqueue_indirect_dma source(%dma_start3A_311 : memref<128xf32, #tpu.memory_space<vmem>>) target(%dma_start3A_316 : memref<10240xf32, #tpu.memory_space<vmem_shared>>) offsets(%dma_start3A_314 : memref<128xi32, #tpu.memory_space<vmem>>) semaphore(%run_scoped3A_308 : memref<!tpu.dma_semaphore, #tpu.memory_space<semaphore_mem>>) {add = true}
        %dma_wait3A_317 = arith.constant 0 : i32
        %dma_wait3A_318 = tpu.memref_slice %arg11[%run_scoped3A_226, %dma_wait3A_317] : memref<4x128xf32, #tpu.memory_space<vmem>> -> memref<1x128xf32, #tpu.memory_space<vmem>>
        %dma_wait3A_319 = tpu.memref_squeeze %dma_wait3A_318 : memref<1x128xf32, #tpu.memory_space<vmem>> -> memref<128xf32, #tpu.memory_space<vmem>>
        %dma_wait3A_320 = arith.constant 0 : i32
        %dma_wait3A_321 = tpu.memref_slice %arg9[%add3A_198, %dma_wait3A_320] : memref<80x128xi32, #tpu.memory_space<vmem>> -> memref<1x128xi32, #tpu.memory_space<vmem>>
        %dma_wait3A_322 = tpu.memref_squeeze %dma_wait3A_321 : memref<1x128xi32, #tpu.memory_space<vmem>> -> memref<128xi32, #tpu.memory_space<vmem>>
        %dma_wait3A_323 = arith.constant 0 : i32
        %dma_wait3A_324 = tpu.memref_slice %arg14[%dma_wait3A_323] : memref<10240xf32, #tpu.memory_space<vmem_shared>> -> memref<10240xf32, #tpu.memory_space<vmem_shared>>
        tpu.wait_indirect_dma semaphore(%run_scoped3A_308 : memref<!tpu.dma_semaphore, #tpu.memory_space<semaphore_mem>>) src(%dma_wait3A_319 : memref<128xf32, #tpu.memory_space<vmem>>) dst(%dma_wait3A_324 : memref<10240xf32, #tpu.memory_space<vmem_shared>>)
        tpu.yield
      }) : () -> ()
      %add3A_227 = arith.constant 4 : i32
      %add3A_228 = arith.addi %add3A_198, %add3A_227 : i32
      %lt3A_229 = arith.constant 80 : i32
      %lt3A_230 = arith.cmpi slt, %add3A_228, %lt3A_229 : i32
      %convert_element_type3A_231 = arith.extui %lt3A_230 : i1 to i32
      %cond3A_232 = arith.constant 0 : i32
      %cond3A_233 = arith.cmpi ne, %convert_element_type3A_231, %cond3A_232 : i32
      scf.if %cond3A_233 {
        %add3A_308 = arith.constant 4 : i32
        %add3A_309 = arith.addi %add3A_198, %add3A_308 : i32
        %dma_start3A_310 = arith.constant 1 : i32
        %dma_start3A_311 = arith.constant 1 : i32
        %dma_start3A_312 = arith.constant 0 : i32
        %dma_start3A_313 = tpu.memref_slice %arg10[%dma_start3A_310, %dma_start3A_312] : memref<4x128xf32, #tpu.memory_space<vmem>> -> memref<1x128xf32, #tpu.memory_space<vmem>>
        %dma_start3A_314 = tpu.memref_squeeze %dma_start3A_313 : memref<1x128xf32, #tpu.memory_space<vmem>> -> memref<128xf32, #tpu.memory_space<vmem>>
        %dma_start3A_315 = arith.constant 0 : i32
        %dma_start3A_316 = tpu.memref_slice %arg8[%add3A_309, %dma_start3A_315] : memref<80x128xi32, #tpu.memory_space<vmem>> -> memref<1x128xi32, #tpu.memory_space<vmem>>
        %dma_start3A_317 = tpu.memref_squeeze %dma_start3A_316 : memref<1x128xi32, #tpu.memory_space<vmem>> -> memref<128xi32, #tpu.memory_space<vmem>>
        %dma_start3A_318 = arith.constant 0 : i32
        %dma_start3A_319 = tpu.memref_slice %arg2[%dma_start3A_318] : memref<10240xf32, #tpu.memory_space<hbm>> -> memref<10240xf32, #tpu.memory_space<hbm>>
        %dma_start3A_320 = tpu.memref_slice %arg15[%dma_start3A_311] : memref<4x!tpu.dma_semaphore, #tpu.memory_space<semaphore_mem>> -> memref<1x!tpu.dma_semaphore, #tpu.memory_space<semaphore_mem>>
        %dma_start3A_321 = tpu.memref_squeeze %dma_start3A_320 : memref<1x!tpu.dma_semaphore, #tpu.memory_space<semaphore_mem>> -> memref<!tpu.dma_semaphore, #tpu.memory_space<semaphore_mem>>
        tpu.enqueue_indirect_dma source(%dma_start3A_319 : memref<10240xf32, #tpu.memory_space<hbm>>) target(%dma_start3A_314 : memref<128xf32, #tpu.memory_space<vmem>>) offsets(%dma_start3A_317 : memref<128xi32, #tpu.memory_space<vmem>>) semaphore(%dma_start3A_321 : memref<!tpu.dma_semaphore, #tpu.memory_space<semaphore_mem>>)
        %add3A_322 = arith.constant 4 : i32
        %add3A_323 = arith.addi %add3A_198, %add3A_322 : i32
        %dma_start3A_324 = arith.constant 1 : i32
        %dma_start3A_325 = arith.constant 1 : i32
        %dma_start3A_326 = arith.constant 0 : i32
        %dma_start3A_327 = tpu.memref_slice %arg11[%dma_start3A_324, %dma_start3A_326] : memref<4x128xf32, #tpu.memory_space<vmem>> -> memref<1x128xf32, #tpu.memory_space<vmem>>
        %dma_start3A_328 = tpu.memref_squeeze %dma_start3A_327 : memref<1x128xf32, #tpu.memory_space<vmem>> -> memref<128xf32, #tpu.memory_space<vmem>>
        %dma_start3A_329 = arith.constant 0 : i32
        %dma_start3A_330 = tpu.memref_slice %arg8[%add3A_323, %dma_start3A_329] : memref<80x128xi32, #tpu.memory_space<vmem>> -> memref<1x128xi32, #tpu.memory_space<vmem>>
        %dma_start3A_331 = tpu.memref_squeeze %dma_start3A_330 : memref<1x128xi32, #tpu.memory_space<vmem>> -> memref<128xi32, #tpu.memory_space<vmem>>
        %dma_start3A_332 = arith.constant 0 : i32
        %dma_start3A_333 = tpu.memref_slice %arg3[%dma_start3A_332] : memref<10240xf32, #tpu.memory_space<hbm>> -> memref<10240xf32, #tpu.memory_space<hbm>>
        %dma_start3A_334 = tpu.memref_slice %arg16[%dma_start3A_325] : memref<4x!tpu.dma_semaphore, #tpu.memory_space<semaphore_mem>> -> memref<1x!tpu.dma_semaphore, #tpu.memory_space<semaphore_mem>>
        %dma_start3A_335 = tpu.memref_squeeze %dma_start3A_334 : memref<1x!tpu.dma_semaphore, #tpu.memory_space<semaphore_mem>> -> memref<!tpu.dma_semaphore, #tpu.memory_space<semaphore_mem>>
        tpu.enqueue_indirect_dma source(%dma_start3A_333 : memref<10240xf32, #tpu.memory_space<hbm>>) target(%dma_start3A_328 : memref<128xf32, #tpu.memory_space<vmem>>) offsets(%dma_start3A_331 : memref<128xi32, #tpu.memory_space<vmem>>) semaphore(%dma_start3A_335 : memref<!tpu.dma_semaphore, #tpu.memory_space<semaphore_mem>>)
      } else {
      }
      %add3A_234 = arith.constant 2 : i32
      %add3A_235 = arith.addi %add3A_162, %add3A_234 : i32
      %dma_wait3A_236 = arith.constant 2 : i32
      %dma_wait3A_237 = arith.constant 2 : i32
      %dma_wait3A_238 = arith.constant 2 : i32
      %dma_wait3A_239 = arith.constant 0 : i32
      %dma_wait3A_240 = tpu.memref_slice %arg10[%dma_wait3A_237, %dma_wait3A_239] : memref<4x128xf32, #tpu.memory_space<vmem>> -> memref<1x128xf32, #tpu.memory_space<vmem>>
      %dma_wait3A_241 = tpu.memref_squeeze %dma_wait3A_240 : memref<1x128xf32, #tpu.memory_space<vmem>> -> memref<128xf32, #tpu.memory_space<vmem>>
      %dma_wait3A_242 = arith.constant 0 : i32
      %dma_wait3A_243 = tpu.memref_slice %arg8[%dma_wait3A_236, %dma_wait3A_242] : memref<80x128xi32, #tpu.memory_space<vmem>> -> memref<1x128xi32, #tpu.memory_space<vmem>>
      %dma_wait3A_244 = tpu.memref_squeeze %dma_wait3A_243 : memref<1x128xi32, #tpu.memory_space<vmem>> -> memref<128xi32, #tpu.memory_space<vmem>>
      %dma_wait3A_245 = arith.constant 0 : i32
      %dma_wait3A_246 = tpu.memref_slice %arg2[%dma_wait3A_245] : memref<10240xf32, #tpu.memory_space<hbm>> -> memref<10240xf32, #tpu.memory_space<hbm>>
      %dma_wait3A_247 = tpu.memref_slice %arg15[%dma_wait3A_238] : memref<4x!tpu.dma_semaphore, #tpu.memory_space<semaphore_mem>> -> memref<1x!tpu.dma_semaphore, #tpu.memory_space<semaphore_mem>>
      %dma_wait3A_248 = tpu.memref_squeeze %dma_wait3A_247 : memref<1x!tpu.dma_semaphore, #tpu.memory_space<semaphore_mem>> -> memref<!tpu.dma_semaphore, #tpu.memory_space<semaphore_mem>>
      tpu.wait_indirect_dma semaphore(%dma_wait3A_248 : memref<!tpu.dma_semaphore, #tpu.memory_space<semaphore_mem>>) src(%dma_wait3A_246 : memref<10240xf32, #tpu.memory_space<hbm>>) dst(%dma_wait3A_241 : memref<128xf32, #tpu.memory_space<vmem>>)
      %dma_wait3A_249 = arith.constant 2 : i32
      %dma_wait3A_250 = arith.constant 2 : i32
      %dma_wait3A_251 = arith.constant 2 : i32
      %dma_wait3A_252 = arith.constant 0 : i32
      %dma_wait3A_253 = tpu.memref_slice %arg11[%dma_wait3A_250, %dma_wait3A_252] : memref<4x128xf32, #tpu.memory_space<vmem>> -> memref<1x128xf32, #tpu.memory_space<vmem>>
      %dma_wait3A_254 = tpu.memref_squeeze %dma_wait3A_253 : memref<1x128xf32, #tpu.memory_space<vmem>> -> memref<128xf32, #tpu.memory_space<vmem>>
      %dma_wait3A_255 = arith.constant 0 : i32
      %dma_wait3A_256 = tpu.memref_slice %arg8[%dma_wait3A_249, %dma_wait3A_255] : memref<80x128xi32, #tpu.memory_space<vmem>> -> memref<1x128xi32, #tpu.memory_space<vmem>>
      %dma_wait3A_257 = tpu.memref_squeeze %dma_wait3A_256 : memref<1x128xi32, #tpu.memory_space<vmem>> -> memref<128xi32, #tpu.memory_space<vmem>>
      %dma_wait3A_258 = arith.constant 0 : i32
      %dma_wait3A_259 = tpu.memref_slice %arg3[%dma_wait3A_258] : memref<10240xf32, #tpu.memory_space<hbm>> -> memref<10240xf32, #tpu.memory_space<hbm>>
      %dma_wait3A_260 = tpu.memref_slice %arg16[%dma_wait3A_251] : memref<4x!tpu.dma_semaphore, #tpu.memory_space<semaphore_mem>> -> memref<1x!tpu.dma_semaphore, #tpu.memory_space<semaphore_mem>>
      %dma_wait3A_261 = tpu.memref_squeeze %dma_wait3A_260 : memref<1x!tpu.dma_semaphore, #tpu.memory_space<semaphore_mem>> -> memref<!tpu.dma_semaphore, #tpu.memory_space<semaphore_mem>>
      tpu.wait_indirect_dma semaphore(%dma_wait3A_261 : memref<!tpu.dma_semaphore, #tpu.memory_space<semaphore_mem>>) src(%dma_wait3A_259 : memref<10240xf32, #tpu.memory_space<hbm>>) dst(%dma_wait3A_254 : memref<128xf32, #tpu.memory_space<vmem>>)
      %run_scoped3A_262 = arith.constant 2 : i32
      "tpu.region"() ({
        %run_scoped3A_308 = tpu.sem_alloc : memref<!tpu.dma_semaphore, #tpu.memory_space<semaphore_mem>>
        %dma_start3A_309 = arith.constant 0 : i32
        %dma_start3A_310 = tpu.memref_slice %arg10[%run_scoped3A_262, %dma_start3A_309] : memref<4x128xf32, #tpu.memory_space<vmem>> -> memref<1x128xf32, #tpu.memory_space<vmem>>
        %dma_start3A_311 = tpu.memref_squeeze %dma_start3A_310 : memref<1x128xf32, #tpu.memory_space<vmem>> -> memref<128xf32, #tpu.memory_space<vmem>>
        %dma_start3A_312 = arith.constant 0 : i32
        %dma_start3A_313 = tpu.memref_slice %arg9[%add3A_235, %dma_start3A_312] : memref<80x128xi32, #tpu.memory_space<vmem>> -> memref<1x128xi32, #tpu.memory_space<vmem>>
        %dma_start3A_314 = tpu.memref_squeeze %dma_start3A_313 : memref<1x128xi32, #tpu.memory_space<vmem>> -> memref<128xi32, #tpu.memory_space<vmem>>
        %dma_start3A_315 = arith.constant 0 : i32
        %dma_start3A_316 = tpu.memref_slice %arg13[%dma_start3A_315] : memref<10240xf32, #tpu.memory_space<vmem_shared>> -> memref<10240xf32, #tpu.memory_space<vmem_shared>>
        tpu.enqueue_indirect_dma source(%dma_start3A_311 : memref<128xf32, #tpu.memory_space<vmem>>) target(%dma_start3A_316 : memref<10240xf32, #tpu.memory_space<vmem_shared>>) offsets(%dma_start3A_314 : memref<128xi32, #tpu.memory_space<vmem>>) semaphore(%run_scoped3A_308 : memref<!tpu.dma_semaphore, #tpu.memory_space<semaphore_mem>>) {add = true}
        %dma_wait3A_317 = arith.constant 0 : i32
        %dma_wait3A_318 = tpu.memref_slice %arg10[%run_scoped3A_262, %dma_wait3A_317] : memref<4x128xf32, #tpu.memory_space<vmem>> -> memref<1x128xf32, #tpu.memory_space<vmem>>
        %dma_wait3A_319 = tpu.memref_squeeze %dma_wait3A_318 : memref<1x128xf32, #tpu.memory_space<vmem>> -> memref<128xf32, #tpu.memory_space<vmem>>
        %dma_wait3A_320 = arith.constant 0 : i32
        %dma_wait3A_321 = tpu.memref_slice %arg9[%add3A_235, %dma_wait3A_320] : memref<80x128xi32, #tpu.memory_space<vmem>> -> memref<1x128xi32, #tpu.memory_space<vmem>>
        %dma_wait3A_322 = tpu.memref_squeeze %dma_wait3A_321 : memref<1x128xi32, #tpu.memory_space<vmem>> -> memref<128xi32, #tpu.memory_space<vmem>>
        %dma_wait3A_323 = arith.constant 0 : i32
        %dma_wait3A_324 = tpu.memref_slice %arg13[%dma_wait3A_323] : memref<10240xf32, #tpu.memory_space<vmem_shared>> -> memref<10240xf32, #tpu.memory_space<vmem_shared>>
        tpu.wait_indirect_dma semaphore(%run_scoped3A_308 : memref<!tpu.dma_semaphore, #tpu.memory_space<semaphore_mem>>) src(%dma_wait3A_319 : memref<128xf32, #tpu.memory_space<vmem>>) dst(%dma_wait3A_324 : memref<10240xf32, #tpu.memory_space<vmem_shared>>)
        tpu.yield
      }) : () -> ()
      %run_scoped3A_263 = arith.constant 2 : i32
      "tpu.region"() ({
        %run_scoped3A_308 = tpu.sem_alloc : memref<!tpu.dma_semaphore, #tpu.memory_space<semaphore_mem>>
        %dma_start3A_309 = arith.constant 0 : i32
        %dma_start3A_310 = tpu.memref_slice %arg11[%run_scoped3A_263, %dma_start3A_309] : memref<4x128xf32, #tpu.memory_space<vmem>> -> memref<1x128xf32, #tpu.memory_space<vmem>>
        %dma_start3A_311 = tpu.memref_squeeze %dma_start3A_310 : memref<1x128xf32, #tpu.memory_space<vmem>> -> memref<128xf32, #tpu.memory_space<vmem>>
        %dma_start3A_312 = arith.constant 0 : i32
        %dma_start3A_313 = tpu.memref_slice %arg9[%add3A_235, %dma_start3A_312] : memref<80x128xi32, #tpu.memory_space<vmem>> -> memref<1x128xi32, #tpu.memory_space<vmem>>
        %dma_start3A_314 = tpu.memref_squeeze %dma_start3A_313 : memref<1x128xi32, #tpu.memory_space<vmem>> -> memref<128xi32, #tpu.memory_space<vmem>>
        %dma_start3A_315 = arith.constant 0 : i32
        %dma_start3A_316 = tpu.memref_slice %arg14[%dma_start3A_315] : memref<10240xf32, #tpu.memory_space<vmem_shared>> -> memref<10240xf32, #tpu.memory_space<vmem_shared>>
        tpu.enqueue_indirect_dma source(%dma_start3A_311 : memref<128xf32, #tpu.memory_space<vmem>>) target(%dma_start3A_316 : memref<10240xf32, #tpu.memory_space<vmem_shared>>) offsets(%dma_start3A_314 : memref<128xi32, #tpu.memory_space<vmem>>) semaphore(%run_scoped3A_308 : memref<!tpu.dma_semaphore, #tpu.memory_space<semaphore_mem>>) {add = true}
        %dma_wait3A_317 = arith.constant 0 : i32
        %dma_wait3A_318 = tpu.memref_slice %arg11[%run_scoped3A_263, %dma_wait3A_317] : memref<4x128xf32, #tpu.memory_space<vmem>> -> memref<1x128xf32, #tpu.memory_space<vmem>>
        %dma_wait3A_319 = tpu.memref_squeeze %dma_wait3A_318 : memref<1x128xf32, #tpu.memory_space<vmem>> -> memref<128xf32, #tpu.memory_space<vmem>>
        %dma_wait3A_320 = arith.constant 0 : i32
        %dma_wait3A_321 = tpu.memref_slice %arg9[%add3A_235, %dma_wait3A_320] : memref<80x128xi32, #tpu.memory_space<vmem>> -> memref<1x128xi32, #tpu.memory_space<vmem>>
        %dma_wait3A_322 = tpu.memref_squeeze %dma_wait3A_321 : memref<1x128xi32, #tpu.memory_space<vmem>> -> memref<128xi32, #tpu.memory_space<vmem>>
        %dma_wait3A_323 = arith.constant 0 : i32
        %dma_wait3A_324 = tpu.memref_slice %arg14[%dma_wait3A_323] : memref<10240xf32, #tpu.memory_space<vmem_shared>> -> memref<10240xf32, #tpu.memory_space<vmem_shared>>
        tpu.wait_indirect_dma semaphore(%run_scoped3A_308 : memref<!tpu.dma_semaphore, #tpu.memory_space<semaphore_mem>>) src(%dma_wait3A_319 : memref<128xf32, #tpu.memory_space<vmem>>) dst(%dma_wait3A_324 : memref<10240xf32, #tpu.memory_space<vmem_shared>>)
        tpu.yield
      }) : () -> ()
      %add3A_264 = arith.constant 4 : i32
      %add3A_265 = arith.addi %add3A_235, %add3A_264 : i32
      %lt3A_266 = arith.constant 80 : i32
      %lt3A_267 = arith.cmpi slt, %add3A_265, %lt3A_266 : i32
      %convert_element_type3A_268 = arith.extui %lt3A_267 : i1 to i32
      %cond3A_269 = arith.constant 0 : i32
      %cond3A_270 = arith.cmpi ne, %convert_element_type3A_268, %cond3A_269 : i32
      scf.if %cond3A_270 {
        %add3A_308 = arith.constant 4 : i32
        %add3A_309 = arith.addi %add3A_235, %add3A_308 : i32
        %dma_start3A_310 = arith.constant 2 : i32
        %dma_start3A_311 = arith.constant 2 : i32
        %dma_start3A_312 = arith.constant 0 : i32
        %dma_start3A_313 = tpu.memref_slice %arg10[%dma_start3A_310, %dma_start3A_312] : memref<4x128xf32, #tpu.memory_space<vmem>> -> memref<1x128xf32, #tpu.memory_space<vmem>>
        %dma_start3A_314 = tpu.memref_squeeze %dma_start3A_313 : memref<1x128xf32, #tpu.memory_space<vmem>> -> memref<128xf32, #tpu.memory_space<vmem>>
        %dma_start3A_315 = arith.constant 0 : i32
        %dma_start3A_316 = tpu.memref_slice %arg8[%add3A_309, %dma_start3A_315] : memref<80x128xi32, #tpu.memory_space<vmem>> -> memref<1x128xi32, #tpu.memory_space<vmem>>
        %dma_start3A_317 = tpu.memref_squeeze %dma_start3A_316 : memref<1x128xi32, #tpu.memory_space<vmem>> -> memref<128xi32, #tpu.memory_space<vmem>>
        %dma_start3A_318 = arith.constant 0 : i32
        %dma_start3A_319 = tpu.memref_slice %arg2[%dma_start3A_318] : memref<10240xf32, #tpu.memory_space<hbm>> -> memref<10240xf32, #tpu.memory_space<hbm>>
        %dma_start3A_320 = tpu.memref_slice %arg15[%dma_start3A_311] : memref<4x!tpu.dma_semaphore, #tpu.memory_space<semaphore_mem>> -> memref<1x!tpu.dma_semaphore, #tpu.memory_space<semaphore_mem>>
        %dma_start3A_321 = tpu.memref_squeeze %dma_start3A_320 : memref<1x!tpu.dma_semaphore, #tpu.memory_space<semaphore_mem>> -> memref<!tpu.dma_semaphore, #tpu.memory_space<semaphore_mem>>
        tpu.enqueue_indirect_dma source(%dma_start3A_319 : memref<10240xf32, #tpu.memory_space<hbm>>) target(%dma_start3A_314 : memref<128xf32, #tpu.memory_space<vmem>>) offsets(%dma_start3A_317 : memref<128xi32, #tpu.memory_space<vmem>>) semaphore(%dma_start3A_321 : memref<!tpu.dma_semaphore, #tpu.memory_space<semaphore_mem>>)
        %add3A_322 = arith.constant 4 : i32
        %add3A_323 = arith.addi %add3A_235, %add3A_322 : i32
        %dma_start3A_324 = arith.constant 2 : i32
        %dma_start3A_325 = arith.constant 2 : i32
        %dma_start3A_326 = arith.constant 0 : i32
        %dma_start3A_327 = tpu.memref_slice %arg11[%dma_start3A_324, %dma_start3A_326] : memref<4x128xf32, #tpu.memory_space<vmem>> -> memref<1x128xf32, #tpu.memory_space<vmem>>
        %dma_start3A_328 = tpu.memref_squeeze %dma_start3A_327 : memref<1x128xf32, #tpu.memory_space<vmem>> -> memref<128xf32, #tpu.memory_space<vmem>>
        %dma_start3A_329 = arith.constant 0 : i32
        %dma_start3A_330 = tpu.memref_slice %arg8[%add3A_323, %dma_start3A_329] : memref<80x128xi32, #tpu.memory_space<vmem>> -> memref<1x128xi32, #tpu.memory_space<vmem>>
        %dma_start3A_331 = tpu.memref_squeeze %dma_start3A_330 : memref<1x128xi32, #tpu.memory_space<vmem>> -> memref<128xi32, #tpu.memory_space<vmem>>
        %dma_start3A_332 = arith.constant 0 : i32
        %dma_start3A_333 = tpu.memref_slice %arg3[%dma_start3A_332] : memref<10240xf32, #tpu.memory_space<hbm>> -> memref<10240xf32, #tpu.memory_space<hbm>>
        %dma_start3A_334 = tpu.memref_slice %arg16[%dma_start3A_325] : memref<4x!tpu.dma_semaphore, #tpu.memory_space<semaphore_mem>> -> memref<1x!tpu.dma_semaphore, #tpu.memory_space<semaphore_mem>>
        %dma_start3A_335 = tpu.memref_squeeze %dma_start3A_334 : memref<1x!tpu.dma_semaphore, #tpu.memory_space<semaphore_mem>> -> memref<!tpu.dma_semaphore, #tpu.memory_space<semaphore_mem>>
        tpu.enqueue_indirect_dma source(%dma_start3A_333 : memref<10240xf32, #tpu.memory_space<hbm>>) target(%dma_start3A_328 : memref<128xf32, #tpu.memory_space<vmem>>) offsets(%dma_start3A_331 : memref<128xi32, #tpu.memory_space<vmem>>) semaphore(%dma_start3A_335 : memref<!tpu.dma_semaphore, #tpu.memory_space<semaphore_mem>>)
      } else {
      }
      %add3A_271 = arith.constant 3 : i32
      %add3A_272 = arith.addi %add3A_162, %add3A_271 : i32
      %dma_wait3A_273 = arith.constant 3 : i32
      %dma_wait3A_274 = arith.constant 3 : i32
      %dma_wait3A_275 = arith.constant 3 : i32
      %dma_wait3A_276 = arith.constant 0 : i32
      %dma_wait3A_277 = tpu.memref_slice %arg10[%dma_wait3A_274, %dma_wait3A_276] : memref<4x128xf32, #tpu.memory_space<vmem>> -> memref<1x128xf32, #tpu.memory_space<vmem>>
      %dma_wait3A_278 = tpu.memref_squeeze %dma_wait3A_277 : memref<1x128xf32, #tpu.memory_space<vmem>> -> memref<128xf32, #tpu.memory_space<vmem>>
      %dma_wait3A_279 = arith.constant 0 : i32
      %dma_wait3A_280 = tpu.memref_slice %arg8[%dma_wait3A_273, %dma_wait3A_279] : memref<80x128xi32, #tpu.memory_space<vmem>> -> memref<1x128xi32, #tpu.memory_space<vmem>>
      %dma_wait3A_281 = tpu.memref_squeeze %dma_wait3A_280 : memref<1x128xi32, #tpu.memory_space<vmem>> -> memref<128xi32, #tpu.memory_space<vmem>>
      %dma_wait3A_282 = arith.constant 0 : i32
      %dma_wait3A_283 = tpu.memref_slice %arg2[%dma_wait3A_282] : memref<10240xf32, #tpu.memory_space<hbm>> -> memref<10240xf32, #tpu.memory_space<hbm>>
      %dma_wait3A_284 = tpu.memref_slice %arg15[%dma_wait3A_275] : memref<4x!tpu.dma_semaphore, #tpu.memory_space<semaphore_mem>> -> memref<1x!tpu.dma_semaphore, #tpu.memory_space<semaphore_mem>>
      %dma_wait3A_285 = tpu.memref_squeeze %dma_wait3A_284 : memref<1x!tpu.dma_semaphore, #tpu.memory_space<semaphore_mem>> -> memref<!tpu.dma_semaphore, #tpu.memory_space<semaphore_mem>>
      tpu.wait_indirect_dma semaphore(%dma_wait3A_285 : memref<!tpu.dma_semaphore, #tpu.memory_space<semaphore_mem>>) src(%dma_wait3A_283 : memref<10240xf32, #tpu.memory_space<hbm>>) dst(%dma_wait3A_278 : memref<128xf32, #tpu.memory_space<vmem>>)
      %dma_wait3A_286 = arith.constant 3 : i32
      %dma_wait3A_287 = arith.constant 3 : i32
      %dma_wait3A_288 = arith.constant 3 : i32
      %dma_wait3A_289 = arith.constant 0 : i32
      %dma_wait3A_290 = tpu.memref_slice %arg11[%dma_wait3A_287, %dma_wait3A_289] : memref<4x128xf32, #tpu.memory_space<vmem>> -> memref<1x128xf32, #tpu.memory_space<vmem>>
      %dma_wait3A_291 = tpu.memref_squeeze %dma_wait3A_290 : memref<1x128xf32, #tpu.memory_space<vmem>> -> memref<128xf32, #tpu.memory_space<vmem>>
      %dma_wait3A_292 = arith.constant 0 : i32
      %dma_wait3A_293 = tpu.memref_slice %arg8[%dma_wait3A_286, %dma_wait3A_292] : memref<80x128xi32, #tpu.memory_space<vmem>> -> memref<1x128xi32, #tpu.memory_space<vmem>>
      %dma_wait3A_294 = tpu.memref_squeeze %dma_wait3A_293 : memref<1x128xi32, #tpu.memory_space<vmem>> -> memref<128xi32, #tpu.memory_space<vmem>>
      %dma_wait3A_295 = arith.constant 0 : i32
      %dma_wait3A_296 = tpu.memref_slice %arg3[%dma_wait3A_295] : memref<10240xf32, #tpu.memory_space<hbm>> -> memref<10240xf32, #tpu.memory_space<hbm>>
      %dma_wait3A_297 = tpu.memref_slice %arg16[%dma_wait3A_288] : memref<4x!tpu.dma_semaphore, #tpu.memory_space<semaphore_mem>> -> memref<1x!tpu.dma_semaphore, #tpu.memory_space<semaphore_mem>>
      %dma_wait3A_298 = tpu.memref_squeeze %dma_wait3A_297 : memref<1x!tpu.dma_semaphore, #tpu.memory_space<semaphore_mem>> -> memref<!tpu.dma_semaphore, #tpu.memory_space<semaphore_mem>>
      tpu.wait_indirect_dma semaphore(%dma_wait3A_298 : memref<!tpu.dma_semaphore, #tpu.memory_space<semaphore_mem>>) src(%dma_wait3A_296 : memref<10240xf32, #tpu.memory_space<hbm>>) dst(%dma_wait3A_291 : memref<128xf32, #tpu.memory_space<vmem>>)
      %run_scoped3A_299 = arith.constant 3 : i32
      "tpu.region"() ({
        %run_scoped3A_308 = tpu.sem_alloc : memref<!tpu.dma_semaphore, #tpu.memory_space<semaphore_mem>>
        %dma_start3A_309 = arith.constant 0 : i32
        %dma_start3A_310 = tpu.memref_slice %arg10[%run_scoped3A_299, %dma_start3A_309] : memref<4x128xf32, #tpu.memory_space<vmem>> -> memref<1x128xf32, #tpu.memory_space<vmem>>
        %dma_start3A_311 = tpu.memref_squeeze %dma_start3A_310 : memref<1x128xf32, #tpu.memory_space<vmem>> -> memref<128xf32, #tpu.memory_space<vmem>>
        %dma_start3A_312 = arith.constant 0 : i32
        %dma_start3A_313 = tpu.memref_slice %arg9[%add3A_272, %dma_start3A_312] : memref<80x128xi32, #tpu.memory_space<vmem>> -> memref<1x128xi32, #tpu.memory_space<vmem>>
        %dma_start3A_314 = tpu.memref_squeeze %dma_start3A_313 : memref<1x128xi32, #tpu.memory_space<vmem>> -> memref<128xi32, #tpu.memory_space<vmem>>
        %dma_start3A_315 = arith.constant 0 : i32
        %dma_start3A_316 = tpu.memref_slice %arg13[%dma_start3A_315] : memref<10240xf32, #tpu.memory_space<vmem_shared>> -> memref<10240xf32, #tpu.memory_space<vmem_shared>>
        tpu.enqueue_indirect_dma source(%dma_start3A_311 : memref<128xf32, #tpu.memory_space<vmem>>) target(%dma_start3A_316 : memref<10240xf32, #tpu.memory_space<vmem_shared>>) offsets(%dma_start3A_314 : memref<128xi32, #tpu.memory_space<vmem>>) semaphore(%run_scoped3A_308 : memref<!tpu.dma_semaphore, #tpu.memory_space<semaphore_mem>>) {add = true}
        %dma_wait3A_317 = arith.constant 0 : i32
        %dma_wait3A_318 = tpu.memref_slice %arg10[%run_scoped3A_299, %dma_wait3A_317] : memref<4x128xf32, #tpu.memory_space<vmem>> -> memref<1x128xf32, #tpu.memory_space<vmem>>
        %dma_wait3A_319 = tpu.memref_squeeze %dma_wait3A_318 : memref<1x128xf32, #tpu.memory_space<vmem>> -> memref<128xf32, #tpu.memory_space<vmem>>
        %dma_wait3A_320 = arith.constant 0 : i32
        %dma_wait3A_321 = tpu.memref_slice %arg9[%add3A_272, %dma_wait3A_320] : memref<80x128xi32, #tpu.memory_space<vmem>> -> memref<1x128xi32, #tpu.memory_space<vmem>>
        %dma_wait3A_322 = tpu.memref_squeeze %dma_wait3A_321 : memref<1x128xi32, #tpu.memory_space<vmem>> -> memref<128xi32, #tpu.memory_space<vmem>>
        %dma_wait3A_323 = arith.constant 0 : i32
        %dma_wait3A_324 = tpu.memref_slice %arg13[%dma_wait3A_323] : memref<10240xf32, #tpu.memory_space<vmem_shared>> -> memref<10240xf32, #tpu.memory_space<vmem_shared>>
        tpu.wait_indirect_dma semaphore(%run_scoped3A_308 : memref<!tpu.dma_semaphore, #tpu.memory_space<semaphore_mem>>) src(%dma_wait3A_319 : memref<128xf32, #tpu.memory_space<vmem>>) dst(%dma_wait3A_324 : memref<10240xf32, #tpu.memory_space<vmem_shared>>)
        tpu.yield
      }) : () -> ()
      %run_scoped3A_300 = arith.constant 3 : i32
      "tpu.region"() ({
        %run_scoped3A_308 = tpu.sem_alloc : memref<!tpu.dma_semaphore, #tpu.memory_space<semaphore_mem>>
        %dma_start3A_309 = arith.constant 0 : i32
        %dma_start3A_310 = tpu.memref_slice %arg11[%run_scoped3A_300, %dma_start3A_309] : memref<4x128xf32, #tpu.memory_space<vmem>> -> memref<1x128xf32, #tpu.memory_space<vmem>>
        %dma_start3A_311 = tpu.memref_squeeze %dma_start3A_310 : memref<1x128xf32, #tpu.memory_space<vmem>> -> memref<128xf32, #tpu.memory_space<vmem>>
        %dma_start3A_312 = arith.constant 0 : i32
        %dma_start3A_313 = tpu.memref_slice %arg9[%add3A_272, %dma_start3A_312] : memref<80x128xi32, #tpu.memory_space<vmem>> -> memref<1x128xi32, #tpu.memory_space<vmem>>
        %dma_start3A_314 = tpu.memref_squeeze %dma_start3A_313 : memref<1x128xi32, #tpu.memory_space<vmem>> -> memref<128xi32, #tpu.memory_space<vmem>>
        %dma_start3A_315 = arith.constant 0 : i32
        %dma_start3A_316 = tpu.memref_slice %arg14[%dma_start3A_315] : memref<10240xf32, #tpu.memory_space<vmem_shared>> -> memref<10240xf32, #tpu.memory_space<vmem_shared>>
        tpu.enqueue_indirect_dma source(%dma_start3A_311 : memref<128xf32, #tpu.memory_space<vmem>>) target(%dma_start3A_316 : memref<10240xf32, #tpu.memory_space<vmem_shared>>) offsets(%dma_start3A_314 : memref<128xi32, #tpu.memory_space<vmem>>) semaphore(%run_scoped3A_308 : memref<!tpu.dma_semaphore, #tpu.memory_space<semaphore_mem>>) {add = true}
        %dma_wait3A_317 = arith.constant 0 : i32
        %dma_wait3A_318 = tpu.memref_slice %arg11[%run_scoped3A_300, %dma_wait3A_317] : memref<4x128xf32, #tpu.memory_space<vmem>> -> memref<1x128xf32, #tpu.memory_space<vmem>>
        %dma_wait3A_319 = tpu.memref_squeeze %dma_wait3A_318 : memref<1x128xf32, #tpu.memory_space<vmem>> -> memref<128xf32, #tpu.memory_space<vmem>>
        %dma_wait3A_320 = arith.constant 0 : i32
        %dma_wait3A_321 = tpu.memref_slice %arg9[%add3A_272, %dma_wait3A_320] : memref<80x128xi32, #tpu.memory_space<vmem>> -> memref<1x128xi32, #tpu.memory_space<vmem>>
        %dma_wait3A_322 = tpu.memref_squeeze %dma_wait3A_321 : memref<1x128xi32, #tpu.memory_space<vmem>> -> memref<128xi32, #tpu.memory_space<vmem>>
        %dma_wait3A_323 = arith.constant 0 : i32
        %dma_wait3A_324 = tpu.memref_slice %arg14[%dma_wait3A_323] : memref<10240xf32, #tpu.memory_space<vmem_shared>> -> memref<10240xf32, #tpu.memory_space<vmem_shared>>
        tpu.wait_indirect_dma semaphore(%run_scoped3A_308 : memref<!tpu.dma_semaphore, #tpu.memory_space<semaphore_mem>>) src(%dma_wait3A_319 : memref<128xf32, #tpu.memory_space<vmem>>) dst(%dma_wait3A_324 : memref<10240xf32, #tpu.memory_space<vmem_shared>>)
        tpu.yield
      }) : () -> ()
      %add3A_301 = arith.constant 4 : i32
      %add3A_302 = arith.addi %add3A_272, %add3A_301 : i32
      %lt3A_303 = arith.constant 80 : i32
      %lt3A_304 = arith.cmpi slt, %add3A_302, %lt3A_303 : i32
      %convert_element_type3A_305 = arith.extui %lt3A_304 : i1 to i32
      %cond3A_306 = arith.constant 0 : i32
      %cond3A_307 = arith.cmpi ne, %convert_element_type3A_305, %cond3A_306 : i32
      scf.if %cond3A_307 {
        %add3A_308 = arith.constant 4 : i32
        %add3A_309 = arith.addi %add3A_272, %add3A_308 : i32
        %dma_start3A_310 = arith.constant 3 : i32
        %dma_start3A_311 = arith.constant 3 : i32
        %dma_start3A_312 = arith.constant 0 : i32
        %dma_start3A_313 = tpu.memref_slice %arg10[%dma_start3A_310, %dma_start3A_312] : memref<4x128xf32, #tpu.memory_space<vmem>> -> memref<1x128xf32, #tpu.memory_space<vmem>>
        %dma_start3A_314 = tpu.memref_squeeze %dma_start3A_313 : memref<1x128xf32, #tpu.memory_space<vmem>> -> memref<128xf32, #tpu.memory_space<vmem>>
        %dma_start3A_315 = arith.constant 0 : i32
        %dma_start3A_316 = tpu.memref_slice %arg8[%add3A_309, %dma_start3A_315] : memref<80x128xi32, #tpu.memory_space<vmem>> -> memref<1x128xi32, #tpu.memory_space<vmem>>
        %dma_start3A_317 = tpu.memref_squeeze %dma_start3A_316 : memref<1x128xi32, #tpu.memory_space<vmem>> -> memref<128xi32, #tpu.memory_space<vmem>>
        %dma_start3A_318 = arith.constant 0 : i32
        %dma_start3A_319 = tpu.memref_slice %arg2[%dma_start3A_318] : memref<10240xf32, #tpu.memory_space<hbm>> -> memref<10240xf32, #tpu.memory_space<hbm>>
        %dma_start3A_320 = tpu.memref_slice %arg15[%dma_start3A_311] : memref<4x!tpu.dma_semaphore, #tpu.memory_space<semaphore_mem>> -> memref<1x!tpu.dma_semaphore, #tpu.memory_space<semaphore_mem>>
        %dma_start3A_321 = tpu.memref_squeeze %dma_start3A_320 : memref<1x!tpu.dma_semaphore, #tpu.memory_space<semaphore_mem>> -> memref<!tpu.dma_semaphore, #tpu.memory_space<semaphore_mem>>
        tpu.enqueue_indirect_dma source(%dma_start3A_319 : memref<10240xf32, #tpu.memory_space<hbm>>) target(%dma_start3A_314 : memref<128xf32, #tpu.memory_space<vmem>>) offsets(%dma_start3A_317 : memref<128xi32, #tpu.memory_space<vmem>>) semaphore(%dma_start3A_321 : memref<!tpu.dma_semaphore, #tpu.memory_space<semaphore_mem>>)
        %add3A_322 = arith.constant 4 : i32
        %add3A_323 = arith.addi %add3A_272, %add3A_322 : i32
        %dma_start3A_324 = arith.constant 3 : i32
        %dma_start3A_325 = arith.constant 3 : i32
        %dma_start3A_326 = arith.constant 0 : i32
        %dma_start3A_327 = tpu.memref_slice %arg11[%dma_start3A_324, %dma_start3A_326] : memref<4x128xf32, #tpu.memory_space<vmem>> -> memref<1x128xf32, #tpu.memory_space<vmem>>
        %dma_start3A_328 = tpu.memref_squeeze %dma_start3A_327 : memref<1x128xf32, #tpu.memory_space<vmem>> -> memref<128xf32, #tpu.memory_space<vmem>>
        %dma_start3A_329 = arith.constant 0 : i32
        %dma_start3A_330 = tpu.memref_slice %arg8[%add3A_323, %dma_start3A_329] : memref<80x128xi32, #tpu.memory_space<vmem>> -> memref<1x128xi32, #tpu.memory_space<vmem>>
        %dma_start3A_331 = tpu.memref_squeeze %dma_start3A_330 : memref<1x128xi32, #tpu.memory_space<vmem>> -> memref<128xi32, #tpu.memory_space<vmem>>
        %dma_start3A_332 = arith.constant 0 : i32
        %dma_start3A_333 = tpu.memref_slice %arg3[%dma_start3A_332] : memref<10240xf32, #tpu.memory_space<hbm>> -> memref<10240xf32, #tpu.memory_space<hbm>>
        %dma_start3A_334 = tpu.memref_slice %arg16[%dma_start3A_325] : memref<4x!tpu.dma_semaphore, #tpu.memory_space<semaphore_mem>> -> memref<1x!tpu.dma_semaphore, #tpu.memory_space<semaphore_mem>>
        %dma_start3A_335 = tpu.memref_squeeze %dma_start3A_334 : memref<1x!tpu.dma_semaphore, #tpu.memory_space<semaphore_mem>> -> memref<!tpu.dma_semaphore, #tpu.memory_space<semaphore_mem>>
        tpu.enqueue_indirect_dma source(%dma_start3A_333 : memref<10240xf32, #tpu.memory_space<hbm>>) target(%dma_start3A_328 : memref<128xf32, #tpu.memory_space<vmem>>) offsets(%dma_start3A_331 : memref<128xi32, #tpu.memory_space<vmem>>) semaphore(%dma_start3A_335 : memref<!tpu.dma_semaphore, #tpu.memory_space<semaphore_mem>>)
      } else {
      }
    }
    %scan3A_147 = arith.constant 20 : i32
    %barrier3A_148 = arith.constant 0 : index
    tpu.barrier barrier_id(%barrier3A_148)
    %mul3A_149 = arith.constant 640 : i32
    %mul3A_150 = arith.muli %arg1, %mul3A_149 : i32
    %mul3A_151 = arith.constant 640 : i32
    %mul3A_152 = arith.muli %arg1, %mul3A_151 : i32
    %run_scoped3A = arith.constant 0 : i32
    "tpu.region"() ({
      %run_scoped3A_158 = tpu.sem_alloc : memref<!tpu.dma_semaphore, #tpu.memory_space<semaphore_mem>>
      %dma_start3A_159 = tpu.memref_slice %arg6[%arg0, %run_scoped3A, %mul3A_152] : memref<2x1x10240xf32, #tpu.memory_space<hbm>> -> memref<1x1x640xf32, #tpu.memory_space<hbm>>
      %dma_start3A_160 = tpu.memref_squeeze %dma_start3A_159 : memref<1x1x640xf32, #tpu.memory_space<hbm>> -> memref<640xf32, #tpu.memory_space<hbm>>
      %dma_start3A_161 = tpu.memref_slice %arg13[%mul3A_150] : memref<10240xf32, #tpu.memory_space<vmem_shared>> -> memref<640xf32, #tpu.memory_space<vmem_shared>>
      tpu.enqueue_dma source(%dma_start3A_161 : memref<640xf32, #tpu.memory_space<vmem_shared>>) target(%dma_start3A_160 : memref<640xf32, #tpu.memory_space<hbm>>) target_semaphore(%run_scoped3A_158 : memref<!tpu.dma_semaphore, #tpu.memory_space<semaphore_mem>>)
      %dma_wait3A_162 = tpu.memref_slice %arg6[%arg0, %run_scoped3A, %mul3A_152] : memref<2x1x10240xf32, #tpu.memory_space<hbm>> -> memref<1x1x640xf32, #tpu.memory_space<hbm>>
      %dma_wait3A_163 = tpu.memref_squeeze %dma_wait3A_162 : memref<1x1x640xf32, #tpu.memory_space<hbm>> -> memref<640xf32, #tpu.memory_space<hbm>>
      %dma_wait3A_164 = tpu.memref_slice %arg13[%mul3A_150] : memref<10240xf32, #tpu.memory_space<vmem_shared>> -> memref<640xf32, #tpu.memory_space<vmem_shared>>
      tpu.wait_dma2 semaphore(%run_scoped3A_158 : memref<!tpu.dma_semaphore, #tpu.memory_space<semaphore_mem>>) src(%dma_wait3A_164 : memref<640xf32, #tpu.memory_space<vmem_shared>>) dst(%dma_wait3A_163 : memref<640xf32, #tpu.memory_space<hbm>>)
      tpu.yield
    }) : () -> ()
    %mul3A_153 = arith.constant 640 : i32
    %mul3A_154 = arith.muli %arg1, %mul3A_153 : i32
    %mul3A_155 = arith.constant 640 : i32
    %mul3A_156 = arith.muli %arg1, %mul3A_155 : i32
    %run_scoped3A_157 = arith.constant 0 : i32
    "tpu.region"() ({
      %run_scoped3A_158 = tpu.sem_alloc : memref<!tpu.dma_semaphore, #tpu.memory_space<semaphore_mem>>
      %dma_start3A_159 = tpu.memref_slice %arg7[%arg0, %run_scoped3A_157, %mul3A_156] : memref<2x1x10240xf32, #tpu.memory_space<hbm>> -> memref<1x1x640xf32, #tpu.memory_space<hbm>>
      %dma_start3A_160 = tpu.memref_squeeze %dma_start3A_159 : memref<1x1x640xf32, #tpu.memory_space<hbm>> -> memref<640xf32, #tpu.memory_space<hbm>>
      %dma_start3A_161 = tpu.memref_slice %arg14[%mul3A_154] : memref<10240xf32, #tpu.memory_space<vmem_shared>> -> memref<640xf32, #tpu.memory_space<vmem_shared>>
      tpu.enqueue_dma source(%dma_start3A_161 : memref<640xf32, #tpu.memory_space<vmem_shared>>) target(%dma_start3A_160 : memref<640xf32, #tpu.memory_space<hbm>>) target_semaphore(%run_scoped3A_158 : memref<!tpu.dma_semaphore, #tpu.memory_space<semaphore_mem>>)
      %dma_wait3A_162 = tpu.memref_slice %arg7[%arg0, %run_scoped3A_157, %mul3A_156] : memref<2x1x10240xf32, #tpu.memory_space<hbm>> -> memref<1x1x640xf32, #tpu.memory_space<hbm>>
      %dma_wait3A_163 = tpu.memref_squeeze %dma_wait3A_162 : memref<1x1x640xf32, #tpu.memory_space<hbm>> -> memref<640xf32, #tpu.memory_space<hbm>>
      %dma_wait3A_164 = tpu.memref_slice %arg14[%mul3A_154] : memref<10240xf32, #tpu.memory_space<vmem_shared>> -> memref<640xf32, #tpu.memory_space<vmem_shared>>
      tpu.wait_dma2 semaphore(%run_scoped3A_158 : memref<!tpu.dma_semaphore, #tpu.memory_space<semaphore_mem>>) src(%dma_wait3A_164 : memref<640xf32, #tpu.memory_space<vmem_shared>>) dst(%dma_wait3A_163 : memref<640xf32, #tpu.memory_space<hbm>>)
      tpu.yield
    }) : () -> ()
    return
  }
}

#map = affine_map<(d0, d1) -> (0, 0, 0)>
module attributes {stable_mosaic.version = 14 : i64} {
  func.func @_deg_body(%arg0: i32, %arg1: i32, %arg2: memref<32x80x128xi32, #tpu.memory_space<hbm>>, %arg3: memref<2x1x10240xf32, #tpu.memory_space<hbm>>, %arg4: memref<80x128xi32, #tpu.memory_space<vmem>>, %arg5: memref<128xf32, #tpu.memory_space<vmem>>, %arg6: memref<640xf32, #tpu.memory_space<vmem>>, %arg7: memref<10240xf32, #tpu.memory_space<vmem_shared>>, %arg8: memref<!tpu.dma_semaphore, #tpu.memory_space<semaphore_mem>>) attributes {dimension_semantics = [#tpu.dimension_semantics<core_parallel>, #tpu.dimension_semantics<subcore_parallel>], iteration_bounds = array<i64: 2, 16>, scalar_prefetch = 0 : i64, scratch_operands = 5 : i64, tpu.core_type = #tpu.core_type<sc_vector_subcore>, window_params = [{transform_indices = #map}, {transform_indices = #map}]} {
    %mul3A = arith.constant 2 : i32
    %mul3A_0 = arith.muli %arg1, %mul3A : i32
    %add3A = arith.addi %mul3A_0, %arg0 : i32
    %scan3A = arith.constant 0 : i32
    %scan3A_1 = arith.constant 40 : i32
    %scan3A_2 = arith.addi %scan3A, %scan3A_1 : i32
    %scan3A_3 = arith.constant 1 : i32
    scf.for %scan3A_77 = %scan3A to %scan3A_2 step %scan3A_3  : i32 {
      %mul3A_78 = arith.constant 1 : i32
      %mul3A_79 = arith.muli %scan3A_77, %mul3A_78 : i32
      %add3A_80 = arith.constant 0 : i32
      %add3A_81 = arith.addi %add3A_80, %mul3A_79 : i32
      %broadcast_in_dim3A_82 = arith.constant 0.000000e+00 : f32
      %broadcast_in_dim3A_83 = vector.broadcast %broadcast_in_dim3A_82 : f32 to vector<16xf32>
      %mul3A_84 = arith.constant 16 : i32
      %mul3A_85 = arith.muli %add3A_81, %mul3A_84 : i32
      %swap3A_86 = arith.index_cast %mul3A_85 : i32 to index
      %swap3A_87 = tpu.vector_load %arg6[%swap3A_86] {strides = array<i32>} : memref<640xf32, #tpu.memory_space<vmem>>, vector<16xf32>,
      %swap3A_88 = vector.shape_cast %swap3A_87 : vector<16xf32> to vector<16xf32>
      %swap3A_89 = vector.shape_cast %broadcast_in_dim3A_83 : vector<16xf32> to vector<16xf32>
      tpu.vector_store %arg6[%swap3A_86], %swap3A_89 {strides = array<i32>} : memref<640xf32, #tpu.memory_space<vmem>>, vector<16xf32>,
    }
    %scan3A_4 = arith.constant 40 : i32
    %broadcast_in_dim3A = arith.constant 1.000000e+00 : f32
    %broadcast_in_dim3A_5 = vector.broadcast %broadcast_in_dim3A : f32 to vector<16xf32>
    %swap3A = arith.constant 0 : index
    %swap3A_6 = tpu.vector_load %arg5[%swap3A] {strides = array<i32>} : memref<128xf32, #tpu.memory_space<vmem>>, vector<16xf32>,
    %swap3A_7 = vector.shape_cast %swap3A_6 : vector<16xf32> to vector<16xf32>
    %swap3A_8 = vector.shape_cast %broadcast_in_dim3A_5 : vector<16xf32> to vector<16xf32>
    tpu.vector_store %arg5[%swap3A], %swap3A_8 {strides = array<i32>} : memref<128xf32, #tpu.memory_space<vmem>>, vector<16xf32>,
    %broadcast_in_dim3A_9 = arith.constant 1.000000e+00 : f32
    %broadcast_in_dim3A_10 = vector.broadcast %broadcast_in_dim3A_9 : f32 to vector<16xf32>
    %swap3A_11 = arith.constant 16 : index
    %swap3A_12 = tpu.vector_load %arg5[%swap3A_11] {strides = array<i32>} : memref<128xf32, #tpu.memory_space<vmem>>, vector<16xf32>,
    %swap3A_13 = vector.shape_cast %swap3A_12 : vector<16xf32> to vector<16xf32>
    %swap3A_14 = vector.shape_cast %broadcast_in_dim3A_10 : vector<16xf32> to vector<16xf32>
    tpu.vector_store %arg5[%swap3A_11], %swap3A_14 {strides = array<i32>} : memref<128xf32, #tpu.memory_space<vmem>>, vector<16xf32>,
    %broadcast_in_dim3A_15 = arith.constant 1.000000e+00 : f32
    %broadcast_in_dim3A_16 = vector.broadcast %broadcast_in_dim3A_15 : f32 to vector<16xf32>
    %swap3A_17 = arith.constant 32 : index
    %swap3A_18 = tpu.vector_load %arg5[%swap3A_17] {strides = array<i32>} : memref<128xf32, #tpu.memory_space<vmem>>, vector<16xf32>,
    %swap3A_19 = vector.shape_cast %swap3A_18 : vector<16xf32> to vector<16xf32>
    %swap3A_20 = vector.shape_cast %broadcast_in_dim3A_16 : vector<16xf32> to vector<16xf32>
    tpu.vector_store %arg5[%swap3A_17], %swap3A_20 {strides = array<i32>} : memref<128xf32, #tpu.memory_space<vmem>>, vector<16xf32>,
    %broadcast_in_dim3A_21 = arith.constant 1.000000e+00 : f32
    %broadcast_in_dim3A_22 = vector.broadcast %broadcast_in_dim3A_21 : f32 to vector<16xf32>
    %swap3A_23 = arith.constant 48 : index
    %swap3A_24 = tpu.vector_load %arg5[%swap3A_23] {strides = array<i32>} : memref<128xf32, #tpu.memory_space<vmem>>, vector<16xf32>,
    %swap3A_25 = vector.shape_cast %swap3A_24 : vector<16xf32> to vector<16xf32>
    %swap3A_26 = vector.shape_cast %broadcast_in_dim3A_22 : vector<16xf32> to vector<16xf32>
    tpu.vector_store %arg5[%swap3A_23], %swap3A_26 {strides = array<i32>} : memref<128xf32, #tpu.memory_space<vmem>>, vector<16xf32>,
    %broadcast_in_dim3A_27 = arith.constant 1.000000e+00 : f32
    %broadcast_in_dim3A_28 = vector.broadcast %broadcast_in_dim3A_27 : f32 to vector<16xf32>
    %swap3A_29 = arith.constant 64 : index
    %swap3A_30 = tpu.vector_load %arg5[%swap3A_29] {strides = array<i32>} : memref<128xf32, #tpu.memory_space<vmem>>, vector<16xf32>,
    %swap3A_31 = vector.shape_cast %swap3A_30 : vector<16xf32> to vector<16xf32>
    %swap3A_32 = vector.shape_cast %broadcast_in_dim3A_28 : vector<16xf32> to vector<16xf32>
    tpu.vector_store %arg5[%swap3A_29], %swap3A_32 {strides = array<i32>} : memref<128xf32, #tpu.memory_space<vmem>>, vector<16xf32>,
    %broadcast_in_dim3A_33 = arith.constant 1.000000e+00 : f32
    %broadcast_in_dim3A_34 = vector.broadcast %broadcast_in_dim3A_33 : f32 to vector<16xf32>
    %swap3A_35 = arith.constant 80 : index
    %swap3A_36 = tpu.vector_load %arg5[%swap3A_35] {strides = array<i32>} : memref<128xf32, #tpu.memory_space<vmem>>, vector<16xf32>,
    %swap3A_37 = vector.shape_cast %swap3A_36 : vector<16xf32> to vector<16xf32>
    %swap3A_38 = vector.shape_cast %broadcast_in_dim3A_34 : vector<16xf32> to vector<16xf32>
    tpu.vector_store %arg5[%swap3A_35], %swap3A_38 {strides = array<i32>} : memref<128xf32, #tpu.memory_space<vmem>>, vector<16xf32>,
    %broadcast_in_dim3A_39 = arith.constant 1.000000e+00 : f32
    %broadcast_in_dim3A_40 = vector.broadcast %broadcast_in_dim3A_39 : f32 to vector<16xf32>
    %swap3A_41 = arith.constant 96 : index
    %swap3A_42 = tpu.vector_load %arg5[%swap3A_41] {strides = array<i32>} : memref<128xf32, #tpu.memory_space<vmem>>, vector<16xf32>,
    %swap3A_43 = vector.shape_cast %swap3A_42 : vector<16xf32> to vector<16xf32>
    %swap3A_44 = vector.shape_cast %broadcast_in_dim3A_40 : vector<16xf32> to vector<16xf32>
    tpu.vector_store %arg5[%swap3A_41], %swap3A_44 {strides = array<i32>} : memref<128xf32, #tpu.memory_space<vmem>>, vector<16xf32>,
    %broadcast_in_dim3A_45 = arith.constant 1.000000e+00 : f32
    %broadcast_in_dim3A_46 = vector.broadcast %broadcast_in_dim3A_45 : f32 to vector<16xf32>
    %swap3A_47 = arith.constant 112 : index
    %swap3A_48 = tpu.vector_load %arg5[%swap3A_47] {strides = array<i32>} : memref<128xf32, #tpu.memory_space<vmem>>, vector<16xf32>,
    %swap3A_49 = vector.shape_cast %swap3A_48 : vector<16xf32> to vector<16xf32>
    %swap3A_50 = vector.shape_cast %broadcast_in_dim3A_46 : vector<16xf32> to vector<16xf32>
    tpu.vector_store %arg5[%swap3A_47], %swap3A_50 {strides = array<i32>} : memref<128xf32, #tpu.memory_space<vmem>>, vector<16xf32>,
    %mul3A_51 = arith.constant 640 : i32
    %mul3A_52 = arith.muli %arg1, %mul3A_51 : i32
    "tpu.region"() ({
      %run_scoped3A_77 = tpu.sem_alloc : memref<!tpu.dma_semaphore, #tpu.memory_space<semaphore_mem>>
      %dma_start3A_78 = tpu.memref_slice %arg7[%mul3A_52] : memref<10240xf32, #tpu.memory_space<vmem_shared>> -> memref<640xf32, #tpu.memory_space<vmem_shared>>
      %dma_start3A_79 = tpu.memref_slice %arg7[%mul3A_52] : memref<10240xf32, #tpu.memory_space<vmem_shared>> -> memref<640xf32, #tpu.memory_space<vmem_shared>>
      tpu.enqueue_dma source(%arg6 : memref<640xf32, #tpu.memory_space<vmem>>) target(%dma_start3A_79 : memref<640xf32, #tpu.memory_space<vmem_shared>>) target_semaphore(%run_scoped3A_77 : memref<!tpu.dma_semaphore, #tpu.memory_space<semaphore_mem>>)
      %dma_wait3A_80 = tpu.memref_slice %arg7[%mul3A_52] : memref<10240xf32, #tpu.memory_space<vmem_shared>> -> memref<640xf32, #tpu.memory_space<vmem_shared>>
      %dma_wait3A_81 = tpu.memref_slice %arg7[%mul3A_52] : memref<10240xf32, #tpu.memory_space<vmem_shared>> -> memref<640xf32, #tpu.memory_space<vmem_shared>>
      tpu.wait_dma2 semaphore(%run_scoped3A_77 : memref<!tpu.dma_semaphore, #tpu.memory_space<semaphore_mem>>) src(%arg6 : memref<640xf32, #tpu.memory_space<vmem>>) dst(%dma_wait3A_81 : memref<640xf32, #tpu.memory_space<vmem_shared>>)
      tpu.yield
    }) : () -> ()
    %barrier3A = arith.constant 0 : index
    tpu.barrier barrier_id(%barrier3A)
    %dma_start3A = arith.constant 0 : i32
    %dma_start3A_53 = arith.constant 0 : i32
    %dma_start3A_54 = tpu.memref_slice %arg2[%add3A, %dma_start3A, %dma_start3A_53] : memref<32x80x128xi32, #tpu.memory_space<hbm>> -> memref<1x80x128xi32, #tpu.memory_space<hbm>>
    %dma_start3A_55 = tpu.memref_squeeze %dma_start3A_54 : memref<1x80x128xi32, #tpu.memory_space<hbm>> -> memref<80x128xi32, #tpu.memory_space<hbm>>
    %dma_start3A_56 = arith.constant 0 : i32
    %dma_start3A_57 = arith.constant 0 : i32
    %dma_start3A_58 = tpu.memref_slice %arg2[%add3A, %dma_start3A_56, %dma_start3A_57] : memref<32x80x128xi32, #tpu.memory_space<hbm>> -> memref<1x80x128xi32, #tpu.memory_space<hbm>>
    %dma_start3A_59 = tpu.memref_squeeze %dma_start3A_58 : memref<1x80x128xi32, #tpu.memory_space<hbm>> -> memref<80x128xi32, #tpu.memory_space<hbm>>
    tpu.enqueue_dma source(%dma_start3A_59 : memref<80x128xi32, #tpu.memory_space<hbm>>) target(%arg4 : memref<80x128xi32, #tpu.memory_space<vmem>>) target_semaphore(%arg8 : memref<!tpu.dma_semaphore, #tpu.memory_space<semaphore_mem>>)
    %dma_wait3A = arith.constant 0 : i32
    %dma_wait3A_60 = arith.constant 0 : i32
    %dma_wait3A_61 = tpu.memref_slice %arg2[%add3A, %dma_wait3A, %dma_wait3A_60] : memref<32x80x128xi32, #tpu.memory_space<hbm>> -> memref<1x80x128xi32, #tpu.memory_space<hbm>>
    %dma_wait3A_62 = tpu.memref_squeeze %dma_wait3A_61 : memref<1x80x128xi32, #tpu.memory_space<hbm>> -> memref<80x128xi32, #tpu.memory_space<hbm>>
    %dma_wait3A_63 = arith.constant 0 : i32
    %dma_wait3A_64 = arith.constant 0 : i32
    %dma_wait3A_65 = tpu.memref_slice %arg2[%add3A, %dma_wait3A_63, %dma_wait3A_64] : memref<32x80x128xi32, #tpu.memory_space<hbm>> -> memref<1x80x128xi32, #tpu.memory_space<hbm>>
    %dma_wait3A_66 = tpu.memref_squeeze %dma_wait3A_65 : memref<1x80x128xi32, #tpu.memory_space<hbm>> -> memref<80x128xi32, #tpu.memory_space<hbm>>
    tpu.wait_dma2 semaphore(%arg8 : memref<!tpu.dma_semaphore, #tpu.memory_space<semaphore_mem>>) src(%dma_wait3A_66 : memref<80x128xi32, #tpu.memory_space<hbm>>) dst(%arg4 : memref<80x128xi32, #tpu.memory_space<vmem>>)
    %scan3A_67 = arith.constant 0 : i32
    %scan3A_68 = arith.constant 80 : i32
    %scan3A_69 = arith.addi %scan3A_67, %scan3A_68 : i32
    %scan3A_70 = arith.constant 1 : i32
    scf.for %scan3A_77 = %scan3A_67 to %scan3A_69 step %scan3A_70  : i32 {
      %mul3A_78 = arith.constant 1 : i32
      %mul3A_79 = arith.muli %scan3A_77, %mul3A_78 : i32
      %add3A_80 = arith.constant 0 : i32
      %add3A_81 = arith.addi %add3A_80, %mul3A_79 : i32
      "tpu.region"() ({
        %run_scoped3A_82 = tpu.sem_alloc : memref<!tpu.dma_semaphore, #tpu.memory_space<semaphore_mem>>
        %dma_start3A_83 = arith.constant 0 : i32
        %dma_start3A_84 = tpu.memref_slice %arg4[%add3A_81, %dma_start3A_83] : memref<80x128xi32, #tpu.memory_space<vmem>> -> memref<1x128xi32, #tpu.memory_space<vmem>>
        %dma_start3A_85 = tpu.memref_squeeze %dma_start3A_84 : memref<1x128xi32, #tpu.memory_space<vmem>> -> memref<128xi32, #tpu.memory_space<vmem>>
        %dma_start3A_86 = arith.constant 0 : i32
        %dma_start3A_87 = tpu.memref_slice %arg7[%dma_start3A_86] : memref<10240xf32, #tpu.memory_space<vmem_shared>> -> memref<10240xf32, #tpu.memory_space<vmem_shared>>
        tpu.enqueue_indirect_dma source(%arg5 : memref<128xf32, #tpu.memory_space<vmem>>) target(%dma_start3A_87 : memref<10240xf32, #tpu.memory_space<vmem_shared>>) offsets(%dma_start3A_85 : memref<128xi32, #tpu.memory_space<vmem>>) semaphore(%run_scoped3A_82 : memref<!tpu.dma_semaphore, #tpu.memory_space<semaphore_mem>>) {add = true}
        %dma_wait3A_88 = arith.constant 0 : i32
        %dma_wait3A_89 = tpu.memref_slice %arg4[%add3A_81, %dma_wait3A_88] : memref<80x128xi32, #tpu.memory_space<vmem>> -> memref<1x128xi32, #tpu.memory_space<vmem>>
        %dma_wait3A_90 = tpu.memref_squeeze %dma_wait3A_89 : memref<1x128xi32, #tpu.memory_space<vmem>> -> memref<128xi32, #tpu.memory_space<vmem>>
        %dma_wait3A_91 = arith.constant 0 : i32
        %dma_wait3A_92 = tpu.memref_slice %arg7[%dma_wait3A_91] : memref<10240xf32, #tpu.memory_space<vmem_shared>> -> memref<10240xf32, #tpu.memory_space<vmem_shared>>
        tpu.wait_indirect_dma semaphore(%run_scoped3A_82 : memref<!tpu.dma_semaphore, #tpu.memory_space<semaphore_mem>>) src(%arg5 : memref<128xf32, #tpu.memory_space<vmem>>) dst(%dma_wait3A_92 : memref<10240xf32, #tpu.memory_space<vmem_shared>>)
        tpu.yield
      }) : () -> ()
    }
    %scan3A_71 = arith.constant 80 : i32
    %barrier3A_72 = arith.constant 0 : index
    tpu.barrier barrier_id(%barrier3A_72)
    %mul3A_73 = arith.constant 640 : i32
    %mul3A_74 = arith.muli %arg1, %mul3A_73 : i32
    %mul3A_75 = arith.constant 640 : i32
    %mul3A_76 = arith.muli %arg1, %mul3A_75 : i32
    %run_scoped3A = arith.constant 0 : i32
    "tpu.region"() ({
      %run_scoped3A_77 = tpu.sem_alloc : memref<!tpu.dma_semaphore, #tpu.memory_space<semaphore_mem>>
      %dma_start3A_78 = tpu.memref_slice %arg3[%arg0, %run_scoped3A, %mul3A_76] : memref<2x1x10240xf32, #tpu.memory_space<hbm>> -> memref<1x1x640xf32, #tpu.memory_space<hbm>>
      %dma_start3A_79 = tpu.memref_squeeze %dma_start3A_78 : memref<1x1x640xf32, #tpu.memory_space<hbm>> -> memref<640xf32, #tpu.memory_space<hbm>>
      %dma_start3A_80 = tpu.memref_slice %arg7[%mul3A_74] : memref<10240xf32, #tpu.memory_space<vmem_shared>> -> memref<640xf32, #tpu.memory_space<vmem_shared>>
      tpu.enqueue_dma source(%dma_start3A_80 : memref<640xf32, #tpu.memory_space<vmem_shared>>) target(%dma_start3A_79 : memref<640xf32, #tpu.memory_space<hbm>>) target_semaphore(%run_scoped3A_77 : memref<!tpu.dma_semaphore, #tpu.memory_space<semaphore_mem>>)
      %dma_wait3A_81 = tpu.memref_slice %arg3[%arg0, %run_scoped3A, %mul3A_76] : memref<2x1x10240xf32, #tpu.memory_space<hbm>> -> memref<1x1x640xf32, #tpu.memory_space<hbm>>
      %dma_wait3A_82 = tpu.memref_squeeze %dma_wait3A_81 : memref<1x1x640xf32, #tpu.memory_space<hbm>> -> memref<640xf32, #tpu.memory_space<hbm>>
      %dma_wait3A_83 = tpu.memref_slice %arg7[%mul3A_74] : memref<10240xf32, #tpu.memory_space<vmem_shared>> -> memref<640xf32, #tpu.memory_space<vmem_shared>>
      tpu.wait_dma2 semaphore(%run_scoped3A_77 : memref<!tpu.dma_semaphore, #tpu.memory_space<semaphore_mem>>) src(%dma_wait3A_83 : memref<640xf32, #tpu.memory_space<vmem_shared>>) dst(%dma_wait3A_82 : memref<640xf32, #tpu.memory_space<hbm>>)
      tpu.yield
    }) : () -> ()
    return
  }
}

#map = affine_map<(d0, d1) -> (0, 0)>
#map1 = affine_map<(d0, d1) -> (0, 0, 0)>
module attributes {stable_mosaic.version = 14 : i64} {
  func.func @_agg_body(%arg0: i32, %arg1: i32, %arg2: memref<10240x64xf32, #tpu.memory_space<hbm>>, %arg3: memref<32x80x128xi32, #tpu.memory_space<hbm>>, %arg4: memref<32x80x128xi32, #tpu.memory_space<hbm>>, %arg5: memref<2x10240x64xf32, #tpu.memory_space<hbm>>, %arg6: memref<80x128xi32, #tpu.memory_space<vmem>>, %arg7: memref<80x128xi32, #tpu.memory_space<vmem>>, %arg8: memref<4x128x64xf32, #tpu.memory_space<vmem>>, %arg9: memref<128x64xf32, #tpu.memory_space<vmem>>, %arg10: memref<10240x64xf32, #tpu.memory_space<vmem_shared>>, %arg11: memref<4x!tpu.dma_semaphore, #tpu.memory_space<semaphore_mem>>, %arg12: memref<!tpu.dma_semaphore, #tpu.memory_space<semaphore_mem>>) attributes {dimension_semantics = [#tpu.dimension_semantics<core_parallel>, #tpu.dimension_semantics<subcore_parallel>], iteration_bounds = array<i64: 2, 16>, scalar_prefetch = 0 : i64, scratch_operands = 7 : i64, tpu.core_type = #tpu.core_type<sc_vector_subcore>, window_params = [{transform_indices = #map}, {transform_indices = #map1}, {transform_indices = #map1}, {transform_indices = #map1}]} {
    %mul3A = arith.constant 2 : i32
    %mul3A_0 = arith.muli %arg1, %mul3A : i32
    %add3A = arith.addi %mul3A_0, %arg0 : i32
    %scan3A = arith.constant 0 : i32
    %scan3A_1 = arith.constant 128 : i32
    %scan3A_2 = arith.addi %scan3A, %scan3A_1 : i32
    %scan3A_3 = arith.constant 1 : i32
    scf.for %scan3A_110 = %scan3A to %scan3A_2 step %scan3A_3  : i32 {
      %mul3A_111 = arith.constant 1 : i32
      %mul3A_112 = arith.muli %scan3A_110, %mul3A_111 : i32
      %add3A_113 = arith.constant 0 : i32
      %add3A_114 = arith.addi %add3A_113, %mul3A_112 : i32
      %broadcast_in_dim3A = arith.constant 0.000000e+00 : f32
      %broadcast_in_dim3A_115 = vector.broadcast %broadcast_in_dim3A : f32 to vector<16xf32>
      %swap3A = arith.index_cast %add3A_114 : i32 to index
      %swap3A_116 = arith.constant 0 : index
      %swap3A_117 = tpu.vector_load %arg9[%swap3A, %swap3A_116] {strides = array<i32>} : memref<128x64xf32, #tpu.memory_space<vmem>>, vector<1x16xf32>,
      %swap3A_118 = vector.shape_cast %swap3A_117 : vector<1x16xf32> to vector<16xf32>
      %swap3A_119 = vector.shape_cast %broadcast_in_dim3A_115 : vector<16xf32> to vector<1x16xf32>
      tpu.vector_store %arg9[%swap3A, %swap3A_116], %swap3A_119 {strides = array<i32>} : memref<128x64xf32, #tpu.memory_space<vmem>>, vector<1x16xf32>,
      %broadcast_in_dim3A_120 = arith.constant 0.000000e+00 : f32
      %broadcast_in_dim3A_121 = vector.broadcast %broadcast_in_dim3A_120 : f32 to vector<16xf32>
      %swap3A_122 = arith.index_cast %add3A_114 : i32 to index
      %swap3A_123 = arith.constant 16 : index
      %swap3A_124 = tpu.vector_load %arg9[%swap3A_122, %swap3A_123] {strides = array<i32>} : memref<128x64xf32, #tpu.memory_space<vmem>>, vector<1x16xf32>,
      %swap3A_125 = vector.shape_cast %swap3A_124 : vector<1x16xf32> to vector<16xf32>
      %swap3A_126 = vector.shape_cast %broadcast_in_dim3A_121 : vector<16xf32> to vector<1x16xf32>
      tpu.vector_store %arg9[%swap3A_122, %swap3A_123], %swap3A_126 {strides = array<i32>} : memref<128x64xf32, #tpu.memory_space<vmem>>, vector<1x16xf32>,
      %broadcast_in_dim3A_127 = arith.constant 0.000000e+00 : f32
      %broadcast_in_dim3A_128 = vector.broadcast %broadcast_in_dim3A_127 : f32 to vector<16xf32>
      %swap3A_129 = arith.index_cast %add3A_114 : i32 to index
      %swap3A_130 = arith.constant 32 : index
      %swap3A_131 = tpu.vector_load %arg9[%swap3A_129, %swap3A_130] {strides = array<i32>} : memref<128x64xf32, #tpu.memory_space<vmem>>, vector<1x16xf32>,
      %swap3A_132 = vector.shape_cast %swap3A_131 : vector<1x16xf32> to vector<16xf32>
      %swap3A_133 = vector.shape_cast %broadcast_in_dim3A_128 : vector<16xf32> to vector<1x16xf32>
      tpu.vector_store %arg9[%swap3A_129, %swap3A_130], %swap3A_133 {strides = array<i32>} : memref<128x64xf32, #tpu.memory_space<vmem>>, vector<1x16xf32>,
      %broadcast_in_dim3A_134 = arith.constant 0.000000e+00 : f32
      %broadcast_in_dim3A_135 = vector.broadcast %broadcast_in_dim3A_134 : f32 to vector<16xf32>
      %swap3A_136 = arith.index_cast %add3A_114 : i32 to index
      %swap3A_137 = arith.constant 48 : index
      %swap3A_138 = tpu.vector_load %arg9[%swap3A_136, %swap3A_137] {strides = array<i32>} : memref<128x64xf32, #tpu.memory_space<vmem>>, vector<1x16xf32>,
      %swap3A_139 = vector.shape_cast %swap3A_138 : vector<1x16xf32> to vector<16xf32>
      %swap3A_140 = vector.shape_cast %broadcast_in_dim3A_135 : vector<16xf32> to vector<1x16xf32>
      tpu.vector_store %arg9[%swap3A_136, %swap3A_137], %swap3A_140 {strides = array<i32>} : memref<128x64xf32, #tpu.memory_space<vmem>>, vector<1x16xf32>,
    }
    %scan3A_4 = arith.constant 128 : i32
    %scan3A_5 = arith.constant 0 : i32
    %scan3A_6 = arith.constant 5 : i32
    %scan3A_7 = arith.addi %scan3A_5, %scan3A_6 : i32
    %scan3A_8 = arith.constant 1 : i32
    scf.for %scan3A_110 = %scan3A_5 to %scan3A_7 step %scan3A_8  : i32 {
      %mul3A_111 = arith.constant 1 : i32
      %mul3A_112 = arith.muli %scan3A_110, %mul3A_111 : i32
      %add3A_113 = arith.constant 0 : i32
      %add3A_114 = arith.addi %add3A_113, %mul3A_112 : i32
      %mul3A_115 = arith.constant 640 : i32
      %mul3A_116 = arith.muli %arg1, %mul3A_115 : i32
      %mul3A_117 = arith.constant 128 : i32
      %mul3A_118 = arith.muli %add3A_114, %mul3A_117 : i32
      %add3A_119 = arith.addi %mul3A_116, %mul3A_118 : i32
      "tpu.region"() ({
        %run_scoped3A = tpu.sem_alloc : memref<!tpu.dma_semaphore, #tpu.memory_space<semaphore_mem>>
        %dma_start3A_120 = arith.constant 0 : i32
        %dma_start3A_121 = tpu.memref_slice %arg10[%add3A_119, %dma_start3A_120] : memref<10240x64xf32, #tpu.memory_space<vmem_shared>> -> memref<128x64xf32, #tpu.memory_space<vmem_shared>>
        %dma_start3A_122 = arith.constant 0 : i32
        %dma_start3A_123 = tpu.memref_slice %arg10[%add3A_119, %dma_start3A_122] : memref<10240x64xf32, #tpu.memory_space<vmem_shared>> -> memref<128x64xf32, #tpu.memory_space<vmem_shared>>
        tpu.enqueue_dma source(%arg9 : memref<128x64xf32, #tpu.memory_space<vmem>>) target(%dma_start3A_123 : memref<128x64xf32, #tpu.memory_space<vmem_shared>>) target_semaphore(%run_scoped3A : memref<!tpu.dma_semaphore, #tpu.memory_space<semaphore_mem>>)
        %dma_wait3A_124 = arith.constant 0 : i32
        %dma_wait3A_125 = tpu.memref_slice %arg10[%add3A_119, %dma_wait3A_124] : memref<10240x64xf32, #tpu.memory_space<vmem_shared>> -> memref<128x64xf32, #tpu.memory_space<vmem_shared>>
        %dma_wait3A_126 = arith.constant 0 : i32
        %dma_wait3A_127 = tpu.memref_slice %arg10[%add3A_119, %dma_wait3A_126] : memref<10240x64xf32, #tpu.memory_space<vmem_shared>> -> memref<128x64xf32, #tpu.memory_space<vmem_shared>>
        tpu.wait_dma2 semaphore(%run_scoped3A : memref<!tpu.dma_semaphore, #tpu.memory_space<semaphore_mem>>) src(%arg9 : memref<128x64xf32, #tpu.memory_space<vmem>>) dst(%dma_wait3A_127 : memref<128x64xf32, #tpu.memory_space<vmem_shared>>)
        tpu.yield
      }) : () -> ()
    }
    %scan3A_9 = arith.constant 5 : i32
    %barrier3A = arith.constant 0 : index
    tpu.barrier barrier_id(%barrier3A)
    %dma_start3A = arith.constant 0 : i32
    %dma_start3A_10 = arith.constant 0 : i32
    %dma_start3A_11 = tpu.memref_slice %arg3[%add3A, %dma_start3A, %dma_start3A_10] : memref<32x80x128xi32, #tpu.memory_space<hbm>> -> memref<1x80x128xi32, #tpu.memory_space<hbm>>
    %dma_start3A_12 = tpu.memref_squeeze %dma_start3A_11 : memref<1x80x128xi32, #tpu.memory_space<hbm>> -> memref<80x128xi32, #tpu.memory_space<hbm>>
    %dma_start3A_13 = arith.constant 0 : i32
    %dma_start3A_14 = arith.constant 0 : i32
    %dma_start3A_15 = tpu.memref_slice %arg3[%add3A, %dma_start3A_13, %dma_start3A_14] : memref<32x80x128xi32, #tpu.memory_space<hbm>> -> memref<1x80x128xi32, #tpu.memory_space<hbm>>
    %dma_start3A_16 = tpu.memref_squeeze %dma_start3A_15 : memref<1x80x128xi32, #tpu.memory_space<hbm>> -> memref<80x128xi32, #tpu.memory_space<hbm>>
    tpu.enqueue_dma source(%dma_start3A_16 : memref<80x128xi32, #tpu.memory_space<hbm>>) target(%arg6 : memref<80x128xi32, #tpu.memory_space<vmem>>) target_semaphore(%arg12 : memref<!tpu.dma_semaphore, #tpu.memory_space<semaphore_mem>>)
    %dma_start3A_17 = arith.constant 0 : i32
    %dma_start3A_18 = arith.constant 0 : i32
    %dma_start3A_19 = tpu.memref_slice %arg4[%add3A, %dma_start3A_17, %dma_start3A_18] : memref<32x80x128xi32, #tpu.memory_space<hbm>> -> memref<1x80x128xi32, #tpu.memory_space<hbm>>
    %dma_start3A_20 = tpu.memref_squeeze %dma_start3A_19 : memref<1x80x128xi32, #tpu.memory_space<hbm>> -> memref<80x128xi32, #tpu.memory_space<hbm>>
    %dma_start3A_21 = arith.constant 0 : i32
    %dma_start3A_22 = arith.constant 0 : i32
    %dma_start3A_23 = tpu.memref_slice %arg4[%add3A, %dma_start3A_21, %dma_start3A_22] : memref<32x80x128xi32, #tpu.memory_space<hbm>> -> memref<1x80x128xi32, #tpu.memory_space<hbm>>
    %dma_start3A_24 = tpu.memref_squeeze %dma_start3A_23 : memref<1x80x128xi32, #tpu.memory_space<hbm>> -> memref<80x128xi32, #tpu.memory_space<hbm>>
    tpu.enqueue_dma source(%dma_start3A_24 : memref<80x128xi32, #tpu.memory_space<hbm>>) target(%arg7 : memref<80x128xi32, #tpu.memory_space<vmem>>) target_semaphore(%arg12 : memref<!tpu.dma_semaphore, #tpu.memory_space<semaphore_mem>>)
    %dma_wait3A = arith.constant 0 : i32
    %dma_wait3A_25 = arith.constant 0 : i32
    %dma_wait3A_26 = tpu.memref_slice %arg3[%add3A, %dma_wait3A, %dma_wait3A_25] : memref<32x80x128xi32, #tpu.memory_space<hbm>> -> memref<1x80x128xi32, #tpu.memory_space<hbm>>
    %dma_wait3A_27 = tpu.memref_squeeze %dma_wait3A_26 : memref<1x80x128xi32, #tpu.memory_space<hbm>> -> memref<80x128xi32, #tpu.memory_space<hbm>>
    %dma_wait3A_28 = arith.constant 0 : i32
    %dma_wait3A_29 = arith.constant 0 : i32
    %dma_wait3A_30 = tpu.memref_slice %arg3[%add3A, %dma_wait3A_28, %dma_wait3A_29] : memref<32x80x128xi32, #tpu.memory_space<hbm>> -> memref<1x80x128xi32, #tpu.memory_space<hbm>>
    %dma_wait3A_31 = tpu.memref_squeeze %dma_wait3A_30 : memref<1x80x128xi32, #tpu.memory_space<hbm>> -> memref<80x128xi32, #tpu.memory_space<hbm>>
    tpu.wait_dma2 semaphore(%arg12 : memref<!tpu.dma_semaphore, #tpu.memory_space<semaphore_mem>>) src(%dma_wait3A_31 : memref<80x128xi32, #tpu.memory_space<hbm>>) dst(%arg6 : memref<80x128xi32, #tpu.memory_space<vmem>>)
    %dma_wait3A_32 = arith.constant 0 : i32
    %dma_wait3A_33 = arith.constant 0 : i32
    %dma_wait3A_34 = tpu.memref_slice %arg4[%add3A, %dma_wait3A_32, %dma_wait3A_33] : memref<32x80x128xi32, #tpu.memory_space<hbm>> -> memref<1x80x128xi32, #tpu.memory_space<hbm>>
    %dma_wait3A_35 = tpu.memref_squeeze %dma_wait3A_34 : memref<1x80x128xi32, #tpu.memory_space<hbm>> -> memref<80x128xi32, #tpu.memory_space<hbm>>
    %dma_wait3A_36 = arith.constant 0 : i32
    %dma_wait3A_37 = arith.constant 0 : i32
    %dma_wait3A_38 = tpu.memref_slice %arg4[%add3A, %dma_wait3A_36, %dma_wait3A_37] : memref<32x80x128xi32, #tpu.memory_space<hbm>> -> memref<1x80x128xi32, #tpu.memory_space<hbm>>
    %dma_wait3A_39 = tpu.memref_squeeze %dma_wait3A_38 : memref<1x80x128xi32, #tpu.memory_space<hbm>> -> memref<80x128xi32, #tpu.memory_space<hbm>>
    tpu.wait_dma2 semaphore(%arg12 : memref<!tpu.dma_semaphore, #tpu.memory_space<semaphore_mem>>) src(%dma_wait3A_39 : memref<80x128xi32, #tpu.memory_space<hbm>>) dst(%arg7 : memref<80x128xi32, #tpu.memory_space<vmem>>)
    %dma_start3A_40 = arith.constant 0 : i32
    %dma_start3A_41 = arith.constant 0 : i32
    %dma_start3A_42 = arith.constant 0 : i32
    %dma_start3A_43 = arith.constant 0 : i32
    %dma_start3A_44 = arith.constant 0 : i32
    %dma_start3A_45 = tpu.memref_slice %arg8[%dma_start3A_41, %dma_start3A_43, %dma_start3A_44] : memref<4x128x64xf32, #tpu.memory_space<vmem>> -> memref<1x128x64xf32, #tpu.memory_space<vmem>>
    %dma_start3A_46 = tpu.memref_squeeze %dma_start3A_45 : memref<1x128x64xf32, #tpu.memory_space<vmem>> -> memref<128x64xf32, #tpu.memory_space<vmem>>
    %dma_start3A_47 = arith.constant 0 : i32
    %dma_start3A_48 = tpu.memref_slice %arg6[%dma_start3A_40, %dma_start3A_47] : memref<80x128xi32, #tpu.memory_space<vmem>> -> memref<1x128xi32, #tpu.memory_space<vmem>>
    %dma_start3A_49 = tpu.memref_squeeze %dma_start3A_48 : memref<1x128xi32, #tpu.memory_space<vmem>> -> memref<128xi32, #tpu.memory_space<vmem>>
    %dma_start3A_50 = arith.constant 0 : i32
    %dma_start3A_51 = arith.constant 0 : i32
    %dma_start3A_52 = tpu.memref_slice %arg2[%dma_start3A_50, %dma_start3A_51] : memref<10240x64xf32, #tpu.memory_space<hbm>> -> memref<10240x64xf32, #tpu.memory_space<hbm>>
    %dma_start3A_53 = tpu.memref_slice %arg11[%dma_start3A_42] : memref<4x!tpu.dma_semaphore, #tpu.memory_space<semaphore_mem>> -> memref<1x!tpu.dma_semaphore, #tpu.memory_space<semaphore_mem>>
    %dma_start3A_54 = tpu.memref_squeeze %dma_start3A_53 : memref<1x!tpu.dma_semaphore, #tpu.memory_space<semaphore_mem>> -> memref<!tpu.dma_semaphore, #tpu.memory_space<semaphore_mem>>
    tpu.enqueue_indirect_dma source(%dma_start3A_52 : memref<10240x64xf32, #tpu.memory_space<hbm>>) target(%dma_start3A_46 : memref<128x64xf32, #tpu.memory_space<vmem>>) offsets(%dma_start3A_49 : memref<128xi32, #tpu.memory_space<vmem>>) semaphore(%dma_start3A_54 : memref<!tpu.dma_semaphore, #tpu.memory_space<semaphore_mem>>)
    %dma_start3A_55 = arith.constant 1 : i32
    %dma_start3A_56 = arith.constant 1 : i32
    %dma_start3A_57 = arith.constant 1 : i32
    %dma_start3A_58 = arith.constant 0 : i32
    %dma_start3A_59 = arith.constant 0 : i32
    %dma_start3A_60 = tpu.memref_slice %arg8[%dma_start3A_56, %dma_start3A_58, %dma_start3A_59] : memref<4x128x64xf32, #tpu.memory_space<vmem>> -> memref<1x128x64xf32, #tpu.memory_space<vmem>>
    %dma_start3A_61 = tpu.memref_squeeze %dma_start3A_60 : memref<1x128x64xf32, #tpu.memory_space<vmem>> -> memref<128x64xf32, #tpu.memory_space<vmem>>
    %dma_start3A_62 = arith.constant 0 : i32
    %dma_start3A_63 = tpu.memref_slice %arg6[%dma_start3A_55, %dma_start3A_62] : memref<80x128xi32, #tpu.memory_space<vmem>> -> memref<1x128xi32, #tpu.memory_space<vmem>>
    %dma_start3A_64 = tpu.memref_squeeze %dma_start3A_63 : memref<1x128xi32, #tpu.memory_space<vmem>> -> memref<128xi32, #tpu.memory_space<vmem>>
    %dma_start3A_65 = arith.constant 0 : i32
    %dma_start3A_66 = arith.constant 0 : i32
    %dma_start3A_67 = tpu.memref_slice %arg2[%dma_start3A_65, %dma_start3A_66] : memref<10240x64xf32, #tpu.memory_space<hbm>> -> memref<10240x64xf32, #tpu.memory_space<hbm>>
    %dma_start3A_68 = tpu.memref_slice %arg11[%dma_start3A_57] : memref<4x!tpu.dma_semaphore, #tpu.memory_space<semaphore_mem>> -> memref<1x!tpu.dma_semaphore, #tpu.memory_space<semaphore_mem>>
    %dma_start3A_69 = tpu.memref_squeeze %dma_start3A_68 : memref<1x!tpu.dma_semaphore, #tpu.memory_space<semaphore_mem>> -> memref<!tpu.dma_semaphore, #tpu.memory_space<semaphore_mem>>
    tpu.enqueue_indirect_dma source(%dma_start3A_67 : memref<10240x64xf32, #tpu.memory_space<hbm>>) target(%dma_start3A_61 : memref<128x64xf32, #tpu.memory_space<vmem>>) offsets(%dma_start3A_64 : memref<128xi32, #tpu.memory_space<vmem>>) semaphore(%dma_start3A_69 : memref<!tpu.dma_semaphore, #tpu.memory_space<semaphore_mem>>)
    %dma_start3A_70 = arith.constant 2 : i32
    %dma_start3A_71 = arith.constant 2 : i32
    %dma_start3A_72 = arith.constant 2 : i32
    %dma_start3A_73 = arith.constant 0 : i32
    %dma_start3A_74 = arith.constant 0 : i32
    %dma_start3A_75 = tpu.memref_slice %arg8[%dma_start3A_71, %dma_start3A_73, %dma_start3A_74] : memref<4x128x64xf32, #tpu.memory_space<vmem>> -> memref<1x128x64xf32, #tpu.memory_space<vmem>>
    %dma_start3A_76 = tpu.memref_squeeze %dma_start3A_75 : memref<1x128x64xf32, #tpu.memory_space<vmem>> -> memref<128x64xf32, #tpu.memory_space<vmem>>
    %dma_start3A_77 = arith.constant 0 : i32
    %dma_start3A_78 = tpu.memref_slice %arg6[%dma_start3A_70, %dma_start3A_77] : memref<80x128xi32, #tpu.memory_space<vmem>> -> memref<1x128xi32, #tpu.memory_space<vmem>>
    %dma_start3A_79 = tpu.memref_squeeze %dma_start3A_78 : memref<1x128xi32, #tpu.memory_space<vmem>> -> memref<128xi32, #tpu.memory_space<vmem>>
    %dma_start3A_80 = arith.constant 0 : i32
    %dma_start3A_81 = arith.constant 0 : i32
    %dma_start3A_82 = tpu.memref_slice %arg2[%dma_start3A_80, %dma_start3A_81] : memref<10240x64xf32, #tpu.memory_space<hbm>> -> memref<10240x64xf32, #tpu.memory_space<hbm>>
    %dma_start3A_83 = tpu.memref_slice %arg11[%dma_start3A_72] : memref<4x!tpu.dma_semaphore, #tpu.memory_space<semaphore_mem>> -> memref<1x!tpu.dma_semaphore, #tpu.memory_space<semaphore_mem>>
    %dma_start3A_84 = tpu.memref_squeeze %dma_start3A_83 : memref<1x!tpu.dma_semaphore, #tpu.memory_space<semaphore_mem>> -> memref<!tpu.dma_semaphore, #tpu.memory_space<semaphore_mem>>
    tpu.enqueue_indirect_dma source(%dma_start3A_82 : memref<10240x64xf32, #tpu.memory_space<hbm>>) target(%dma_start3A_76 : memref<128x64xf32, #tpu.memory_space<vmem>>) offsets(%dma_start3A_79 : memref<128xi32, #tpu.memory_space<vmem>>) semaphore(%dma_start3A_84 : memref<!tpu.dma_semaphore, #tpu.memory_space<semaphore_mem>>)
    %dma_start3A_85 = arith.constant 3 : i32
    %dma_start3A_86 = arith.constant 3 : i32
    %dma_start3A_87 = arith.constant 3 : i32
    %dma_start3A_88 = arith.constant 0 : i32
    %dma_start3A_89 = arith.constant 0 : i32
    %dma_start3A_90 = tpu.memref_slice %arg8[%dma_start3A_86, %dma_start3A_88, %dma_start3A_89] : memref<4x128x64xf32, #tpu.memory_space<vmem>> -> memref<1x128x64xf32, #tpu.memory_space<vmem>>
    %dma_start3A_91 = tpu.memref_squeeze %dma_start3A_90 : memref<1x128x64xf32, #tpu.memory_space<vmem>> -> memref<128x64xf32, #tpu.memory_space<vmem>>
    %dma_start3A_92 = arith.constant 0 : i32
    %dma_start3A_93 = tpu.memref_slice %arg6[%dma_start3A_85, %dma_start3A_92] : memref<80x128xi32, #tpu.memory_space<vmem>> -> memref<1x128xi32, #tpu.memory_space<vmem>>
    %dma_start3A_94 = tpu.memref_squeeze %dma_start3A_93 : memref<1x128xi32, #tpu.memory_space<vmem>> -> memref<128xi32, #tpu.memory_space<vmem>>
    %dma_start3A_95 = arith.constant 0 : i32
    %dma_start3A_96 = arith.constant 0 : i32
    %dma_start3A_97 = tpu.memref_slice %arg2[%dma_start3A_95, %dma_start3A_96] : memref<10240x64xf32, #tpu.memory_space<hbm>> -> memref<10240x64xf32, #tpu.memory_space<hbm>>
    %dma_start3A_98 = tpu.memref_slice %arg11[%dma_start3A_87] : memref<4x!tpu.dma_semaphore, #tpu.memory_space<semaphore_mem>> -> memref<1x!tpu.dma_semaphore, #tpu.memory_space<semaphore_mem>>
    %dma_start3A_99 = tpu.memref_squeeze %dma_start3A_98 : memref<1x!tpu.dma_semaphore, #tpu.memory_space<semaphore_mem>> -> memref<!tpu.dma_semaphore, #tpu.memory_space<semaphore_mem>>
    tpu.enqueue_indirect_dma source(%dma_start3A_97 : memref<10240x64xf32, #tpu.memory_space<hbm>>) target(%dma_start3A_91 : memref<128x64xf32, #tpu.memory_space<vmem>>) offsets(%dma_start3A_94 : memref<128xi32, #tpu.memory_space<vmem>>) semaphore(%dma_start3A_99 : memref<!tpu.dma_semaphore, #tpu.memory_space<semaphore_mem>>)
    %scan3A_100 = arith.constant 0 : i32
    %scan3A_101 = arith.constant 20 : i32
    %scan3A_102 = arith.addi %scan3A_100, %scan3A_101 : i32
    %scan3A_103 = arith.constant 1 : i32
    scf.for %scan3A_110 = %scan3A_100 to %scan3A_102 step %scan3A_103  : i32 {
      %mul3A_111 = arith.constant 4 : i32
      %mul3A_112 = arith.muli %scan3A_110, %mul3A_111 : i32
      %add3A_113 = arith.constant 0 : i32
      %add3A_114 = arith.addi %add3A_113, %mul3A_112 : i32
      %add3A_115 = arith.constant 0 : i32
      %add3A_116 = arith.addi %add3A_114, %add3A_115 : i32
      %dma_wait3A_117 = arith.constant 0 : i32
      %dma_wait3A_118 = arith.constant 0 : i32
      %dma_wait3A_119 = arith.constant 0 : i32
      %dma_wait3A_120 = arith.constant 0 : i32
      %dma_wait3A_121 = arith.constant 0 : i32
      %dma_wait3A_122 = tpu.memref_slice %arg8[%dma_wait3A_118, %dma_wait3A_120, %dma_wait3A_121] : memref<4x128x64xf32, #tpu.memory_space<vmem>> -> memref<1x128x64xf32, #tpu.memory_space<vmem>>
      %dma_wait3A_123 = tpu.memref_squeeze %dma_wait3A_122 : memref<1x128x64xf32, #tpu.memory_space<vmem>> -> memref<128x64xf32, #tpu.memory_space<vmem>>
      %dma_wait3A_124 = arith.constant 0 : i32
      %dma_wait3A_125 = tpu.memref_slice %arg6[%dma_wait3A_117, %dma_wait3A_124] : memref<80x128xi32, #tpu.memory_space<vmem>> -> memref<1x128xi32, #tpu.memory_space<vmem>>
      %dma_wait3A_126 = tpu.memref_squeeze %dma_wait3A_125 : memref<1x128xi32, #tpu.memory_space<vmem>> -> memref<128xi32, #tpu.memory_space<vmem>>
      %dma_wait3A_127 = arith.constant 0 : i32
      %dma_wait3A_128 = arith.constant 0 : i32
      %dma_wait3A_129 = tpu.memref_slice %arg2[%dma_wait3A_127, %dma_wait3A_128] : memref<10240x64xf32, #tpu.memory_space<hbm>> -> memref<10240x64xf32, #tpu.memory_space<hbm>>
      %dma_wait3A_130 = tpu.memref_slice %arg11[%dma_wait3A_119] : memref<4x!tpu.dma_semaphore, #tpu.memory_space<semaphore_mem>> -> memref<1x!tpu.dma_semaphore, #tpu.memory_space<semaphore_mem>>
      %dma_wait3A_131 = tpu.memref_squeeze %dma_wait3A_130 : memref<1x!tpu.dma_semaphore, #tpu.memory_space<semaphore_mem>> -> memref<!tpu.dma_semaphore, #tpu.memory_space<semaphore_mem>>
      tpu.wait_indirect_dma semaphore(%dma_wait3A_131 : memref<!tpu.dma_semaphore, #tpu.memory_space<semaphore_mem>>) src(%dma_wait3A_129 : memref<10240x64xf32, #tpu.memory_space<hbm>>) dst(%dma_wait3A_123 : memref<128x64xf32, #tpu.memory_space<vmem>>)
      %run_scoped3A = arith.constant 0 : i32
      "tpu.region"() ({
        %run_scoped3A_211 = tpu.sem_alloc : memref<!tpu.dma_semaphore, #tpu.memory_space<semaphore_mem>>
        %dma_start3A_212 = arith.constant 0 : i32
        %dma_start3A_213 = arith.constant 0 : i32
        %dma_start3A_214 = tpu.memref_slice %arg8[%run_scoped3A, %dma_start3A_212, %dma_start3A_213] : memref<4x128x64xf32, #tpu.memory_space<vmem>> -> memref<1x128x64xf32, #tpu.memory_space<vmem>>
        %dma_start3A_215 = tpu.memref_squeeze %dma_start3A_214 : memref<1x128x64xf32, #tpu.memory_space<vmem>> -> memref<128x64xf32, #tpu.memory_space<vmem>>
        %dma_start3A_216 = arith.constant 0 : i32
        %dma_start3A_217 = tpu.memref_slice %arg7[%add3A_116, %dma_start3A_216] : memref<80x128xi32, #tpu.memory_space<vmem>> -> memref<1x128xi32, #tpu.memory_space<vmem>>
        %dma_start3A_218 = tpu.memref_squeeze %dma_start3A_217 : memref<1x128xi32, #tpu.memory_space<vmem>> -> memref<128xi32, #tpu.memory_space<vmem>>
        %dma_start3A_219 = arith.constant 0 : i32
        %dma_start3A_220 = arith.constant 0 : i32
        %dma_start3A_221 = tpu.memref_slice %arg10[%dma_start3A_219, %dma_start3A_220] : memref<10240x64xf32, #tpu.memory_space<vmem_shared>> -> memref<10240x64xf32, #tpu.memory_space<vmem_shared>>
        tpu.enqueue_indirect_dma source(%dma_start3A_215 : memref<128x64xf32, #tpu.memory_space<vmem>>) target(%dma_start3A_221 : memref<10240x64xf32, #tpu.memory_space<vmem_shared>>) offsets(%dma_start3A_218 : memref<128xi32, #tpu.memory_space<vmem>>) semaphore(%run_scoped3A_211 : memref<!tpu.dma_semaphore, #tpu.memory_space<semaphore_mem>>) {add = true}
        %dma_wait3A_222 = arith.constant 0 : i32
        %dma_wait3A_223 = arith.constant 0 : i32
        %dma_wait3A_224 = tpu.memref_slice %arg8[%run_scoped3A, %dma_wait3A_222, %dma_wait3A_223] : memref<4x128x64xf32, #tpu.memory_space<vmem>> -> memref<1x128x64xf32, #tpu.memory_space<vmem>>
        %dma_wait3A_225 = tpu.memref_squeeze %dma_wait3A_224 : memref<1x128x64xf32, #tpu.memory_space<vmem>> -> memref<128x64xf32, #tpu.memory_space<vmem>>
        %dma_wait3A_226 = arith.constant 0 : i32
        %dma_wait3A_227 = tpu.memref_slice %arg7[%add3A_116, %dma_wait3A_226] : memref<80x128xi32, #tpu.memory_space<vmem>> -> memref<1x128xi32, #tpu.memory_space<vmem>>
        %dma_wait3A_228 = tpu.memref_squeeze %dma_wait3A_227 : memref<1x128xi32, #tpu.memory_space<vmem>> -> memref<128xi32, #tpu.memory_space<vmem>>
        %dma_wait3A_229 = arith.constant 0 : i32
        %dma_wait3A_230 = arith.constant 0 : i32
        %dma_wait3A_231 = tpu.memref_slice %arg10[%dma_wait3A_229, %dma_wait3A_230] : memref<10240x64xf32, #tpu.memory_space<vmem_shared>> -> memref<10240x64xf32, #tpu.memory_space<vmem_shared>>
        tpu.wait_indirect_dma semaphore(%run_scoped3A_211 : memref<!tpu.dma_semaphore, #tpu.memory_space<semaphore_mem>>) src(%dma_wait3A_225 : memref<128x64xf32, #tpu.memory_space<vmem>>) dst(%dma_wait3A_231 : memref<10240x64xf32, #tpu.memory_space<vmem_shared>>)
        tpu.yield
      }) : () -> ()
      %add3A_132 = arith.constant 4 : i32
      %add3A_133 = arith.addi %add3A_116, %add3A_132 : i32
      %lt3A = arith.constant 80 : i32
      %lt3A_134 = arith.cmpi slt, %add3A_133, %lt3A : i32
      %convert_element_type3A = arith.extui %lt3A_134 : i1 to i32
      %cond3A = arith.constant 0 : i32
      %cond3A_135 = arith.cmpi ne, %convert_element_type3A, %cond3A : i32
      scf.if %cond3A_135 {
        %add3A_211 = arith.constant 4 : i32
        %add3A_212 = arith.addi %add3A_116, %add3A_211 : i32
        %dma_start3A_213 = arith.constant 0 : i32
        %dma_start3A_214 = arith.constant 0 : i32
        %dma_start3A_215 = arith.constant 0 : i32
        %dma_start3A_216 = arith.constant 0 : i32
        %dma_start3A_217 = tpu.memref_slice %arg8[%dma_start3A_213, %dma_start3A_215, %dma_start3A_216] : memref<4x128x64xf32, #tpu.memory_space<vmem>> -> memref<1x128x64xf32, #tpu.memory_space<vmem>>
        %dma_start3A_218 = tpu.memref_squeeze %dma_start3A_217 : memref<1x128x64xf32, #tpu.memory_space<vmem>> -> memref<128x64xf32, #tpu.memory_space<vmem>>
        %dma_start3A_219 = arith.constant 0 : i32
        %dma_start3A_220 = tpu.memref_slice %arg6[%add3A_212, %dma_start3A_219] : memref<80x128xi32, #tpu.memory_space<vmem>> -> memref<1x128xi32, #tpu.memory_space<vmem>>
        %dma_start3A_221 = tpu.memref_squeeze %dma_start3A_220 : memref<1x128xi32, #tpu.memory_space<vmem>> -> memref<128xi32, #tpu.memory_space<vmem>>
        %dma_start3A_222 = arith.constant 0 : i32
        %dma_start3A_223 = arith.constant 0 : i32
        %dma_start3A_224 = tpu.memref_slice %arg2[%dma_start3A_222, %dma_start3A_223] : memref<10240x64xf32, #tpu.memory_space<hbm>> -> memref<10240x64xf32, #tpu.memory_space<hbm>>
        %dma_start3A_225 = tpu.memref_slice %arg11[%dma_start3A_214] : memref<4x!tpu.dma_semaphore, #tpu.memory_space<semaphore_mem>> -> memref<1x!tpu.dma_semaphore, #tpu.memory_space<semaphore_mem>>
        %dma_start3A_226 = tpu.memref_squeeze %dma_start3A_225 : memref<1x!tpu.dma_semaphore, #tpu.memory_space<semaphore_mem>> -> memref<!tpu.dma_semaphore, #tpu.memory_space<semaphore_mem>>
        tpu.enqueue_indirect_dma source(%dma_start3A_224 : memref<10240x64xf32, #tpu.memory_space<hbm>>) target(%dma_start3A_218 : memref<128x64xf32, #tpu.memory_space<vmem>>) offsets(%dma_start3A_221 : memref<128xi32, #tpu.memory_space<vmem>>) semaphore(%dma_start3A_226 : memref<!tpu.dma_semaphore, #tpu.memory_space<semaphore_mem>>)
      } else {
      }
      %add3A_136 = arith.constant 1 : i32
      %add3A_137 = arith.addi %add3A_114, %add3A_136 : i32
      %dma_wait3A_138 = arith.constant 1 : i32
      %dma_wait3A_139 = arith.constant 1 : i32
      %dma_wait3A_140 = arith.constant 1 : i32
      %dma_wait3A_141 = arith.constant 0 : i32
      %dma_wait3A_142 = arith.constant 0 : i32
      %dma_wait3A_143 = tpu.memref_slice %arg8[%dma_wait3A_139, %dma_wait3A_141, %dma_wait3A_142] : memref<4x128x64xf32, #tpu.memory_space<vmem>> -> memref<1x128x64xf32, #tpu.memory_space<vmem>>
      %dma_wait3A_144 = tpu.memref_squeeze %dma_wait3A_143 : memref<1x128x64xf32, #tpu.memory_space<vmem>> -> memref<128x64xf32, #tpu.memory_space<vmem>>
      %dma_wait3A_145 = arith.constant 0 : i32
      %dma_wait3A_146 = tpu.memref_slice %arg6[%dma_wait3A_138, %dma_wait3A_145] : memref<80x128xi32, #tpu.memory_space<vmem>> -> memref<1x128xi32, #tpu.memory_space<vmem>>
      %dma_wait3A_147 = tpu.memref_squeeze %dma_wait3A_146 : memref<1x128xi32, #tpu.memory_space<vmem>> -> memref<128xi32, #tpu.memory_space<vmem>>
      %dma_wait3A_148 = arith.constant 0 : i32
      %dma_wait3A_149 = arith.constant 0 : i32
      %dma_wait3A_150 = tpu.memref_slice %arg2[%dma_wait3A_148, %dma_wait3A_149] : memref<10240x64xf32, #tpu.memory_space<hbm>> -> memref<10240x64xf32, #tpu.memory_space<hbm>>
      %dma_wait3A_151 = tpu.memref_slice %arg11[%dma_wait3A_140] : memref<4x!tpu.dma_semaphore, #tpu.memory_space<semaphore_mem>> -> memref<1x!tpu.dma_semaphore, #tpu.memory_space<semaphore_mem>>
      %dma_wait3A_152 = tpu.memref_squeeze %dma_wait3A_151 : memref<1x!tpu.dma_semaphore, #tpu.memory_space<semaphore_mem>> -> memref<!tpu.dma_semaphore, #tpu.memory_space<semaphore_mem>>
      tpu.wait_indirect_dma semaphore(%dma_wait3A_152 : memref<!tpu.dma_semaphore, #tpu.memory_space<semaphore_mem>>) src(%dma_wait3A_150 : memref<10240x64xf32, #tpu.memory_space<hbm>>) dst(%dma_wait3A_144 : memref<128x64xf32, #tpu.memory_space<vmem>>)
      %run_scoped3A_153 = arith.constant 1 : i32
      "tpu.region"() ({
        %run_scoped3A_211 = tpu.sem_alloc : memref<!tpu.dma_semaphore, #tpu.memory_space<semaphore_mem>>
        %dma_start3A_212 = arith.constant 0 : i32
        %dma_start3A_213 = arith.constant 0 : i32
        %dma_start3A_214 = tpu.memref_slice %arg8[%run_scoped3A_153, %dma_start3A_212, %dma_start3A_213] : memref<4x128x64xf32, #tpu.memory_space<vmem>> -> memref<1x128x64xf32, #tpu.memory_space<vmem>>
        %dma_start3A_215 = tpu.memref_squeeze %dma_start3A_214 : memref<1x128x64xf32, #tpu.memory_space<vmem>> -> memref<128x64xf32, #tpu.memory_space<vmem>>
        %dma_start3A_216 = arith.constant 0 : i32
        %dma_start3A_217 = tpu.memref_slice %arg7[%add3A_137, %dma_start3A_216] : memref<80x128xi32, #tpu.memory_space<vmem>> -> memref<1x128xi32, #tpu.memory_space<vmem>>
        %dma_start3A_218 = tpu.memref_squeeze %dma_start3A_217 : memref<1x128xi32, #tpu.memory_space<vmem>> -> memref<128xi32, #tpu.memory_space<vmem>>
        %dma_start3A_219 = arith.constant 0 : i32
        %dma_start3A_220 = arith.constant 0 : i32
        %dma_start3A_221 = tpu.memref_slice %arg10[%dma_start3A_219, %dma_start3A_220] : memref<10240x64xf32, #tpu.memory_space<vmem_shared>> -> memref<10240x64xf32, #tpu.memory_space<vmem_shared>>
        tpu.enqueue_indirect_dma source(%dma_start3A_215 : memref<128x64xf32, #tpu.memory_space<vmem>>) target(%dma_start3A_221 : memref<10240x64xf32, #tpu.memory_space<vmem_shared>>) offsets(%dma_start3A_218 : memref<128xi32, #tpu.memory_space<vmem>>) semaphore(%run_scoped3A_211 : memref<!tpu.dma_semaphore, #tpu.memory_space<semaphore_mem>>) {add = true}
        %dma_wait3A_222 = arith.constant 0 : i32
        %dma_wait3A_223 = arith.constant 0 : i32
        %dma_wait3A_224 = tpu.memref_slice %arg8[%run_scoped3A_153, %dma_wait3A_222, %dma_wait3A_223] : memref<4x128x64xf32, #tpu.memory_space<vmem>> -> memref<1x128x64xf32, #tpu.memory_space<vmem>>
        %dma_wait3A_225 = tpu.memref_squeeze %dma_wait3A_224 : memref<1x128x64xf32, #tpu.memory_space<vmem>> -> memref<128x64xf32, #tpu.memory_space<vmem>>
        %dma_wait3A_226 = arith.constant 0 : i32
        %dma_wait3A_227 = tpu.memref_slice %arg7[%add3A_137, %dma_wait3A_226] : memref<80x128xi32, #tpu.memory_space<vmem>> -> memref<1x128xi32, #tpu.memory_space<vmem>>
        %dma_wait3A_228 = tpu.memref_squeeze %dma_wait3A_227 : memref<1x128xi32, #tpu.memory_space<vmem>> -> memref<128xi32, #tpu.memory_space<vmem>>
        %dma_wait3A_229 = arith.constant 0 : i32
        %dma_wait3A_230 = arith.constant 0 : i32
        %dma_wait3A_231 = tpu.memref_slice %arg10[%dma_wait3A_229, %dma_wait3A_230] : memref<10240x64xf32, #tpu.memory_space<vmem_shared>> -> memref<10240x64xf32, #tpu.memory_space<vmem_shared>>
        tpu.wait_indirect_dma semaphore(%run_scoped3A_211 : memref<!tpu.dma_semaphore, #tpu.memory_space<semaphore_mem>>) src(%dma_wait3A_225 : memref<128x64xf32, #tpu.memory_space<vmem>>) dst(%dma_wait3A_231 : memref<10240x64xf32, #tpu.memory_space<vmem_shared>>)
        tpu.yield
      }) : () -> ()
      %add3A_154 = arith.constant 4 : i32
      %add3A_155 = arith.addi %add3A_137, %add3A_154 : i32
      %lt3A_156 = arith.constant 80 : i32
      %lt3A_157 = arith.cmpi slt, %add3A_155, %lt3A_156 : i32
      %convert_element_type3A_158 = arith.extui %lt3A_157 : i1 to i32
      %cond3A_159 = arith.constant 0 : i32
      %cond3A_160 = arith.cmpi ne, %convert_element_type3A_158, %cond3A_159 : i32
      scf.if %cond3A_160 {
        %add3A_211 = arith.constant 4 : i32
        %add3A_212 = arith.addi %add3A_137, %add3A_211 : i32
        %dma_start3A_213 = arith.constant 1 : i32
        %dma_start3A_214 = arith.constant 1 : i32
        %dma_start3A_215 = arith.constant 0 : i32
        %dma_start3A_216 = arith.constant 0 : i32
        %dma_start3A_217 = tpu.memref_slice %arg8[%dma_start3A_213, %dma_start3A_215, %dma_start3A_216] : memref<4x128x64xf32, #tpu.memory_space<vmem>> -> memref<1x128x64xf32, #tpu.memory_space<vmem>>
        %dma_start3A_218 = tpu.memref_squeeze %dma_start3A_217 : memref<1x128x64xf32, #tpu.memory_space<vmem>> -> memref<128x64xf32, #tpu.memory_space<vmem>>
        %dma_start3A_219 = arith.constant 0 : i32
        %dma_start3A_220 = tpu.memref_slice %arg6[%add3A_212, %dma_start3A_219] : memref<80x128xi32, #tpu.memory_space<vmem>> -> memref<1x128xi32, #tpu.memory_space<vmem>>
        %dma_start3A_221 = tpu.memref_squeeze %dma_start3A_220 : memref<1x128xi32, #tpu.memory_space<vmem>> -> memref<128xi32, #tpu.memory_space<vmem>>
        %dma_start3A_222 = arith.constant 0 : i32
        %dma_start3A_223 = arith.constant 0 : i32
        %dma_start3A_224 = tpu.memref_slice %arg2[%dma_start3A_222, %dma_start3A_223] : memref<10240x64xf32, #tpu.memory_space<hbm>> -> memref<10240x64xf32, #tpu.memory_space<hbm>>
        %dma_start3A_225 = tpu.memref_slice %arg11[%dma_start3A_214] : memref<4x!tpu.dma_semaphore, #tpu.memory_space<semaphore_mem>> -> memref<1x!tpu.dma_semaphore, #tpu.memory_space<semaphore_mem>>
        %dma_start3A_226 = tpu.memref_squeeze %dma_start3A_225 : memref<1x!tpu.dma_semaphore, #tpu.memory_space<semaphore_mem>> -> memref<!tpu.dma_semaphore, #tpu.memory_space<semaphore_mem>>
        tpu.enqueue_indirect_dma source(%dma_start3A_224 : memref<10240x64xf32, #tpu.memory_space<hbm>>) target(%dma_start3A_218 : memref<128x64xf32, #tpu.memory_space<vmem>>) offsets(%dma_start3A_221 : memref<128xi32, #tpu.memory_space<vmem>>) semaphore(%dma_start3A_226 : memref<!tpu.dma_semaphore, #tpu.memory_space<semaphore_mem>>)
      } else {
      }
      %add3A_161 = arith.constant 2 : i32
      %add3A_162 = arith.addi %add3A_114, %add3A_161 : i32
      %dma_wait3A_163 = arith.constant 2 : i32
      %dma_wait3A_164 = arith.constant 2 : i32
      %dma_wait3A_165 = arith.constant 2 : i32
      %dma_wait3A_166 = arith.constant 0 : i32
      %dma_wait3A_167 = arith.constant 0 : i32
      %dma_wait3A_168 = tpu.memref_slice %arg8[%dma_wait3A_164, %dma_wait3A_166, %dma_wait3A_167] : memref<4x128x64xf32, #tpu.memory_space<vmem>> -> memref<1x128x64xf32, #tpu.memory_space<vmem>>
      %dma_wait3A_169 = tpu.memref_squeeze %dma_wait3A_168 : memref<1x128x64xf32, #tpu.memory_space<vmem>> -> memref<128x64xf32, #tpu.memory_space<vmem>>
      %dma_wait3A_170 = arith.constant 0 : i32
      %dma_wait3A_171 = tpu.memref_slice %arg6[%dma_wait3A_163, %dma_wait3A_170] : memref<80x128xi32, #tpu.memory_space<vmem>> -> memref<1x128xi32, #tpu.memory_space<vmem>>
      %dma_wait3A_172 = tpu.memref_squeeze %dma_wait3A_171 : memref<1x128xi32, #tpu.memory_space<vmem>> -> memref<128xi32, #tpu.memory_space<vmem>>
      %dma_wait3A_173 = arith.constant 0 : i32
      %dma_wait3A_174 = arith.constant 0 : i32
      %dma_wait3A_175 = tpu.memref_slice %arg2[%dma_wait3A_173, %dma_wait3A_174] : memref<10240x64xf32, #tpu.memory_space<hbm>> -> memref<10240x64xf32, #tpu.memory_space<hbm>>
      %dma_wait3A_176 = tpu.memref_slice %arg11[%dma_wait3A_165] : memref<4x!tpu.dma_semaphore, #tpu.memory_space<semaphore_mem>> -> memref<1x!tpu.dma_semaphore, #tpu.memory_space<semaphore_mem>>
      %dma_wait3A_177 = tpu.memref_squeeze %dma_wait3A_176 : memref<1x!tpu.dma_semaphore, #tpu.memory_space<semaphore_mem>> -> memref<!tpu.dma_semaphore, #tpu.memory_space<semaphore_mem>>
      tpu.wait_indirect_dma semaphore(%dma_wait3A_177 : memref<!tpu.dma_semaphore, #tpu.memory_space<semaphore_mem>>) src(%dma_wait3A_175 : memref<10240x64xf32, #tpu.memory_space<hbm>>) dst(%dma_wait3A_169 : memref<128x64xf32, #tpu.memory_space<vmem>>)
      %run_scoped3A_178 = arith.constant 2 : i32
      "tpu.region"() ({
        %run_scoped3A_211 = tpu.sem_alloc : memref<!tpu.dma_semaphore, #tpu.memory_space<semaphore_mem>>
        %dma_start3A_212 = arith.constant 0 : i32
        %dma_start3A_213 = arith.constant 0 : i32
        %dma_start3A_214 = tpu.memref_slice %arg8[%run_scoped3A_178, %dma_start3A_212, %dma_start3A_213] : memref<4x128x64xf32, #tpu.memory_space<vmem>> -> memref<1x128x64xf32, #tpu.memory_space<vmem>>
        %dma_start3A_215 = tpu.memref_squeeze %dma_start3A_214 : memref<1x128x64xf32, #tpu.memory_space<vmem>> -> memref<128x64xf32, #tpu.memory_space<vmem>>
        %dma_start3A_216 = arith.constant 0 : i32
        %dma_start3A_217 = tpu.memref_slice %arg7[%add3A_162, %dma_start3A_216] : memref<80x128xi32, #tpu.memory_space<vmem>> -> memref<1x128xi32, #tpu.memory_space<vmem>>
        %dma_start3A_218 = tpu.memref_squeeze %dma_start3A_217 : memref<1x128xi32, #tpu.memory_space<vmem>> -> memref<128xi32, #tpu.memory_space<vmem>>
        %dma_start3A_219 = arith.constant 0 : i32
        %dma_start3A_220 = arith.constant 0 : i32
        %dma_start3A_221 = tpu.memref_slice %arg10[%dma_start3A_219, %dma_start3A_220] : memref<10240x64xf32, #tpu.memory_space<vmem_shared>> -> memref<10240x64xf32, #tpu.memory_space<vmem_shared>>
        tpu.enqueue_indirect_dma source(%dma_start3A_215 : memref<128x64xf32, #tpu.memory_space<vmem>>) target(%dma_start3A_221 : memref<10240x64xf32, #tpu.memory_space<vmem_shared>>) offsets(%dma_start3A_218 : memref<128xi32, #tpu.memory_space<vmem>>) semaphore(%run_scoped3A_211 : memref<!tpu.dma_semaphore, #tpu.memory_space<semaphore_mem>>) {add = true}
        %dma_wait3A_222 = arith.constant 0 : i32
        %dma_wait3A_223 = arith.constant 0 : i32
        %dma_wait3A_224 = tpu.memref_slice %arg8[%run_scoped3A_178, %dma_wait3A_222, %dma_wait3A_223] : memref<4x128x64xf32, #tpu.memory_space<vmem>> -> memref<1x128x64xf32, #tpu.memory_space<vmem>>
        %dma_wait3A_225 = tpu.memref_squeeze %dma_wait3A_224 : memref<1x128x64xf32, #tpu.memory_space<vmem>> -> memref<128x64xf32, #tpu.memory_space<vmem>>
        %dma_wait3A_226 = arith.constant 0 : i32
        %dma_wait3A_227 = tpu.memref_slice %arg7[%add3A_162, %dma_wait3A_226] : memref<80x128xi32, #tpu.memory_space<vmem>> -> memref<1x128xi32, #tpu.memory_space<vmem>>
        %dma_wait3A_228 = tpu.memref_squeeze %dma_wait3A_227 : memref<1x128xi32, #tpu.memory_space<vmem>> -> memref<128xi32, #tpu.memory_space<vmem>>
        %dma_wait3A_229 = arith.constant 0 : i32
        %dma_wait3A_230 = arith.constant 0 : i32
        %dma_wait3A_231 = tpu.memref_slice %arg10[%dma_wait3A_229, %dma_wait3A_230] : memref<10240x64xf32, #tpu.memory_space<vmem_shared>> -> memref<10240x64xf32, #tpu.memory_space<vmem_shared>>
        tpu.wait_indirect_dma semaphore(%run_scoped3A_211 : memref<!tpu.dma_semaphore, #tpu.memory_space<semaphore_mem>>) src(%dma_wait3A_225 : memref<128x64xf32, #tpu.memory_space<vmem>>) dst(%dma_wait3A_231 : memref<10240x64xf32, #tpu.memory_space<vmem_shared>>)
        tpu.yield
      }) : () -> ()
      %add3A_179 = arith.constant 4 : i32
      %add3A_180 = arith.addi %add3A_162, %add3A_179 : i32
      %lt3A_181 = arith.constant 80 : i32
      %lt3A_182 = arith.cmpi slt, %add3A_180, %lt3A_181 : i32
      %convert_element_type3A_183 = arith.extui %lt3A_182 : i1 to i32
      %cond3A_184 = arith.constant 0 : i32
      %cond3A_185 = arith.cmpi ne, %convert_element_type3A_183, %cond3A_184 : i32
      scf.if %cond3A_185 {
        %add3A_211 = arith.constant 4 : i32
        %add3A_212 = arith.addi %add3A_162, %add3A_211 : i32
        %dma_start3A_213 = arith.constant 2 : i32
        %dma_start3A_214 = arith.constant 2 : i32
        %dma_start3A_215 = arith.constant 0 : i32
        %dma_start3A_216 = arith.constant 0 : i32
        %dma_start3A_217 = tpu.memref_slice %arg8[%dma_start3A_213, %dma_start3A_215, %dma_start3A_216] : memref<4x128x64xf32, #tpu.memory_space<vmem>> -> memref<1x128x64xf32, #tpu.memory_space<vmem>>
        %dma_start3A_218 = tpu.memref_squeeze %dma_start3A_217 : memref<1x128x64xf32, #tpu.memory_space<vmem>> -> memref<128x64xf32, #tpu.memory_space<vmem>>
        %dma_start3A_219 = arith.constant 0 : i32
        %dma_start3A_220 = tpu.memref_slice %arg6[%add3A_212, %dma_start3A_219] : memref<80x128xi32, #tpu.memory_space<vmem>> -> memref<1x128xi32, #tpu.memory_space<vmem>>
        %dma_start3A_221 = tpu.memref_squeeze %dma_start3A_220 : memref<1x128xi32, #tpu.memory_space<vmem>> -> memref<128xi32, #tpu.memory_space<vmem>>
        %dma_start3A_222 = arith.constant 0 : i32
        %dma_start3A_223 = arith.constant 0 : i32
        %dma_start3A_224 = tpu.memref_slice %arg2[%dma_start3A_222, %dma_start3A_223] : memref<10240x64xf32, #tpu.memory_space<hbm>> -> memref<10240x64xf32, #tpu.memory_space<hbm>>
        %dma_start3A_225 = tpu.memref_slice %arg11[%dma_start3A_214] : memref<4x!tpu.dma_semaphore, #tpu.memory_space<semaphore_mem>> -> memref<1x!tpu.dma_semaphore, #tpu.memory_space<semaphore_mem>>
        %dma_start3A_226 = tpu.memref_squeeze %dma_start3A_225 : memref<1x!tpu.dma_semaphore, #tpu.memory_space<semaphore_mem>> -> memref<!tpu.dma_semaphore, #tpu.memory_space<semaphore_mem>>
        tpu.enqueue_indirect_dma source(%dma_start3A_224 : memref<10240x64xf32, #tpu.memory_space<hbm>>) target(%dma_start3A_218 : memref<128x64xf32, #tpu.memory_space<vmem>>) offsets(%dma_start3A_221 : memref<128xi32, #tpu.memory_space<vmem>>) semaphore(%dma_start3A_226 : memref<!tpu.dma_semaphore, #tpu.memory_space<semaphore_mem>>)
      } else {
      }
      %add3A_186 = arith.constant 3 : i32
      %add3A_187 = arith.addi %add3A_114, %add3A_186 : i32
      %dma_wait3A_188 = arith.constant 3 : i32
      %dma_wait3A_189 = arith.constant 3 : i32
      %dma_wait3A_190 = arith.constant 3 : i32
      %dma_wait3A_191 = arith.constant 0 : i32
      %dma_wait3A_192 = arith.constant 0 : i32
      %dma_wait3A_193 = tpu.memref_slice %arg8[%dma_wait3A_189, %dma_wait3A_191, %dma_wait3A_192] : memref<4x128x64xf32, #tpu.memory_space<vmem>> -> memref<1x128x64xf32, #tpu.memory_space<vmem>>
      %dma_wait3A_194 = tpu.memref_squeeze %dma_wait3A_193 : memref<1x128x64xf32, #tpu.memory_space<vmem>> -> memref<128x64xf32, #tpu.memory_space<vmem>>
      %dma_wait3A_195 = arith.constant 0 : i32
      %dma_wait3A_196 = tpu.memref_slice %arg6[%dma_wait3A_188, %dma_wait3A_195] : memref<80x128xi32, #tpu.memory_space<vmem>> -> memref<1x128xi32, #tpu.memory_space<vmem>>
      %dma_wait3A_197 = tpu.memref_squeeze %dma_wait3A_196 : memref<1x128xi32, #tpu.memory_space<vmem>> -> memref<128xi32, #tpu.memory_space<vmem>>
      %dma_wait3A_198 = arith.constant 0 : i32
      %dma_wait3A_199 = arith.constant 0 : i32
      %dma_wait3A_200 = tpu.memref_slice %arg2[%dma_wait3A_198, %dma_wait3A_199] : memref<10240x64xf32, #tpu.memory_space<hbm>> -> memref<10240x64xf32, #tpu.memory_space<hbm>>
      %dma_wait3A_201 = tpu.memref_slice %arg11[%dma_wait3A_190] : memref<4x!tpu.dma_semaphore, #tpu.memory_space<semaphore_mem>> -> memref<1x!tpu.dma_semaphore, #tpu.memory_space<semaphore_mem>>
      %dma_wait3A_202 = tpu.memref_squeeze %dma_wait3A_201 : memref<1x!tpu.dma_semaphore, #tpu.memory_space<semaphore_mem>> -> memref<!tpu.dma_semaphore, #tpu.memory_space<semaphore_mem>>
      tpu.wait_indirect_dma semaphore(%dma_wait3A_202 : memref<!tpu.dma_semaphore, #tpu.memory_space<semaphore_mem>>) src(%dma_wait3A_200 : memref<10240x64xf32, #tpu.memory_space<hbm>>) dst(%dma_wait3A_194 : memref<128x64xf32, #tpu.memory_space<vmem>>)
      %run_scoped3A_203 = arith.constant 3 : i32
      "tpu.region"() ({
        %run_scoped3A_211 = tpu.sem_alloc : memref<!tpu.dma_semaphore, #tpu.memory_space<semaphore_mem>>
        %dma_start3A_212 = arith.constant 0 : i32
        %dma_start3A_213 = arith.constant 0 : i32
        %dma_start3A_214 = tpu.memref_slice %arg8[%run_scoped3A_203, %dma_start3A_212, %dma_start3A_213] : memref<4x128x64xf32, #tpu.memory_space<vmem>> -> memref<1x128x64xf32, #tpu.memory_space<vmem>>
        %dma_start3A_215 = tpu.memref_squeeze %dma_start3A_214 : memref<1x128x64xf32, #tpu.memory_space<vmem>> -> memref<128x64xf32, #tpu.memory_space<vmem>>
        %dma_start3A_216 = arith.constant 0 : i32
        %dma_start3A_217 = tpu.memref_slice %arg7[%add3A_187, %dma_start3A_216] : memref<80x128xi32, #tpu.memory_space<vmem>> -> memref<1x128xi32, #tpu.memory_space<vmem>>
        %dma_start3A_218 = tpu.memref_squeeze %dma_start3A_217 : memref<1x128xi32, #tpu.memory_space<vmem>> -> memref<128xi32, #tpu.memory_space<vmem>>
        %dma_start3A_219 = arith.constant 0 : i32
        %dma_start3A_220 = arith.constant 0 : i32
        %dma_start3A_221 = tpu.memref_slice %arg10[%dma_start3A_219, %dma_start3A_220] : memref<10240x64xf32, #tpu.memory_space<vmem_shared>> -> memref<10240x64xf32, #tpu.memory_space<vmem_shared>>
        tpu.enqueue_indirect_dma source(%dma_start3A_215 : memref<128x64xf32, #tpu.memory_space<vmem>>) target(%dma_start3A_221 : memref<10240x64xf32, #tpu.memory_space<vmem_shared>>) offsets(%dma_start3A_218 : memref<128xi32, #tpu.memory_space<vmem>>) semaphore(%run_scoped3A_211 : memref<!tpu.dma_semaphore, #tpu.memory_space<semaphore_mem>>) {add = true}
        %dma_wait3A_222 = arith.constant 0 : i32
        %dma_wait3A_223 = arith.constant 0 : i32
        %dma_wait3A_224 = tpu.memref_slice %arg8[%run_scoped3A_203, %dma_wait3A_222, %dma_wait3A_223] : memref<4x128x64xf32, #tpu.memory_space<vmem>> -> memref<1x128x64xf32, #tpu.memory_space<vmem>>
        %dma_wait3A_225 = tpu.memref_squeeze %dma_wait3A_224 : memref<1x128x64xf32, #tpu.memory_space<vmem>> -> memref<128x64xf32, #tpu.memory_space<vmem>>
        %dma_wait3A_226 = arith.constant 0 : i32
        %dma_wait3A_227 = tpu.memref_slice %arg7[%add3A_187, %dma_wait3A_226] : memref<80x128xi32, #tpu.memory_space<vmem>> -> memref<1x128xi32, #tpu.memory_space<vmem>>
        %dma_wait3A_228 = tpu.memref_squeeze %dma_wait3A_227 : memref<1x128xi32, #tpu.memory_space<vmem>> -> memref<128xi32, #tpu.memory_space<vmem>>
        %dma_wait3A_229 = arith.constant 0 : i32
        %dma_wait3A_230 = arith.constant 0 : i32
        %dma_wait3A_231 = tpu.memref_slice %arg10[%dma_wait3A_229, %dma_wait3A_230] : memref<10240x64xf32, #tpu.memory_space<vmem_shared>> -> memref<10240x64xf32, #tpu.memory_space<vmem_shared>>
        tpu.wait_indirect_dma semaphore(%run_scoped3A_211 : memref<!tpu.dma_semaphore, #tpu.memory_space<semaphore_mem>>) src(%dma_wait3A_225 : memref<128x64xf32, #tpu.memory_space<vmem>>) dst(%dma_wait3A_231 : memref<10240x64xf32, #tpu.memory_space<vmem_shared>>)
        tpu.yield
      }) : () -> ()
      %add3A_204 = arith.constant 4 : i32
      %add3A_205 = arith.addi %add3A_187, %add3A_204 : i32
      %lt3A_206 = arith.constant 80 : i32
      %lt3A_207 = arith.cmpi slt, %add3A_205, %lt3A_206 : i32
      %convert_element_type3A_208 = arith.extui %lt3A_207 : i1 to i32
      %cond3A_209 = arith.constant 0 : i32
      %cond3A_210 = arith.cmpi ne, %convert_element_type3A_208, %cond3A_209 : i32
      scf.if %cond3A_210 {
        %add3A_211 = arith.constant 4 : i32
        %add3A_212 = arith.addi %add3A_187, %add3A_211 : i32
        %dma_start3A_213 = arith.constant 3 : i32
        %dma_start3A_214 = arith.constant 3 : i32
        %dma_start3A_215 = arith.constant 0 : i32
        %dma_start3A_216 = arith.constant 0 : i32
        %dma_start3A_217 = tpu.memref_slice %arg8[%dma_start3A_213, %dma_start3A_215, %dma_start3A_216] : memref<4x128x64xf32, #tpu.memory_space<vmem>> -> memref<1x128x64xf32, #tpu.memory_space<vmem>>
        %dma_start3A_218 = tpu.memref_squeeze %dma_start3A_217 : memref<1x128x64xf32, #tpu.memory_space<vmem>> -> memref<128x64xf32, #tpu.memory_space<vmem>>
        %dma_start3A_219 = arith.constant 0 : i32
        %dma_start3A_220 = tpu.memref_slice %arg6[%add3A_212, %dma_start3A_219] : memref<80x128xi32, #tpu.memory_space<vmem>> -> memref<1x128xi32, #tpu.memory_space<vmem>>
        %dma_start3A_221 = tpu.memref_squeeze %dma_start3A_220 : memref<1x128xi32, #tpu.memory_space<vmem>> -> memref<128xi32, #tpu.memory_space<vmem>>
        %dma_start3A_222 = arith.constant 0 : i32
        %dma_start3A_223 = arith.constant 0 : i32
        %dma_start3A_224 = tpu.memref_slice %arg2[%dma_start3A_222, %dma_start3A_223] : memref<10240x64xf32, #tpu.memory_space<hbm>> -> memref<10240x64xf32, #tpu.memory_space<hbm>>
        %dma_start3A_225 = tpu.memref_slice %arg11[%dma_start3A_214] : memref<4x!tpu.dma_semaphore, #tpu.memory_space<semaphore_mem>> -> memref<1x!tpu.dma_semaphore, #tpu.memory_space<semaphore_mem>>
        %dma_start3A_226 = tpu.memref_squeeze %dma_start3A_225 : memref<1x!tpu.dma_semaphore, #tpu.memory_space<semaphore_mem>> -> memref<!tpu.dma_semaphore, #tpu.memory_space<semaphore_mem>>
        tpu.enqueue_indirect_dma source(%dma_start3A_224 : memref<10240x64xf32, #tpu.memory_space<hbm>>) target(%dma_start3A_218 : memref<128x64xf32, #tpu.memory_space<vmem>>) offsets(%dma_start3A_221 : memref<128xi32, #tpu.memory_space<vmem>>) semaphore(%dma_start3A_226 : memref<!tpu.dma_semaphore, #tpu.memory_space<semaphore_mem>>)
      } else {
      }
    }
    %scan3A_104 = arith.constant 20 : i32
    %barrier3A_105 = arith.constant 0 : index
    tpu.barrier barrier_id(%barrier3A_105)
    %mul3A_106 = arith.constant 640 : i32
    %mul3A_107 = arith.muli %arg1, %mul3A_106 : i32
    %mul3A_108 = arith.constant 640 : i32
    %mul3A_109 = arith.muli %arg1, %mul3A_108 : i32
    "tpu.region"() ({
      %run_scoped3A = tpu.sem_alloc : memref<!tpu.dma_semaphore, #tpu.memory_space<semaphore_mem>>
      %dma_start3A_110 = arith.constant 0 : i32
      %dma_start3A_111 = tpu.memref_slice %arg5[%arg0, %mul3A_109, %dma_start3A_110] : memref<2x10240x64xf32, #tpu.memory_space<hbm>> -> memref<1x640x64xf32, #tpu.memory_space<hbm>>
      %dma_start3A_112 = tpu.memref_squeeze %dma_start3A_111 : memref<1x640x64xf32, #tpu.memory_space<hbm>> -> memref<640x64xf32, #tpu.memory_space<hbm>>
      %dma_start3A_113 = arith.constant 0 : i32
      %dma_start3A_114 = tpu.memref_slice %arg10[%mul3A_107, %dma_start3A_113] : memref<10240x64xf32, #tpu.memory_space<vmem_shared>> -> memref<640x64xf32, #tpu.memory_space<vmem_shared>>
      tpu.enqueue_dma source(%dma_start3A_114 : memref<640x64xf32, #tpu.memory_space<vmem_shared>>) target(%dma_start3A_112 : memref<640x64xf32, #tpu.memory_space<hbm>>) target_semaphore(%run_scoped3A : memref<!tpu.dma_semaphore, #tpu.memory_space<semaphore_mem>>)
      %dma_wait3A_115 = arith.constant 0 : i32
      %dma_wait3A_116 = tpu.memref_slice %arg5[%arg0, %mul3A_109, %dma_wait3A_115] : memref<2x10240x64xf32, #tpu.memory_space<hbm>> -> memref<1x640x64xf32, #tpu.memory_space<hbm>>
      %dma_wait3A_117 = tpu.memref_squeeze %dma_wait3A_116 : memref<1x640x64xf32, #tpu.memory_space<hbm>> -> memref<640x64xf32, #tpu.memory_space<hbm>>
      %dma_wait3A_118 = arith.constant 0 : i32
      %dma_wait3A_119 = tpu.memref_slice %arg10[%mul3A_107, %dma_wait3A_118] : memref<10240x64xf32, #tpu.memory_space<vmem_shared>> -> memref<640x64xf32, #tpu.memory_space<vmem_shared>>
      tpu.wait_dma2 semaphore(%run_scoped3A : memref<!tpu.dma_semaphore, #tpu.memory_space<semaphore_mem>>) src(%dma_wait3A_119 : memref<640x64xf32, #tpu.memory_space<vmem_shared>>) dst(%dma_wait3A_117 : memref<640x64xf32, #tpu.memory_space<hbm>>)
      tpu.yield
    }) : () -> ()
    return
  }
}

module attributes {stable_mosaic.version = 14 : i64} {
  func.func @_b_body(%arg0: i32, %arg1: memref<1024x2xf32, #tpu.memory_space<vmem>>, %arg2: memref<1024x128xf32, #tpu.memory_space<vmem>>, %arg3: memref<128x64xf32, #tpu.memory_space<vmem>>, %arg4: memref<1024x64xf32, #tpu.memory_space<vmem>>, %arg5: memref<1024x1xf32, #tpu.memory_space<vmem>>) attributes {dimension_semantics = [#tpu.dimension_semantics<arbitrary>], iteration_bounds = array<i64: 10>, scalar_prefetch = 0 : i64, scratch_operands = 0 : i64, tpu.core_type = #tpu.core_type<tc>, window_params = [{transform_indices = @transform_0, window_bounds = array<i64: 1024, 2>}, {transform_indices = @transform_1, window_bounds = array<i64: 1024, 128>}, {pipeline_mode = #tpu.pipeline_mode<synchronous>, transform_indices = @transform_2, window_bounds = array<i64: 128, 64>}, {transform_indices = @transform_3, window_bounds = array<i64: 1024, 64>}, {transform_indices = @transform_4, window_bounds = array<i64: 1024, 1>}]} {
    %get3A = arith.constant 0 : index
    %get3A_0 = arith.constant 0 : index
    %get3A_1 = vector.load %arg1[%get3A, %get3A_0] : memref<1024x2xf32, #tpu.memory_space<vmem>>, vector<1024x1xf32>
    %get3A_2 = arith.constant 0 : index
    %get3A_3 = arith.constant 1 : index
    %get3A_4 = vector.load %arg1[%get3A_2, %get3A_3] : memref<1024x2xf32, #tpu.memory_space<vmem>>, vector<1024x1xf32>
    %add3A = arith.addf %get3A_1, %get3A_4 : vector<1024x1xf32>
    %add3A_5 = arith.constant 1.000000e+00 : f32
    %add3A_6 = vector.broadcast %add3A_5 : f32 to vector<1024x1xf32>
    %add3A_7 = arith.addf %add3A, %add3A_6 : vector<1024x1xf32>
    %rsqrt3A = math.rsqrt %add3A_7 : vector<1024x1xf32>
    %get3A_8 = arith.constant 0 : index
    %get3A_9 = arith.constant 0 : index
    %get3A_10 = vector.load %arg2[%get3A_8, %get3A_9] : memref<1024x128xf32, #tpu.memory_space<vmem>>, vector<1024x128xf32>
    %get3A_11 = arith.constant 0 : index
    %get3A_12 = arith.constant 0 : index
    %get3A_13 = vector.load %arg3[%get3A_11, %get3A_12] : memref<128x64xf32, #tpu.memory_space<vmem>>, vector<128x64xf32>
    %dot_general3A = arith.constant dense<0.000000e+00> : vector<1024x64xf32>
    %dot_general3A_14 = tpu.matmul %get3A_10, %get3A_13, %dot_general3A {dimension_numbers = #tpu.dot_dimension_numbers<[1], [0], [0], [1], [0, 0, 1, 1], [], []>, transpose_lhs_hint = false} : vector<1024x128xf32>, vector<128x64xf32>, vector<1024x64xf32> -> vector<1024x64xf32>
    %mul3A = vector.broadcast %rsqrt3A : vector<1024x1xf32> to vector<1024x64xf32>
    %mul3A_15 = arith.mulf %dot_general3A_14, %mul3A : vector<1024x64xf32>
    %swap3A = arith.constant 0 : index
    %swap3A_16 = arith.constant 0 : index
    %swap3A_17 = vector.load %arg4[%swap3A, %swap3A_16] : memref<1024x64xf32, #tpu.memory_space<vmem>>, vector<1024x64xf32>
    tpu.vector_store %arg4[%swap3A, %swap3A_16], %mul3A_15 {strides = array<i32>} : memref<1024x64xf32, #tpu.memory_space<vmem>>, vector<1024x64xf32>,
    %swap3A_18 = arith.constant 0 : index
    %swap3A_19 = arith.constant 0 : index
    %swap3A_20 = vector.load %arg5[%swap3A_18, %swap3A_19] : memref<1024x1xf32, #tpu.memory_space<vmem>>, vector<1024x1xf32>
    tpu.vector_store %arg5[%swap3A_18, %swap3A_19], %rsqrt3A {strides = array<i32>} : memref<1024x1xf32, #tpu.memory_space<vmem>>, vector<1024x1xf32>,
    return
  }
  func.func @transform_0(%arg0: i32) -> (i32, i32) {
    %c0_i32 = arith.constant 0 : i32
    %c0_i32_0 = arith.constant 0 : i32
    return %arg0, %c0_i32 : i32, i32
  }
  func.func @transform_1(%arg0: i32) -> (i32, i32) {
    %c0_i32 = arith.constant 0 : i32
    %c0_i32_0 = arith.constant 0 : i32
    return %arg0, %c0_i32 : i32, i32
  }
  func.func @transform_2(%arg0: i32) -> (i32, i32) {
    %c0_i32 = arith.constant 0 : i32
    %c0_i32_0 = arith.constant 0 : i32
    %c0_i32_1 = arith.constant 0 : i32
    return %c0_i32, %c0_i32_0 : i32, i32
  }
  func.func @transform_3(%arg0: i32) -> (i32, i32) {
    %c0_i32 = arith.constant 0 : i32
    %c0_i32_0 = arith.constant 0 : i32
    return %arg0, %c0_i32 : i32, i32
  }
  func.func @transform_4(%arg0: i32) -> (i32, i32) {
    %c0_i32 = arith.constant 0 : i32
    %c0_i32_0 = arith.constant 0 : i32
    return %arg0, %c0_i32 : i32, i32
  }
}

module attributes {stable_mosaic.version = 14 : i64} {
  func.func @_d_body(%arg0: i32, %arg1: memref<2x1024x64xf32, #tpu.memory_space<vmem>>, %arg2: memref<1024x64xf32, #tpu.memory_space<vmem>>, %arg3: memref<1024x1xf32, #tpu.memory_space<vmem>>, %arg4: memref<64x2xf32, #tpu.memory_space<vmem>>, %arg5: memref<1x64xf32, #tpu.memory_space<vmem>>, %arg6: memref<2x1024xf32, #tpu.memory_space<vmem>>) attributes {dimension_semantics = [#tpu.dimension_semantics<arbitrary>], iteration_bounds = array<i64: 10>, scalar_prefetch = 0 : i64, scratch_operands = 0 : i64, tpu.core_type = #tpu.core_type<tc>, window_params = [{transform_indices = @transform_0, window_bounds = array<i64: 2, 1024, 64>}, {transform_indices = @transform_1, window_bounds = array<i64: 1024, 64>}, {transform_indices = @transform_2, window_bounds = array<i64: 1024, 1>}, {pipeline_mode = #tpu.pipeline_mode<synchronous>, transform_indices = @transform_3, window_bounds = array<i64: 64, 2>}, {pipeline_mode = #tpu.pipeline_mode<synchronous>, transform_indices = @transform_4, window_bounds = array<i64: 1, 64>}, {transform_indices = @transform_5, window_bounds = array<i64: 2, 1024>}]} {
    %get3A = arith.constant 0 : index
    %get3A_0 = arith.constant 0 : index
    %get3A_1 = arith.constant 0 : index
    %get3A_2 = vector.load %arg1[%get3A, %get3A_0, %get3A_1] : memref<2x1024x64xf32, #tpu.memory_space<vmem>>, vector<1x1024x64xf32>
    %get3A_3 = vector.shape_cast %get3A_2 : vector<1x1024x64xf32> to vector<1024x64xf32>
    %get3A_4 = arith.constant 1 : index
    %get3A_5 = arith.constant 0 : index
    %get3A_6 = arith.constant 0 : index
    %get3A_7 = vector.load %arg1[%get3A_4, %get3A_5, %get3A_6] : memref<2x1024x64xf32, #tpu.memory_space<vmem>>, vector<1x1024x64xf32>
    %get3A_8 = vector.shape_cast %get3A_7 : vector<1x1024x64xf32> to vector<1024x64xf32>
    %add3A = arith.addf %get3A_3, %get3A_8 : vector<1024x64xf32>
    %get3A_9 = arith.constant 0 : index
    %get3A_10 = arith.constant 0 : index
    %get3A_11 = vector.load %arg2[%get3A_9, %get3A_10] : memref<1024x64xf32, #tpu.memory_space<vmem>>, vector<1024x64xf32>
    %add3A_12 = arith.addf %add3A, %get3A_11 : vector<1024x64xf32>
    %get3A_13 = arith.constant 0 : index
    %get3A_14 = arith.constant 0 : index
    %get3A_15 = vector.load %arg3[%get3A_13, %get3A_14] : memref<1024x1xf32, #tpu.memory_space<vmem>>, vector<1024x1xf32>
    %mul3A = vector.broadcast %get3A_15 : vector<1024x1xf32> to vector<1024x64xf32>
    %mul3A_16 = arith.mulf %mul3A, %add3A_12 : vector<1024x64xf32>
    %get3A_17 = arith.constant 0 : index
    %get3A_18 = arith.constant 0 : index
    %get3A_19 = vector.load %arg5[%get3A_17, %get3A_18] : memref<1x64xf32, #tpu.memory_space<vmem>>, vector<1x64xf32>
    %add3A_20 = vector.broadcast %get3A_19 : vector<1x64xf32> to vector<1024x64xf32>
    %add3A_21 = arith.addf %mul3A_16, %add3A_20 : vector<1024x64xf32>
    %max3A = arith.constant 0.000000e+00 : f32
    %max3A_22 = vector.broadcast %max3A : f32 to vector<1024x64xf32>
    %max3A_23 = arith.maximumf %add3A_21, %max3A_22 : vector<1024x64xf32>
    %get3A_24 = arith.constant 0 : index
    %get3A_25 = arith.constant 0 : index
    %get3A_26 = vector.load %arg3[%get3A_24, %get3A_25] : memref<1024x1xf32, #tpu.memory_space<vmem>>, vector<1024x1xf32>
    %mul3A_27 = vector.broadcast %get3A_26 : vector<1024x1xf32> to vector<1024x64xf32>
    %mul3A_28 = arith.mulf %max3A_23, %mul3A_27 : vector<1024x64xf32>
    %get3A_29 = arith.constant 0 : index
    %get3A_30 = arith.constant 0 : index
    %get3A_31 = vector.load %arg4[%get3A_29, %get3A_30] : memref<64x2xf32, #tpu.memory_space<vmem>>, vector<64x2xf32>
    %dot_general3A = arith.constant dense<0.000000e+00> : vector<2x1024xf32>
    %dot_general3A_32 = tpu.matmul %get3A_31, %mul3A_28, %dot_general3A {dimension_numbers = #tpu.dot_dimension_numbers<[0], [1], [1], [0], [0, 1, 1, 0], [], []>, transpose_lhs_hint = false} : vector<64x2xf32>, vector<1024x64xf32>, vector<2x1024xf32> -> vector<2x1024xf32>
    %swap3A = arith.constant 0 : index
    %swap3A_33 = arith.constant 0 : index
    %swap3A_34 = vector.load %arg6[%swap3A, %swap3A_33] : memref<2x1024xf32, #tpu.memory_space<vmem>>, vector<2x1024xf32>
    tpu.vector_store %arg6[%swap3A, %swap3A_33], %dot_general3A_32 {strides = array<i32>} : memref<2x1024xf32, #tpu.memory_space<vmem>>, vector<2x1024xf32>,
    return
  }
  func.func @transform_0(%arg0: i32) -> (i32, i32, i32) {
    %c0_i32 = arith.constant 0 : i32
    %c0_i32_0 = arith.constant 0 : i32
    %c0_i32_1 = arith.constant 0 : i32
    return %c0_i32, %arg0, %c0_i32_0 : i32, i32, i32
  }
  func.func @transform_1(%arg0: i32) -> (i32, i32) {
    %c0_i32 = arith.constant 0 : i32
    %c0_i32_0 = arith.constant 0 : i32
    return %arg0, %c0_i32 : i32, i32
  }
  func.func @transform_2(%arg0: i32) -> (i32, i32) {
    %c0_i32 = arith.constant 0 : i32
    %c0_i32_0 = arith.constant 0 : i32
    return %arg0, %c0_i32 : i32, i32
  }
  func.func @transform_3(%arg0: i32) -> (i32, i32) {
    %c0_i32 = arith.constant 0 : i32
    %c0_i32_0 = arith.constant 0 : i32
    %c0_i32_1 = arith.constant 0 : i32
    return %c0_i32, %c0_i32_0 : i32, i32
  }
  func.func @transform_4(%arg0: i32) -> (i32, i32) {
    %c0_i32 = arith.constant 0 : i32
    %c0_i32_0 = arith.constant 0 : i32
    %c0_i32_1 = arith.constant 0 : i32
    return %c0_i32, %c0_i32_0 : i32, i32
  }
  func.func @transform_5(%arg0: i32) -> (i32, i32) {
    %c0_i32 = arith.constant 0 : i32
    %c0_i32_0 = arith.constant 0 : i32
    return %c0_i32, %arg0 : i32, i32
  }
}

module attributes {stable_mosaic.version = 14 : i64} {
  func.func @_e_body(%arg0: i32, %arg1: memref<2x1x1024xf32, #tpu.memory_space<vmem>>, %arg2: memref<2x1x1024xf32, #tpu.memory_space<vmem>>, %arg3: memref<2x1024xf32, #tpu.memory_space<vmem>>, %arg4: memref<1x1024xf32, #tpu.memory_space<vmem>>, %arg5: memref<1x1024xi32, #tpu.memory_space<vmem>>, %arg6: memref<1x2xf32, #tpu.memory_space<vmem>>, %arg7: memref<16x2xf32, #tpu.memory_space<vmem>>, %arg8: memref<16x1xf32, #tpu.memory_space<vmem>>) attributes {dimension_semantics = [#tpu.dimension_semantics<arbitrary>], iteration_bounds = array<i64: 10>, scalar_prefetch = 0 : i64, scratch_operands = 1 : i64, tpu.core_type = #tpu.core_type<tc>, window_params = [{transform_indices = @transform_0, window_bounds = array<i64: 2, 1, 1024>}, {transform_indices = @transform_1, window_bounds = array<i64: 2, 1, 1024>}, {transform_indices = @transform_2, window_bounds = array<i64: 2, 1024>}, {transform_indices = @transform_3, window_bounds = array<i64: 1, 1024>}, {transform_indices = @transform_4, window_bounds = array<i64: 1, 1024>}, {pipeline_mode = #tpu.pipeline_mode<synchronous>, transform_indices = @transform_5, window_bounds = array<i64: 1, 2>}, {pipeline_mode = #tpu.pipeline_mode<synchronous>, transform_indices = @transform_6, window_bounds = array<i64: 16, 2>}]} {
    %eq3A = arith.constant 0 : i32
    %eq3A_0 = arith.cmpi eq, %arg0, %eq3A : i32
    %convert_element_type3A = arith.extui %eq3A_0 : i1 to i32
    %cond3A = arith.constant 0 : i32
    %cond3A_1 = arith.cmpi ne, %convert_element_type3A, %cond3A : i32
    scf.if %cond3A_1 {
      %broadcast_in_dim3A_70 = arith.constant 0.000000e+00 : f32
      %broadcast_in_dim3A_71 = vector.broadcast %broadcast_in_dim3A_70 : f32 to vector<16x2xf32>
      %swap3A_72 = arith.constant 0 : index
      %swap3A_73 = arith.constant 0 : index
      %swap3A_74 = vector.load %arg7[%swap3A_72, %swap3A_73] : memref<16x2xf32, #tpu.memory_space<vmem>>, vector<16x2xf32>
      tpu.vector_store %arg7[%swap3A_72, %swap3A_73], %broadcast_in_dim3A_71 {strides = array<i32>} : memref<16x2xf32, #tpu.memory_space<vmem>>, vector<16x2xf32>,
      %broadcast_in_dim3A_75 = arith.constant 0.000000e+00 : f32
      %broadcast_in_dim3A_76 = vector.broadcast %broadcast_in_dim3A_75 : f32 to vector<16x1xf32>
      %swap3A_77 = arith.constant 0 : index
      %swap3A_78 = arith.constant 0 : index
      %swap3A_79 = vector.load %arg8[%swap3A_77, %swap3A_78] : memref<16x1xf32, #tpu.memory_space<vmem>>, vector<16x1xf32>
      tpu.vector_store %arg8[%swap3A_77, %swap3A_78], %broadcast_in_dim3A_76 {strides = array<i32>} : memref<16x1xf32, #tpu.memory_space<vmem>>, vector<16x1xf32>,
    } else {
    }
    %get3A = arith.constant 0 : index
    %get3A_2 = arith.constant 0 : index
    %get3A_3 = vector.load %arg4[%get3A, %get3A_2] : memref<1x1024xf32, #tpu.memory_space<vmem>>, vector<1x1024xf32>
    %get3A_4 = arith.constant 0 : index
    %get3A_5 = arith.constant 0 : index
    %get3A_6 = arith.constant 0 : index
    %get3A_7 = vector.load %arg1[%get3A_4, %get3A_5, %get3A_6] : memref<2x1x1024xf32, #tpu.memory_space<vmem>>, vector<1x1x1024xf32>
    %get3A_8 = vector.shape_cast %get3A_7 : vector<1x1x1024xf32> to vector<1x1024xf32>
    %get3A_9 = arith.constant 1 : index
    %get3A_10 = arith.constant 0 : index
    %get3A_11 = arith.constant 0 : index
    %get3A_12 = vector.load %arg1[%get3A_9, %get3A_10, %get3A_11] : memref<2x1x1024xf32, #tpu.memory_space<vmem>>, vector<1x1x1024xf32>
    %get3A_13 = vector.shape_cast %get3A_12 : vector<1x1x1024xf32> to vector<1x1024xf32>
    %add3A = arith.addf %get3A_8, %get3A_13 : vector<1x1024xf32>
    %get3A_14 = arith.constant 0 : index
    %get3A_15 = arith.constant 0 : index
    %get3A_16 = vector.load %arg3[%get3A_14, %get3A_15] : memref<2x1024xf32, #tpu.memory_space<vmem>>, vector<1x1024xf32>
    %add3A_17 = arith.addf %add3A, %get3A_16 : vector<1x1024xf32>
    %mul3A = arith.mulf %get3A_3, %add3A_17 : vector<1x1024xf32>
    %get3A_18 = arith.constant 0 : index
    %get3A_19 = arith.constant 0 : index
    %get3A_20 = arith.constant 0 : index
    %get3A_21 = vector.load %arg2[%get3A_18, %get3A_19, %get3A_20] : memref<2x1x1024xf32, #tpu.memory_space<vmem>>, vector<1x1x1024xf32>
    %get3A_22 = vector.shape_cast %get3A_21 : vector<1x1x1024xf32> to vector<1x1024xf32>
    %get3A_23 = arith.constant 1 : index
    %get3A_24 = arith.constant 0 : index
    %get3A_25 = arith.constant 0 : index
    %get3A_26 = vector.load %arg2[%get3A_23, %get3A_24, %get3A_25] : memref<2x1x1024xf32, #tpu.memory_space<vmem>>, vector<1x1x1024xf32>
    %get3A_27 = vector.shape_cast %get3A_26 : vector<1x1x1024xf32> to vector<1x1024xf32>
    %add3A_28 = arith.addf %get3A_22, %get3A_27 : vector<1x1024xf32>
    %get3A_29 = arith.constant 1 : index
    %get3A_30 = arith.constant 0 : index
    %get3A_31 = vector.load %arg3[%get3A_29, %get3A_30] : memref<2x1024xf32, #tpu.memory_space<vmem>>, vector<1x1024xf32>
    %add3A_32 = arith.addf %add3A_28, %get3A_31 : vector<1x1024xf32>
    %mul3A_33 = arith.mulf %get3A_3, %add3A_32 : vector<1x1024xf32>
    %iota3A = tpu.iota {dimensions = array<i32: 0>} : vector<16x1024xi32>
    %get3A_34 = arith.constant 0 : index
    %get3A_35 = arith.constant 0 : index
    %get3A_36 = vector.load %arg5[%get3A_34, %get3A_35] : memref<1x1024xi32, #tpu.memory_space<vmem>>, vector<1x1024xi32>
    %eq3A_37 = vector.broadcast %get3A_36 : vector<1x1024xi32> to vector<16x1024xi32>
    %eq3A_38 = arith.cmpi eq, %eq3A_37, %iota3A : vector<16x1024xi32>
    %convert_element_type3A_39 = arith.extui %eq3A_38 : vector<16x1024xi1> to vector<16x1024xi32>
    %convert_element_type3A_40 = arith.sitofp %convert_element_type3A_39 : vector<16x1024xi32> to vector<16x1024xf32>
    %mul3A_41 = vector.broadcast %mul3A : vector<1x1024xf32> to vector<16x1024xf32>
    %mul3A_42 = arith.mulf %convert_element_type3A_40, %mul3A_41 : vector<16x1024xf32>
    %reduce_sum3A = arith.constant dense<0.000000e+00> : vector<16xf32>
    %reduce_sum3A_43 = vector.multi_reduction <add>, %mul3A_42, %reduce_sum3A [1] : vector<16x1024xf32> to vector<16xf32>
    %broadcast_in_dim3A = vector.shape_cast %reduce_sum3A_43 : vector<16xf32> to vector<16x1xf32>
    %mul3A_44 = vector.broadcast %mul3A_33 : vector<1x1024xf32> to vector<16x1024xf32>
    %mul3A_45 = arith.mulf %convert_element_type3A_40, %mul3A_44 : vector<16x1024xf32>
    %reduce_sum3A_46 = arith.constant dense<0.000000e+00> : vector<16xf32>
    %reduce_sum3A_47 = vector.multi_reduction <add>, %mul3A_45, %reduce_sum3A_46 [1] : vector<16x1024xf32> to vector<16xf32>
    %broadcast_in_dim3A_48 = vector.shape_cast %reduce_sum3A_47 : vector<16xf32> to vector<16x1xf32>
    %get3A_49 = arith.constant 0 : index
    %get3A_50 = arith.constant 0 : index
    %get3A_51 = vector.load %arg7[%get3A_49, %get3A_50] : memref<16x2xf32, #tpu.memory_space<vmem>>, vector<16x2xf32>
    %concatenate3A = tpu.concatenate %broadcast_in_dim3A, %broadcast_in_dim3A_48 in 1 : vector<16x1xf32>, vector<16x1xf32> -> vector<16x2xf32>
    %add3A_52 = arith.addf %get3A_51, %concatenate3A : vector<16x2xf32>
    %swap3A = arith.constant 0 : index
    %swap3A_53 = arith.constant 0 : index
    %swap3A_54 = vector.load %arg7[%swap3A, %swap3A_53] : memref<16x2xf32, #tpu.memory_space<vmem>>, vector<16x2xf32>
    tpu.vector_store %arg7[%swap3A, %swap3A_53], %add3A_52 {strides = array<i32>} : memref<16x2xf32, #tpu.memory_space<vmem>>, vector<16x2xf32>,
    %get3A_55 = arith.constant 0 : index
    %get3A_56 = arith.constant 0 : index
    %get3A_57 = vector.load %arg8[%get3A_55, %get3A_56] : memref<16x1xf32, #tpu.memory_space<vmem>>, vector<16x1xf32>
    %reduce_sum3A_58 = arith.constant dense<0.000000e+00> : vector<16xf32>
    %reduce_sum3A_59 = vector.multi_reduction <add>, %convert_element_type3A_40, %reduce_sum3A_58 [1] : vector<16x1024xf32> to vector<16xf32>
    %broadcast_in_dim3A_60 = vector.shape_cast %reduce_sum3A_59 : vector<16xf32> to vector<16x1xf32>
    %add3A_61 = arith.addf %get3A_57, %broadcast_in_dim3A_60 : vector<16x1xf32>
    %swap3A_62 = arith.constant 0 : index
    %swap3A_63 = arith.constant 0 : index
    %swap3A_64 = vector.load %arg8[%swap3A_62, %swap3A_63] : memref<16x1xf32, #tpu.memory_space<vmem>>, vector<16x1xf32>
    tpu.vector_store %arg8[%swap3A_62, %swap3A_63], %add3A_61 {strides = array<i32>} : memref<16x1xf32, #tpu.memory_space<vmem>>, vector<16x1xf32>,
    %eq3A_65 = arith.constant 9 : i32
    %eq3A_66 = arith.cmpi eq, %arg0, %eq3A_65 : i32
    %convert_element_type3A_67 = arith.extui %eq3A_66 : i1 to i32
    %cond3A_68 = arith.constant 0 : i32
    %cond3A_69 = arith.cmpi ne, %convert_element_type3A_67, %cond3A_68 : i32
    scf.if %cond3A_69 {
      %get3A_70 = arith.constant 0 : index
      %get3A_71 = arith.constant 0 : index
      %get3A_72 = vector.load %arg8[%get3A_70, %get3A_71] : memref<16x1xf32, #tpu.memory_space<vmem>>, vector<16x1xf32>
      %get3A_73 = arith.constant 0 : index
      %get3A_74 = arith.constant 0 : index
      %get3A_75 = vector.load %arg7[%get3A_73, %get3A_74] : memref<16x2xf32, #tpu.memory_space<vmem>>, vector<16x2xf32>
      %max3A = arith.constant 1.000000e+00 : f32
      %max3A_76 = vector.broadcast %max3A : f32 to vector<16x1xf32>
      %max3A_77 = arith.maximumf %get3A_72, %max3A_76 : vector<16x1xf32>
      %div3A = vector.broadcast %max3A_77 : vector<16x1xf32> to vector<16x2xf32>
      %div3A_78 = arith.divf %get3A_75, %div3A : vector<16x2xf32>
      %get3A_79 = arith.constant 0 : index
      %get3A_80 = arith.constant 0 : index
      %get3A_81 = vector.load %arg6[%get3A_79, %get3A_80] : memref<1x2xf32, #tpu.memory_space<vmem>>, vector<1x2xf32>
      %gt3A = arith.constant 0.000000e+00 : f32
      %gt3A_82 = vector.broadcast %gt3A : f32 to vector<16x1xf32>
      %gt3A_83 = arith.cmpf ogt, %get3A_72, %gt3A_82 : vector<16x1xf32>
      %convert_element_type3A_84 = arith.extui %gt3A_83 : vector<16x1xi1> to vector<16x1xi32>
      %convert_element_type3A_85 = arith.sitofp %convert_element_type3A_84 : vector<16x1xi32> to vector<16x1xf32>
      %mul3A_86 = vector.broadcast %get3A_81 : vector<1x2xf32> to vector<16x2xf32>
      %mul3A_87 = vector.broadcast %convert_element_type3A_85 : vector<16x1xf32> to vector<16x2xf32>
      %mul3A_88 = arith.mulf %mul3A_86, %mul3A_87 : vector<16x2xf32>
      %add3A_89 = arith.addf %div3A_78, %mul3A_88 : vector<16x2xf32>
      %swap3A_90 = arith.constant 0 : index
      %swap3A_91 = arith.constant 0 : index
      %swap3A_92 = vector.load %arg7[%swap3A_90, %swap3A_91] : memref<16x2xf32, #tpu.memory_space<vmem>>, vector<16x2xf32>
      tpu.vector_store %arg7[%swap3A_90, %swap3A_91], %add3A_89 {strides = array<i32>} : memref<16x2xf32, #tpu.memory_space<vmem>>, vector<16x2xf32>,
    } else {
    }
    return
  }
  func.func @transform_0(%arg0: i32) -> (i32, i32, i32) {
    %c0_i32 = arith.constant 0 : i32
    %c0_i32_0 = arith.constant 0 : i32
    %c0_i32_1 = arith.constant 0 : i32
    return %c0_i32, %c0_i32_0, %arg0 : i32, i32, i32
  }
  func.func @transform_1(%arg0: i32) -> (i32, i32, i32) {
    %c0_i32 = arith.constant 0 : i32
    %c0_i32_0 = arith.constant 0 : i32
    %c0_i32_1 = arith.constant 0 : i32
    return %c0_i32, %c0_i32_0, %arg0 : i32, i32, i32
  }
  func.func @transform_2(%arg0: i32) -> (i32, i32) {
    %c0_i32 = arith.constant 0 : i32
    %c0_i32_0 = arith.constant 0 : i32
    return %c0_i32, %arg0 : i32, i32
  }
  func.func @transform_3(%arg0: i32) -> (i32, i32) {
    %c0_i32 = arith.constant 0 : i32
    %c0_i32_0 = arith.constant 0 : i32
    return %c0_i32, %arg0 : i32, i32
  }
  func.func @transform_4(%arg0: i32) -> (i32, i32) {
    %c0_i32 = arith.constant 0 : i32
    %c0_i32_0 = arith.constant 0 : i32
    return %c0_i32, %arg0 : i32, i32
  }
  func.func @transform_5(%arg0: i32) -> (i32, i32) {
    %c0_i32 = arith.constant 0 : i32
    %c0_i32_0 = arith.constant 0 : i32
    %c0_i32_1 = arith.constant 0 : i32
    return %c0_i32, %c0_i32_0 : i32, i32
  }
  func.func @transform_6(%arg0: i32) -> (i32, i32) {
    %c0_i32 = arith.constant 0 : i32
    %c0_i32_0 = arith.constant 0 : i32
    %c0_i32_1 = arith.constant 0 : i32
    return %c0_i32, %c0_i32_0 : i32, i32
  }
}

</mosaic_0001>

<sc_bundles>
// kernel: kernel.11.cloned.1.call-start
scs
__scs_entry_jumppad:
0x0: {  	(pc) =	sbr.rel $0x88, $3  }
0x1: {  	(tag) =	ssettag $0x0;
	lr =	simm.s32 $0x1  }
0x2: {  	[smem:$0x3F9A] =	sst lr;
	_ =	strace $0xD0000000  }
0x3: {  	_ = 	snop  }
0x4: {  	_ = 	snop  }
0x5: {  	_ = 	snop  }
0x6: {  	_ = 	snop  }
0x7: {  	_ = 	snop  }
__scs_overlays_trampoline_lowered:
0x8: {  	[smem:$0x3FA9] =	sst s0  }
0x9: {  	[smem:$0x3FAA] =	sst s1  }
0xa: {  	[smem:$0x3FAB] =	sst s2  }
0xb: {  	[smem:$0x3FAC] =	sst s3  }
0xc: {  	[smem:$0x3FAD] =	sst s4  }
0xd: {  	[smem:$0x3FAE] =	sst s5  }
0xe: {  	[smem:$0x3FAF] =	sst s6  }
0xf: {  	[smem:$0x3FB0] =	sst s7  }
0x10: {  	[smem:$0x3FB1] =	sst s8  }
0x11: {  	[smem:$0x3FB2] =	sst s9;
	s0 =	simm.s32 @!p0 $0x0  }
0x12: {  	s1 =	sld [smem:$0x3F98];
	s0 =	simm.s32 @p0 $0x1  }
0x13: {  	[smem:$0x3FB3] =	sst s0;
	s0 =	simm.s32 @!p1 $0x0  }
0x14: {  	s2 =	sld [smem:$0x3F97];
	s0 =	simm.s32 @p1 $0x1  }
0x15: {  	[smem:$0x3FB4] =	sst s0;
	s0 =	simm.s32 @!p2 $0x0  }
0x16: {  	s3 =	sld [smem:$0x3FDB];
	s0 =	simm.s32 @p2 $0x1  }
0x17: {  	s4 =	simm.s32 $0x1BF5;
	[smem:$0x3FB6] =	sst s0  }
0x18: {  	s0 =	sld [smem:$0x3F99];
	_ =	swait.ge [sflag:s4], $0x0  }
0x19: {  	s7 =	sld [smem:$0x3F9A]  }
0x1a: {  	s8 =	sadd.s32 $0xFFFFE003, lr  }
0x1b: {  	s9 =	sadd.s32 $0xFFFFFEF7, lr;
	s5 =	simm.s32 $0xFFFFFFFF;
	p2 =	slt.u32 s8, $0xFFFFF086  }
0x1c: {  	p1 =	slt.u32 s9, $0xF7A;
	s5 =	simm.s32 @!p2 $0x0  }
0x1d: {  	s5 =	simm.s32 @p1 $0x1;
	p0 =	seq.s32 s7, s2  }
0x1e: {  	s7 =	smul.u32 @!p0 $0xF7A, s2;
	p2 =	seq.s32 @!p0 s5, $0x0  }
0x1f: {  	s9 =	smul.u32 $0xF7A, s1;
	s8 =	simm.s32 @!p0 $0x1BF5;
	p2 =	por !p2, p0  }
0x20: {  	[sflag:s8] =	ssyncset.s32 @!p0 $0xFFFFF086;
	s6 =	sadd.s32 @!p0 s3, s7;
	s7 =	simm.s32 @!p0 $0x108  }
0x21: {  	s3 =	sadd.s32 s3, s9;
	s6 =	sadd.s32 @!p0 $0x88, s6;
	s7 =	simm.s32 @p2 $0x1082  }
0x22: {  	[simem:s7], [sflag:s8] =	dma.local @!p0 [hbm:s6], $0xF7A  }
0x23: {  	s9 =	sor.u32 $0xD0000000, s2;
	s6 =	simm.s32 $0x108;
	_ =	swait.ge @!p0 [sflag:s8], $0x0  }
0x24: {  	s3 =	sadd.s32 $0x88, s3;
	s6 =	simm.s32 @!p1 $0x1082;
	[sflag:s4] =	ssyncset.s32 $0xFFFFF086  }
0x25: {  	[simem:s6], [sflag:s4] =	dma.local [hbm:s3], $0xF7A  }
0x26: {  	[smem:$0x3F9A] =	sst s1;
	(tag) =	ssettag s2;
	_ =	strace s9  }
0x27: {  	s1 =	sld [smem:$0x3FAA]  }
0x28: {  	s2 =	sld [smem:$0x3FAB]  }
0x29: {  	s4 =	sld [smem:$0x3FAD]  }
0x2a: {  	p0 =	seq.s32 s5, $0x0;
	s5 =	sld [smem:$0x3FAE]  }
0x2b: {  	s6 =	sld [smem:$0x3FAF]  }
0x2c: {  	s7 =	sld [smem:$0x3FB0]  }
0x2d: {  	s3 =	simm.s32 $0x108;
	s8 =	sld [smem:$0x3FB1]  }
0x2e: {  	s3 =	simm.s32 @!p0 $0x1082;
	s9 =	sld [smem:$0x3FB2]  }
0x2f: {  	lr =	sadd.s32 s0, s3;
	s0 =	sld [smem:$0x3FA9]  }
0x30: {  	s3 =	sld [smem:$0x3FAC]  }
0x31: {  	[smem:$0x3FB5] =	sst s10  }
0x32: {  	s10 =	sld [smem:$0x3FB3];
	_ =	sdelay $0x3  }
0x33: {  	p0 =	seq.s32 s10, $0x1;
	s10 =	sld [smem:$0x3FB5];
	_ =	sdelay $0x3  }
0x34: {  	[smem:$0x3FB5] =	sst s10  }
0x35: {  	s10 =	sld [smem:$0x3FB4];
	_ =	sdelay $0x3  }
0x36: {  	p1 =	seq.s32 s10, $0x1;
	s10 =	sld [smem:$0x3FB5];
	_ =	sdelay $0x3  }
0x37: {  	[smem:$0x3FB5] =	sst s10  }
0x38: {  	s10 =	sld [smem:$0x3FB6]  }
0x39: {  	_ = 	snop;
	(pc) =	sbr.ind lr, $3  }
0x3a: {  	_ = 	snop  }
0x3b: {  	_ = 	snop  }
0x3c: {  	p2 =	seq.s32 s10, $0x1;
	s10 =	sld [smem:$0x3FB5]  }
0x3d: {  	_ =	shalt  }
0x3e: {  	_ =	shalt  }
0x3f: {  	_ =	shalt  }
0x40: {  	_ =	shalt  }
0x41: {  	_ =	shalt  }
0x42: {  	_ =	shalt  }
0x43: {  	_ =	shalt  }
0x44: {  	_ =	shalt  }
0x45: {  	_ =	shalt  }
0x46: {  	_ =	shalt  }
0x47: {  	_ =	shalt  }
0x48: {  	_ =	shalt  }
0x49: {  	_ =	shalt  }
0x4a: {  	_ =	shalt  }
0x4b: {  	_ =	shalt  }
0x4c: {  	_ =	shalt  }
0x4d: {  	_ =	shalt  }
0x4e: {  	_ =	shalt  }
0x4f: {  	_ =	shalt  }
0x50: {  	_ =	shalt  }
0x51: {  	_ =	shalt  }
0x52: {  	_ =	shalt  }
0x53: {  	_ =	shalt  }
0x54: {  	_ =	shalt  }
0x55: {  	_ =	shalt  }
0x56: {  	_ =	shalt  }
0x57: {  	_ =	shalt  }
0x58: {  	_ =	shalt  }
0x59: {  	_ =	shalt  }
0x5a: {  	_ =	shalt  }
0x5b: {  	_ =	shalt  }
0x5c: {  	_ =	shalt  }
0x5d: {  	_ =	shalt  }
0x5e: {  	_ =	shalt  }
0x5f: {  	_ =	shalt  }
0x60: {  	_ =	shalt  }
0x61: {  	_ =	shalt  }
0x62: {  	_ =	shalt  }
0x63: {  	_ =	shalt  }
0x64: {  	_ =	shalt  }
0x65: {  	_ =	shalt  }
0x66: {  	_ =	shalt  }
0x67: {  	_ =	shalt  }
0x68: {  	_ =	shalt  }
0x69: {  	_ =	shalt  }
0x6a: {  	_ =	shalt  }
0x6b: {  	_ =	shalt  }
0x6c: {  	_ =	shalt  }
0x6d: {  	_ =	shalt  }
0x6e: {  	_ =	shalt  }
0x6f: {  	_ =	shalt  }
0x70: {  	_ =	shalt  }
0x71: {  	_ =	shalt  }
0x72: {  	_ =	shalt  }
0x73: {  	_ =	shalt  }
0x74: {  	_ =	shalt  }
0x75: {  	_ =	shalt  }
0x76: {  	_ =	shalt  }
0x77: {  	_ =	shalt  }
0x78: {  	_ =	shalt  }
0x79: {  	_ =	shalt  }
0x7a: {  	_ =	shalt  }
0x7b: {  	_ =	shalt  }
0x7c: {  	_ =	shalt  }
0x7d: {  	_ =	shalt  }
0x7e: {  	_ =	shalt  }
0x7f: {  	_ =	shalt  }
0x80: {  	_ =	shalt  }
0x81: {  	_ =	shalt  }
0x82: {  	_ =	shalt  }
0x83: {  	_ =	shalt  }
0x84: {  	_ =	shalt  }
0x85: {  	_ =	shalt  }
0x86: {  	_ =	shalt  }
0x87: {  	_ =	shalt  }
.Lfunc_end0:
.L_simem_size_0:
called_computation.1_lowered:
.L_overlay_start_0:
0x88: {  	s2 =	sld [smem:$0x3FD9]  }
0x89: {  	s3 =	sld [smem:$0x3FFE];
	_ =	sdelay $0x1  }
0x8a: {  	s1 =	srdreg.scid  }
0x8b: {  	s0 =	sand.u32 $0x1, s1  }
0x8c: {  	s16 =	sshll.u32 s0, $0xA;
	s2 =	sadd.s32 s3, s2  }
0x8d: {  	s2 =	sadd.s32 s2, s16  }
0x8e: {  	[smem:$0x3FC1] =	sst s2  }
0x8f: {  	_ = 	snop  }
0x90: {  	(tm) =	ssettm $0x1  }
0x91: {  	s17 =	sld [smem:$0x3FFB];
	_ =	sdelay $0x3  }
0x92: {  	_ =	strace s17  }
0x93: {  	s2 =	sld [smem:$0x3FFC];
	_ =	sdelay $0x3  }
0x94: {  	_ =	strace s2  }
0x95: {  	s2 =	sld [smem:$0x3FFD];
	_ =	sdelay $0x3  }
0x96: {  	_ =	strace s2  }
0x97: {  	_ =	strace $0x8FFFFFFF  }
0x98: {  	s18 =	sld [smem:$0x3FDB];
	_ =	sdelay $0x1  }
0x99: {  	s19 =	simm.s32 $_scs_section_size  }
0x9a: {  	s4 =	simm.s32 $_size__tile_overlayer_lowered;
	s5 =	simm.s32 $_tile_overlayer_lowered  }
0x9b: {  	s22 =	simm.s32 $0x1BFF;
	s21 =	sshll.u32 s5, $0x1;
	s2 =	sadd.s32 s19, s18  }
0x9c: {  	s6 =	simm.s32 $0x0;
	s20 =	sshll.u32 s4, $0x1;
	s4 =	sadd.s32 s21, s2  }
0x9d: {  	[timem:s6], [sflag:s22] =	dma.local [hbm:s4], s20  }
0x9e: {  	_ =	swait.ge [sflag:s22], s20  }
0x9f: {  	s3 =	ssub.s32 $0x0, s20;
	[sflag:s22] =	ssyncset.done $0x0  }
0xa0: {  	[sflag:s22] =	ssyncadd.s32 s3;
	_ =	sdelay $0x1  }
0xa1: {  	s23 =	simm.s32 $0x1B8B  }
0xa2: {  	_ =	swait.ge [sflag:s23], $0x1  }
0xa3: {  	[sflag:s23] =	ssyncset.done $0x0  }
0xa4: {  	s25 =	simm.s32 $0x1B8E;
	s24 =	sld [smem:$0x3FFE];
	[sflag:s23] =	ssyncadd.s32 $0xFFFFFFFF  }
0xa5: {  	s26 =	simm.s32 $execute0_lowered;
	[smem:$0x3FD2] =	sst s25  }
0xa6: {  	s4 =	sshll.u32 s26, $0x1;
	_ =	strace $0x80000049;
	[dreg:$0x1] =	wrdreg $0xFFFFFFFF  }
0xa7: {  	s28 =	simm.s32 $_size_execute0_lowered;
	s2 =	sadd.s32 s2, s4;
	[dreg:$0x0] =	wrdreg $0x0  }
0xa8: {  	s4 =	sshll.u32 s28, $0x1;
	[dreg:$0x2] =	wrdreg s2  }
0xa9: {  	[dreg:$0x3] =	wrdreg s4  }
0xaa: {  	[dreg:$0x4] =	wrdreg $0xC0  }
0xab: {  	_ =	task [dreg:s6], $0x5FFFF  }
0xac: {  	[dreg:$0x1] =	wrdreg $0xFFFFFFFF  }
0xad: {  	[dreg:$0x0] =	wrdreg $0x60  }
0xae: {  	[dreg:$0x2] =	wrdreg s24  }
0xaf: {  	[dreg:$0x3] =	wrdreg $0xF0000  }
0xb0: {  	[dreg:$0x4] =	wrdreg $0x9  }
0xb1: {  	_ =	task.clear_ibuf [dreg:s6], $0x5FFFF;
	_ =	strace $0x90000049  }
0xb2: {  	s29 =	simm.s32 $0x9;
	_ =	strace $0x8000004B  }
0xb3: {  	_ =	swait.ge [sflag:s29], $0x1  }
0xb4: {  	[sflag:s29] =	ssyncadd.s32 $0xFFFFFFFF  }
0xb5: {  	_ =	strace $0x9000004B  }
0xb6: {  	_ =	sfence  }
0xb7: {  	s30 =	sld [smem:$0x0];
	_ =	sdelay $0x2  }
0xb8: {  	s31 =	sshll.u32 s1, $0xD;
	s1 =	sshrl.u32 s1, $0x2  }
0xb9: {  	s3 =	sand.u32 $0x4000, s31;
	s1 =	sadd.s32 s1, s30  }
0xba: {  	s0 =	sor.u32 s3, s0;
	s1 =	sshll.u32 s1, $0x11  }
0xbb: {  	s0 =	sor.u32 s1, s0  }
0xbc: {  	s0 =	sadd.s32 $0x8F2B, s0  }
0xbd: {  	[sflag:s0] =	ssyncadd.remote.s32 $0x1  }
0xbe: {  	_ =	sfence.sel $0xFFFF  }
0xbf: {  	[dreg:$0x0] =	wrdreg $0xFFFFFFFF;
	(pc) =	sbr.abs _section_cstart, $3  }
0xc0: {  	[dreg:$0x1] =	wrdreg $0xFFFFFFFF  }
0xc1: {  	_ =	task.clear_ibuf [dreg:s6], $0x2FFFF;
	_ =	strace $0x9FFFFFFF  }
0xc2: {  	(tm) =	ssettm $0x7FFFFFFF  }
0xc3: {  	_ =	shalt  }
tec
execute0_lowered:
.L_overlay_start_1:
0x0: {  	(tag) =	ssettag $0x1  }
0x1: {  	s0 =	rddreg [dreg:$0x0]  }
0x2: {  	s2 =	rddreg [dreg:$0x1]  }
0x3: {  	s1 =	srdreg.scid;
	s7 =	stileid.u32  }
0x4: {  	s3 =	simm.s32 $0x0;
	s14 =	simm.s32 $0xD000;
	s15 =	simm.s32 $0x6  }
0x5: {  	s17 =	simm.s32 $0x5;
	s18 =	simm.s32 $0x80;
	s19 =	simm.s32 $0x5000  }
0x6: {  	s20 =	simm.s32 $0x7000;
	s22 =	simm.s32 $0x9000;
	s24 =	simm.s32 $0xB000  }
0x7: {  	s28 =	simm.s32 $0x2;
	s29 =	simm.s32 $0x3;
	s30 =	simm.s32 $0x4  }
0x8: {  	s16 =	simm.s32 $0x4F80;
	s1 =	sand.u32 $0x1, s1;
	s9 =	smul.u32 $0xA000, s7  }
0x9: {  	s4 =	sshll.u32 s7, $0x1;
	[smem:$0x7FF] =	sst s3;
	s7 =	smul.u32 $0x28000, s7  }
0xa: {  	s5 =	smul.u32 $0xA0000, s1;
	s6 =	sor.u32 s1, s4;
	_ =	strace $0x8000004A  }
0xb: {  	s4 =	sadd.s32 $0x15E00, s0;
	s1 =	ssub.s32 $0x2, s1;
	s6 =	smul.u32 $0x500, s6  }
0xc: {  	s25 =	sshrl.u32 s1, $0x1;
	s26 =	sshrl.u32 s7, $0x2;
	s31 =	sadd.s32 s9, s2  }
0xd: {  	s5 =	sadd.s32 s9, s5;
	s1 =	ssub.s32 s1, s25;
	s25 =	sshrl.u32 s31, $0x3  }
0xe: {  	s8 =	sadd.s32 s6, s0;
	s5 =	sshrl.u32 s5, $0x3;
	s9 =	smax.u32 s1, $0x1  }
0xf: {  	s1 =	simm.s32 $0x4F00;
	s0 =	sadd.s32 s5, s0;
	s5 =	sadd.s32 s26, s2  }
0x10: {  	s6 =	sadd.s32 $0x1E00, s8;
	s7 =	sadd.s32 $0xBE00, s8;
	s26 =	simm.s32 $0x1  }
0x11: {  	s8 =	sadd.s32 $0x29E00, s0;
	s10 =	sadd.s32 $0x2000, s5;
	s11 =	sadd.s32 $0x4000, s5  }
0x12: {  	v0 =	vimm.f32 $0.0e+00;
	s12 =	sadd.s32 $0x6000, s5;
	s13 =	sadd.s32 $0x8000, s5;
	s0 =	simm.s32 $0x4E80  }
.LBB2_1:
0x13: {  	s23 =	simm.s32 $0x100;
	s21 =	simm.s32 $0x0  }
.LBB2_2:
0x14: {  	p0 =	sne.s32 s23, $0x7F00;
	[tilespmem:s21+$0xD030] =	vst v0;
	s31 =	smov.u32 s23;
	s23 =	sadd.s32 $0x100, s23  }
.Ltmp0:
0x15: {  	[tilespmem:s21+$0xD020] =	vst v0;
	(pc) =	sbr.rel @p0 .LBB2_2-.Ltmp0, $3  }
0x16: {  	[tilespmem:s21+$0xD000] =	vst v0  }
0x17: {  	[tilespmem:s21+$0xD010] =	vst v0;
	_ =	sdelay $0x1  }
0x18: {  	s21 =	sshra.s32 s31, $0x2  }
0x19: {  	[tilespmem:s21+$0xD030] =	vst v0  }
0x1a: {  	[tilespmem:s21+$0xD020] =	vst v0  }
0x1b: {  	[tilespmem:s21+$0xD000] =	vst v0  }
0x1c: {  	[tilespmem:s21+$0xD010] =	vst v0  }
0x1d: {  	[spmem:s5] =	stream.linear.scatter [tilespmem:s14], [sflag:$0x6], $0x2000, $0x38;
	[tilespmem:$0x19000] =	vst v63  }
0x1e: {  	_ =	swait.ge [sflag:s15], $0x2000  }
0x1f: {  	[sflag:s15] =	ssyncset.done $0x0  }
0x20: {  	[sflag:s15] =	ssyncadd.s32 $0xFFFFE000  }
0x21: {  	[spmem:s10] =	stream.linear.scatter [tilespmem:s14], [sflag:$0x6], $0x2000, $0x38;
	[tilespmem:$0x19000] =	vst v63  }
0x22: {  	_ =	swait.ge [sflag:s15], $0x2000  }
0x23: {  	[sflag:s15] =	ssyncset.done $0x0  }
0x24: {  	[sflag:s15] =	ssyncadd.s32 $0xFFFFE000  }
0x25: {  	[spmem:s11] =	stream.linear.scatter [tilespmem:s14], [sflag:$0x6], $0x2000, $0x38;
	[tilespmem:$0x19000] =	vst v63  }
0x26: {  	_ =	swait.ge [sflag:s15], $0x2000  }
0x27: {  	[sflag:s15] =	ssyncset.done $0x0  }
0x28: {  	[sflag:s15] =	ssyncadd.s32 $0xFFFFE000  }
0x29: {  	[spmem:s12] =	stream.linear.scatter [tilespmem:s14], [sflag:$0x6], $0x2000, $0x38;
	[tilespmem:$0x19000] =	vst v63  }
0x2a: {  	_ =	swait.ge [sflag:s15], $0x2000  }
0x2b: {  	[sflag:s15] =	ssyncset.done $0x0  }
0x2c: {  	[sflag:s15] =	ssyncadd.s32 $0xFFFFE000  }
0x2d: {  	[spmem:s13] =	stream.linear.scatter [tilespmem:s14], [sflag:$0x6], $0x2000, $0x38;
	[tilespmem:$0x19000] =	vst v63  }
0x2e: {  	_ =	swait.ge [sflag:s15], $0x2000  }
0x2f: {  	[sflag:s15] =	ssyncset.done $0x0  }
0x30: {  	[sflag:s15] =	ssyncadd.s32 $0xFFFFE000  }
0x31: {  	s31 =	simm.s32 $0x0;
	[bflag:$0x0] =	sbarrier.arrive $0xFFFF  }
0x32: {  	[tilespmem:s31], [sflag:$0x5] =	stream.linear.gather [hbm4b:s6+s31], $0x2800, $0x38;
	[tilespmem:$0x19000] =	vst v63  }
0x33: {  	s23 =	simm.s32 $0x2800  }
0x34: {  	[tilespmem:s23], [sflag:$0x5] =	stream.linear.gather [hbm4b:s7+s31], $0x2800, $0x38;
	[tilespmem:$0x19000] =	vst v63  }
0x35: {  	_ =	swait.ge [sflag:s17], $0x2800  }
0x36: {  	[sflag:s17] =	ssyncset.done $0x0  }
0x37: {  	[sflag:s17] =	ssyncadd.s32 $0xFFFFD800  }
0x38: {  	_ =	swait.ge [sflag:s17], $0x2800  }
0x39: {  	[sflag:s17] =	ssyncset.done $0x0  }
0x3a: {  	[sflag:s17] =	ssyncadd.s32 $0xFFFFD800  }
0x3b: {  	[tilespmem:s19], [sflag:$0x1] =	stream.indirect.gather [hbm4b:s4+s18], $0x40, s31, s18, $0xb8;
	[tilespmem:$0x19000] =	vst v63  }
0x3c: {  	_ = 	snop  }
0x3d: {  	[tilespmem:s20], [sflag:$0x2] =	stream.indirect.gather [hbm4b:s4+s18], $0x40, s18, s18, $0xb8;
	[tilespmem:$0x19000] =	vst v63  }
0x3e: {  	s31 =	simm.s32 $0x100  }
0x3f: {  	[tilespmem:s22], [sflag:$0x3] =	stream.indirect.gather [hbm4b:s4+s18], $0x40, s31, s18, $0xb8;
	[tilespmem:$0x19000] =	vst v63  }
0x40: {  	s23 =	simm.s32 $0x180  }
0x41: {  	[tilespmem:s24], [sflag:$0x4] =	stream.indirect.gather [hbm4b:s4+s18], $0x40, s23, s18, $0xb8;
	[tilespmem:$0x19000] =	vst v63  }
0x42: {  	_ =	swait.ge [sflag:s26], $0x2000  }
0x43: {  	[sflag:s26] =	ssyncset.done $0x0  }
0x44: {  	s31 =	simm.s32 $0x2800;
	[sflag:s26] =	ssyncadd.s32 $0xFFFFE000  }
0x45: {  	[spmem:s2] =	stream.indirect.scatter.add.f32 [tilespmem:s19], [sflag:$0x6], $0x40, s31, s18, $0xb8;
	[tilespmem:$0x19000] =	vst v63  }
0x46: {  	_ =	swait.ge [sflag:s15], $0x2000  }
0x47: {  	[sflag:s15] =	ssyncset.done $0x0  }
0x48: {  	s23 =	simm.s32 $0x200;
	[sflag:s15] =	ssyncadd.s32 $0xFFFFE000  }
0x49: {  	[tilespmem:s19], [sflag:$0x1] =	stream.indirect.gather [hbm4b:s4+s18], $0x40, s23, s18, $0xb8;
	[tilespmem:$0x19000] =	vst v63  }
0x4a: {  	_ =	swait.ge [sflag:s28], $0x2000  }
0x4b: {  	[sflag:s28] =	ssyncset.done $0x0  }
0x4c: {  	s31 =	simm.s32 $0x2880;
	[sflag:s28] =	ssyncadd.s32 $0xFFFFE000  }
0x4d: {  	[spmem:s2] =	stream.indirect.scatter.add.f32 [tilespmem:s20], [sflag:$0x6], $0x40, s31, s18, $0xb8;
	[tilespmem:$0x19000] =	vst v63  }
0x4e: {  	_ =	swait.ge [sflag:s15], $0x2000  }
0x4f: {  	[sflag:s15] =	ssyncset.done $0x0  }
0x50: {  	s23 =	simm.s32 $0x280;
	[sflag:s15] =	ssyncadd.s32 $0xFFFFE000  }
0x51: {  	[tilespmem:s20], [sflag:$0x2] =	stream.indirect.gather [hbm4b:s4+s18], $0x40, s23, s18, $0xb8;
	[tilespmem:$0x19000] =	vst v63  }
0x52: {  	_ =	swait.ge [sflag:s29], $0x2000  }
0x53: {  	[sflag:s29] =	ssyncset.done $0x0  }
0x54: {  	s31 =	simm.s32 $0x2900;
	[sflag:s29] =	ssyncadd.s32 $0xFFFFE000  }
0x55: {  	[spmem:s2] =	stream.indirect.scatter.add.f32 [tilespmem:s22], [sflag:$0x6], $0x40, s31, s18, $0xb8;
	[tilespmem:$0x19000] =	vst v63  }
0x56: {  	_ =	swait.ge [sflag:s15], $0x2000  }
0x57: {  	[sflag:s15] =	ssyncset.done $0x0  }
0x58: {  	s23 =	simm.s32 $0x300;
	[sflag:s15] =	ssyncadd.s32 $0xFFFFE000  }
0x59: {  	[tilespmem:s22], [sflag:$0x3] =	stream.indirect.gather [hbm4b:s4+s18], $0x40, s23, s18, $0xb8;
	[tilespmem:$0x19000] =	vst v63  }
0x5a: {  	_ =	swait.ge [sflag:s30], $0x2000  }
0x5b: {  	[sflag:s30] =	ssyncset.done $0x0  }
0x5c: {  	s31 =	simm.s32 $0x2980;
	[sflag:s30] =	ssyncadd.s32 $0xFFFFE000  }
0x5d: {  	[spmem:s2] =	stream.indirect.scatter.add.f32 [tilespmem:s24], [sflag:$0x6], $0x40, s31, s18, $0xb8;
	[tilespmem:$0x19000] =	vst v63  }
0x5e: {  	_ =	swait.ge [sflag:s15], $0x2000  }
0x5f: {  	[sflag:s15] =	ssyncset.done $0x0  }
0x60: {  	s21 =	simm.s32 $0x800;
	s23 =	simm.s32 $0x380;
	[sflag:s15] =	ssyncadd.s32 $0xFFFFE000  }
.LBB2_4:
0x61: {  	[tilespmem:s24], [sflag:$0x4] =	stream.indirect.gather [hbm4b:s4+s18], $0x40, s23, s18, $0xb8;
	[tilespmem:$0x19000] =	vst v63  }
0x62: {  	s23 =	smov.u32 s21  }
0x63: {  	p0 =	sne.s32 s21, $0x9000;
	s21 =	sadd.s32 $0x800, s21;
	_ =	swait.ge [sflag:s26], $0x2000  }
0x64: {  	s23 =	sshra.s32 s23, $0x2;
	[sflag:s26] =	ssyncset.done $0x0  }
0x65: {  	s31 =	sadd.s32 $0x2800, s23;
	[sflag:s26] =	ssyncadd.s32 $0xFFFFE000  }
0x66: {  	[spmem:s2] =	stream.indirect.scatter.add.f32 [tilespmem:s19], [sflag:$0x6], $0x40, s31, s18, $0xb8;
	[tilespmem:$0x19000] =	vst v63  }
0x67: {  	_ =	swait.ge [sflag:s15], $0x2000  }
0x68: {  	[sflag:s15] =	ssyncset.done $0x0  }
0x69: {  	s31 =	sadd.s32 $0x200, s23;
	[sflag:s15] =	ssyncadd.s32 $0xFFFFE000  }
0x6a: {  	[tilespmem:s19], [sflag:$0x1] =	stream.indirect.gather [hbm4b:s4+s18], $0x40, s31, s18, $0xb8;
	[tilespmem:$0x19000] =	vst v63  }
0x6b: {  	_ =	swait.ge [sflag:s28], $0x2000  }
0x6c: {  	[sflag:s28] =	ssyncset.done $0x0  }
0x6d: {  	s31 =	sadd.s32 $0x2880, s23;
	[sflag:s28] =	ssyncadd.s32 $0xFFFFE000  }
0x6e: {  	[spmem:s2] =	stream.indirect.scatter.add.f32 [tilespmem:s20], [sflag:$0x6], $0x40, s31, s18, $0xb8;
	[tilespmem:$0x19000] =	vst v63  }
0x6f: {  	_ =	swait.ge [sflag:s15], $0x2000  }
0x70: {  	[sflag:s15] =	ssyncset.done $0x0  }
0x71: {  	s31 =	sadd.s32 $0x280, s23;
	[sflag:s15] =	ssyncadd.s32 $0xFFFFE000  }
0x72: {  	[tilespmem:s20], [sflag:$0x2] =	stream.indirect.gather [hbm4b:s4+s18], $0x40, s31, s18, $0xb8;
	[tilespmem:$0x19000] =	vst v63  }
0x73: {  	_ =	swait.ge [sflag:s29], $0x2000  }
0x74: {  	[sflag:s29] =	ssyncset.done $0x0  }
0x75: {  	s31 =	sadd.s32 $0x2900, s23;
	[sflag:s29] =	ssyncadd.s32 $0xFFFFE000  }
0x76: {  	[spmem:s2] =	stream.indirect.scatter.add.f32 [tilespmem:s22], [sflag:$0x6], $0x40, s31, s18, $0xb8;
	[tilespmem:$0x19000] =	vst v63  }
0x77: {  	_ =	swait.ge [sflag:s15], $0x2000  }
0x78: {  	[sflag:s15] =	ssyncset.done $0x0  }
0x79: {  	s31 =	sadd.s32 $0x300, s23;
	[sflag:s15] =	ssyncadd.s32 $0xFFFFE000  }
0x7a: {  	[tilespmem:s22], [sflag:$0x3] =	stream.indirect.gather [hbm4b:s4+s18], $0x40, s31, s18, $0xb8;
	[tilespmem:$0x19000] =	vst v63  }
0x7b: {  	_ =	swait.ge [sflag:s30], $0x2000  }
0x7c: {  	[sflag:s30] =	ssyncset.done $0x0  }
.Ltmp1:
0x7d: {  	s31 =	sadd.s32 $0x2980, s23;
	[sflag:s30] =	ssyncadd.s32 $0xFFFFE000;
	(pc) =	sbr.rel @p0 .LBB2_4-.Ltmp1, $4  }
0x7e: {  	[spmem:s2] =	stream.indirect.scatter.add.f32 [tilespmem:s24], [sflag:$0x6], $0x40, s31, s18, $0xb8;
	[tilespmem:$0x19000] =	vst v63  }
0x7f: {  	_ =	swait.ge [sflag:s15], $0x2000  }
0x80: {  	[sflag:s15] =	ssyncset.done $0x0  }
0x81: {  	s23 =	sadd.s32 $0x380, s23;
	[sflag:s15] =	ssyncadd.s32 $0xFFFFE000  }
0x82: {  	[tilespmem:s24], [sflag:$0x4] =	stream.indirect.gather [hbm4b:s4+s18], $0x40, s23, s18, $0xb8;
	[tilespmem:$0x19000] =	vst v63  }
0x83: {  	_ =	swait.ge [sflag:s26], $0x2000  }
0x84: {  	[sflag:s26] =	ssyncset.done $0x0  }
0x85: {  	s21 =	simm.s32 $0x4E00;
	[sflag:s26] =	ssyncadd.s32 $0xFFFFE000  }
0x86: {  	[spmem:s2] =	stream.indirect.scatter.add.f32 [tilespmem:s19], [sflag:$0x6], $0x40, s21, s18, $0xb8;
	[tilespmem:$0x19000] =	vst v63  }
0x87: {  	_ =	swait.ge [sflag:s15], $0x2000  }
0x88: {  	[sflag:s15] =	ssyncset.done $0x0  }
0x89: {  	[sflag:s15] =	ssyncadd.s32 $0xFFFFE000  }
0x8a: {  	_ =	swait.ge [sflag:s28], $0x2000  }
0x8b: {  	[sflag:s28] =	ssyncset.done $0x0  }
0x8c: {  	[sflag:s28] =	ssyncadd.s32 $0xFFFFE000  }
0x8d: {  	[spmem:s2] =	stream.indirect.scatter.add.f32 [tilespmem:s20], [sflag:$0x6], $0x40, s0, s18, $0xb8;
	[tilespmem:$0x19000] =	vst v63  }
0x8e: {  	_ =	swait.ge [sflag:s15], $0x2000  }
0x8f: {  	[sflag:s15] =	ssyncset.done $0x0  }
0x90: {  	[sflag:s15] =	ssyncadd.s32 $0xFFFFE000  }
0x91: {  	_ =	swait.ge [sflag:s29], $0x2000  }
0x92: {  	[sflag:s29] =	ssyncset.done $0x0  }
0x93: {  	[sflag:s29] =	ssyncadd.s32 $0xFFFFE000  }
0x94: {  	[spmem:s2] =	stream.indirect.scatter.add.f32 [tilespmem:s22], [sflag:$0x6], $0x40, s1, s18, $0xb8;
	[tilespmem:$0x19000] =	vst v63  }
0x95: {  	_ =	swait.ge [sflag:s15], $0x2000  }
0x96: {  	[sflag:s15] =	ssyncset.done $0x0  }
0x97: {  	[sflag:s15] =	ssyncadd.s32 $0xFFFFE000  }
0x98: {  	_ =	swait.ge [sflag:s30], $0x2000  }
0x99: {  	[sflag:s30] =	ssyncset.done $0x0  }
0x9a: {  	[sflag:s30] =	ssyncadd.s32 $0xFFFFE000  }
0x9b: {  	[spmem:s2] =	stream.indirect.scatter.add.f32 [tilespmem:s24], [sflag:$0x6], $0x40, s16, s18, $0xb8;
	[tilespmem:$0x19000] =	vst v63  }
0x9c: {  	_ =	swait.ge [sflag:s15], $0x2000  }
0x9d: {  	s31 =	stileid.u32;
	s3 =	sadd.s32 $0x1, s3;
	[sflag:s15] =	ssyncset.done $0x0  }
0x9e: {  	p0 =	sne.s32 s3, s9;
	s21 =	sshll.u32 s31, $0x6;
	[sflag:s15] =	ssyncadd.s32 $0xFFFFE000  }
.Ltmp2:
0x9f: {  	s21 =	sor.u32 $0x1C06, s21;
	[bflag:$0x0] =	sbarrier.arrive $0xFFFF;
	(pc) =	sbr.rel @p0 .LBB2_1-.Ltmp2, $4  }
0xa0: {  	[hbm:s8], [sflag:s21] =	dma.local [spmem:s25], $0x1400  }
0xa1: {  	_ =	swait.ge [sflag:s15], $0x1400  }
0xa2: {  	[sflag:s15] =	ssyncset.done $0x0  }
0xa3: {  	[sflag:s15] =	ssyncadd.s32 $0xFFFFEC00  }
0xa4: {  	_ =	sfence.sel $0x180000  }
0xa5: {  	[bflag:$0x0] =	sbarrier.arrive $0xFFFF  }
0xa6: {  	_ =	strace $0x9000004A  }
0xa7: {  	s0 =	stileid.u32;
	[bflag:$0x2] =	sbarrier.arrive $0xFFFF  }
0xa8: {  	p0 =	sne.s32 s0, $0x0;
	s0 =	rddreg [dreg:$0x2]  }
0xa9: {  	s0 =	sadd.s32 @!p0 $0x100000, s0  }
0xaa: {  	[sflag:s0] =	ssyncadd.tile.s32 @!p0 $0x1;
	_ =	shalt  }
.Lfunc_end2:
_tile_overlayer_lowered:
.L_overlay_start_2:
0xab: {  	(tag) =	ssettag $0x2  }
0xac: {  	s0 =	rddreg [dreg:$0x0];
	s2 =	stileid.u32  }
0xad: {  	s1 =	rddreg [dreg:$0x1];
	p0 =	sne.s32 s2, $0x0  }
0xae: {  	s3 =	rddreg [dreg:$0x2];
	[bflag:$0x3] =	sbarrier.arrive $0xFFFF;
	s2 =	simm.s32 @!p0 $0x1C06  }
0xaf: {  	[timem:s3], [sflag:s2] =	dma.local @!p0 [hbm:s0], s1  }
0xb0: {  	s0 =	simm.s32 @!p0 $0x6  }
0xb1: {  	_ =	swait.ge @!p0 [sflag:s0], s1  }
0xb2: {  	s1 =	ssub.s32 @!p0 $0x0, s1;
	[sflag:s0] =	ssyncset.done @!p0 $0x0  }
0xb3: {  	[sflag:s0] =	ssyncadd.s32 @!p0 s1  }
0xb4: {  	[bflag:$0x3] =	sbarrier.arrive $0xFFFF  }
0xb5: {  	_ =	shalt  }

// kernel: kernel.14.cloned.1.call-start
scs
__scs_entry_jumppad:
0x0: {  	(pc) =	sbr.rel $0x88, $3  }
0x1: {  	(tag) =	ssettag $0x0;
	lr =	simm.s32 $0x1  }
0x2: {  	[smem:$0x3F9A] =	sst lr;
	_ =	strace $0xD0000000  }
0x3: {  	_ = 	snop  }
0x4: {  	_ = 	snop  }
0x5: {  	_ = 	snop  }
0x6: {  	_ = 	snop  }
0x7: {  	_ = 	snop  }
__scs_overlays_trampoline_lowered:
0x8: {  	[smem:$0x3FA9] =	sst s0  }
0x9: {  	[smem:$0x3FAA] =	sst s1  }
0xa: {  	[smem:$0x3FAB] =	sst s2  }
0xb: {  	[smem:$0x3FAC] =	sst s3  }
0xc: {  	[smem:$0x3FAD] =	sst s4  }
0xd: {  	[smem:$0x3FAE] =	sst s5  }
0xe: {  	[smem:$0x3FAF] =	sst s6  }
0xf: {  	[smem:$0x3FB0] =	sst s7  }
0x10: {  	[smem:$0x3FB1] =	sst s8  }
0x11: {  	[smem:$0x3FB2] =	sst s9;
	s0 =	simm.s32 @!p0 $0x0  }
0x12: {  	s1 =	sld [smem:$0x3F98];
	s0 =	simm.s32 @p0 $0x1  }
0x13: {  	[smem:$0x3FB3] =	sst s0;
	s0 =	simm.s32 @!p1 $0x0  }
0x14: {  	s2 =	sld [smem:$0x3F97];
	s0 =	simm.s32 @p1 $0x1  }
0x15: {  	[smem:$0x3FB4] =	sst s0;
	s0 =	simm.s32 @!p2 $0x0  }
0x16: {  	s3 =	sld [smem:$0x3FDB];
	s0 =	simm.s32 @p2 $0x1  }
0x17: {  	s4 =	simm.s32 $0x1BF5;
	[smem:$0x3FB6] =	sst s0  }
0x18: {  	s0 =	sld [smem:$0x3F99];
	_ =	swait.ge [sflag:s4], $0x0  }
0x19: {  	s7 =	sld [smem:$0x3F9A]  }
0x1a: {  	s8 =	sadd.s32 $0xFFFFE003, lr  }
0x1b: {  	s9 =	sadd.s32 $0xFFFFFEF7, lr;
	s5 =	simm.s32 $0xFFFFFFFF;
	p2 =	slt.u32 s8, $0xFFFFF086  }
0x1c: {  	p1 =	slt.u32 s9, $0xF7A;
	s5 =	simm.s32 @!p2 $0x0  }
0x1d: {  	s5 =	simm.s32 @p1 $0x1;
	p0 =	seq.s32 s7, s2  }
0x1e: {  	s7 =	smul.u32 @!p0 $0xF7A, s2;
	p2 =	seq.s32 @!p0 s5, $0x0  }
0x1f: {  	s9 =	smul.u32 $0xF7A, s1;
	s8 =	simm.s32 @!p0 $0x1BF5;
	p2 =	por !p2, p0  }
0x20: {  	[sflag:s8] =	ssyncset.s32 @!p0 $0xFFFFF086;
	s6 =	sadd.s32 @!p0 s3, s7;
	s7 =	simm.s32 @!p0 $0x108  }
0x21: {  	s3 =	sadd.s32 s3, s9;
	s6 =	sadd.s32 @!p0 $0x88, s6;
	s7 =	simm.s32 @p2 $0x1082  }
0x22: {  	[simem:s7], [sflag:s8] =	dma.local @!p0 [hbm:s6], $0xF7A  }
0x23: {  	s9 =	sor.u32 $0xD0000000, s2;
	s6 =	simm.s32 $0x108;
	_ =	swait.ge @!p0 [sflag:s8], $0x0  }
0x24: {  	s3 =	sadd.s32 $0x88, s3;
	s6 =	simm.s32 @!p1 $0x1082;
	[sflag:s4] =	ssyncset.s32 $0xFFFFF086  }
0x25: {  	[simem:s6], [sflag:s4] =	dma.local [hbm:s3], $0xF7A  }
0x26: {  	[smem:$0x3F9A] =	sst s1;
	(tag) =	ssettag s2;
	_ =	strace s9  }
0x27: {  	s1 =	sld [smem:$0x3FAA]  }
0x28: {  	s2 =	sld [smem:$0x3FAB]  }
0x29: {  	s4 =	sld [smem:$0x3FAD]  }
0x2a: {  	p0 =	seq.s32 s5, $0x0;
	s5 =	sld [smem:$0x3FAE]  }
0x2b: {  	s6 =	sld [smem:$0x3FAF]  }
0x2c: {  	s7 =	sld [smem:$0x3FB0]  }
0x2d: {  	s3 =	simm.s32 $0x108;
	s8 =	sld [smem:$0x3FB1]  }
0x2e: {  	s3 =	simm.s32 @!p0 $0x1082;
	s9 =	sld [smem:$0x3FB2]  }
0x2f: {  	lr =	sadd.s32 s0, s3;
	s0 =	sld [smem:$0x3FA9]  }
0x30: {  	s3 =	sld [smem:$0x3FAC]  }
0x31: {  	[smem:$0x3FB5] =	sst s10  }
0x32: {  	s10 =	sld [smem:$0x3FB3];
	_ =	sdelay $0x3  }
0x33: {  	p0 =	seq.s32 s10, $0x1;
	s10 =	sld [smem:$0x3FB5];
	_ =	sdelay $0x3  }
0x34: {  	[smem:$0x3FB5] =	sst s10  }
0x35: {  	s10 =	sld [smem:$0x3FB4];
	_ =	sdelay $0x3  }
0x36: {  	p1 =	seq.s32 s10, $0x1;
	s10 =	sld [smem:$0x3FB5];
	_ =	sdelay $0x3  }
0x37: {  	[smem:$0x3FB5] =	sst s10  }
0x38: {  	s10 =	sld [smem:$0x3FB6]  }
0x39: {  	_ = 	snop;
	(pc) =	sbr.ind lr, $3  }
0x3a: {  	_ = 	snop  }
0x3b: {  	_ = 	snop  }
0x3c: {  	p2 =	seq.s32 s10, $0x1;
	s10 =	sld [smem:$0x3FB5]  }
0x3d: {  	_ =	shalt  }
0x3e: {  	_ =	shalt  }
0x3f: {  	_ =	shalt  }
0x40: {  	_ =	shalt  }
0x41: {  	_ =	shalt  }
0x42: {  	_ =	shalt  }
0x43: {  	_ =	shalt  }
0x44: {  	_ =	shalt  }
0x45: {  	_ =	shalt  }
0x46: {  	_ =	shalt  }
0x47: {  	_ =	shalt  }
0x48: {  	_ =	shalt  }
0x49: {  	_ =	shalt  }
0x4a: {  	_ =	shalt  }
0x4b: {  	_ =	shalt  }
0x4c: {  	_ =	shalt  }
0x4d: {  	_ =	shalt  }
0x4e: {  	_ =	shalt  }
0x4f: {  	_ =	shalt  }
0x50: {  	_ =	shalt  }
0x51: {  	_ =	shalt  }
0x52: {  	_ =	shalt  }
0x53: {  	_ =	shalt  }
0x54: {  	_ =	shalt  }
0x55: {  	_ =	shalt  }
0x56: {  	_ =	shalt  }
0x57: {  	_ =	shalt  }
0x58: {  	_ =	shalt  }
0x59: {  	_ =	shalt  }
0x5a: {  	_ =	shalt  }
0x5b: {  	_ =	shalt  }
0x5c: {  	_ =	shalt  }
0x5d: {  	_ =	shalt  }
0x5e: {  	_ =	shalt  }
0x5f: {  	_ =	shalt  }
0x60: {  	_ =	shalt  }
0x61: {  	_ =	shalt  }
0x62: {  	_ =	shalt  }
0x63: {  	_ =	shalt  }
0x64: {  	_ =	shalt  }
0x65: {  	_ =	shalt  }
0x66: {  	_ =	shalt  }
0x67: {  	_ =	shalt  }
0x68: {  	_ =	shalt  }
0x69: {  	_ =	shalt  }
0x6a: {  	_ =	shalt  }
0x6b: {  	_ =	shalt  }
0x6c: {  	_ =	shalt  }
0x6d: {  	_ =	shalt  }
0x6e: {  	_ =	shalt  }
0x6f: {  	_ =	shalt  }
0x70: {  	_ =	shalt  }
0x71: {  	_ =	shalt  }
0x72: {  	_ =	shalt  }
0x73: {  	_ =	shalt  }
0x74: {  	_ =	shalt  }
0x75: {  	_ =	shalt  }
0x76: {  	_ =	shalt  }
0x77: {  	_ =	shalt  }
0x78: {  	_ =	shalt  }
0x79: {  	_ =	shalt  }
0x7a: {  	_ =	shalt  }
0x7b: {  	_ =	shalt  }
0x7c: {  	_ =	shalt  }
0x7d: {  	_ =	shalt  }
0x7e: {  	_ =	shalt  }
0x7f: {  	_ =	shalt  }
0x80: {  	_ =	shalt  }
0x81: {  	_ =	shalt  }
0x82: {  	_ =	shalt  }
0x83: {  	_ =	shalt  }
0x84: {  	_ =	shalt  }
0x85: {  	_ =	shalt  }
0x86: {  	_ =	shalt  }
0x87: {  	_ =	shalt  }
.Lfunc_end0:
.L_simem_size_0:
called_computation.2_lowered:
.L_overlay_start_0:
0x88: {  	s2 =	sld [smem:$0x3FD9]  }
0x89: {  	s3 =	sld [smem:$0x3FFE];
	_ =	sdelay $0x1  }
0x8a: {  	s1 =	srdreg.scid  }
0x8b: {  	s0 =	sand.u32 $0x1, s1  }
0x8c: {  	s16 =	sshll.u32 s0, $0xA;
	s2 =	sadd.s32 s3, s2  }
0x8d: {  	s2 =	sadd.s32 s2, s16  }
0x8e: {  	[smem:$0x3FC1] =	sst s2  }
0x8f: {  	_ = 	snop  }
0x90: {  	(tm) =	ssettm $0x1  }
0x91: {  	s17 =	sld [smem:$0x3FFB];
	_ =	sdelay $0x3  }
0x92: {  	_ =	strace s17  }
0x93: {  	s2 =	sld [smem:$0x3FFC];
	_ =	sdelay $0x3  }
0x94: {  	_ =	strace s2  }
0x95: {  	s2 =	sld [smem:$0x3FFD];
	_ =	sdelay $0x3  }
0x96: {  	_ =	strace s2  }
0x97: {  	_ =	strace $0x8FFFFFFF  }
0x98: {  	s18 =	sld [smem:$0x3FDB];
	_ =	sdelay $0x1  }
0x99: {  	s19 =	simm.s32 $_scs_section_size  }
0x9a: {  	s4 =	simm.s32 $_size__tile_overlayer_lowered;
	s5 =	simm.s32 $_tile_overlayer_lowered  }
0x9b: {  	s22 =	simm.s32 $0x1BFF;
	s21 =	sshll.u32 s5, $0x1;
	s2 =	sadd.s32 s19, s18  }
0x9c: {  	s6 =	simm.s32 $0x0;
	s20 =	sshll.u32 s4, $0x1;
	s4 =	sadd.s32 s21, s2  }
0x9d: {  	[timem:s6], [sflag:s22] =	dma.local [hbm:s4], s20  }
0x9e: {  	_ =	swait.ge [sflag:s22], s20  }
0x9f: {  	s3 =	ssub.s32 $0x0, s20;
	[sflag:s22] =	ssyncset.done $0x0  }
0xa0: {  	[sflag:s22] =	ssyncadd.s32 s3;
	_ =	sdelay $0x1  }
0xa1: {  	s23 =	simm.s32 $0x1B8B  }
0xa2: {  	_ =	swait.ge [sflag:s23], $0x1  }
0xa3: {  	[sflag:s23] =	ssyncset.done $0x0  }
0xa4: {  	s25 =	simm.s32 $0x1B8E;
	s24 =	sld [smem:$0x3FFE];
	[sflag:s23] =	ssyncadd.s32 $0xFFFFFFFF  }
0xa5: {  	s26 =	simm.s32 $execute0_lowered;
	[smem:$0x3FD2] =	sst s25  }
0xa6: {  	s4 =	sshll.u32 s26, $0x1;
	_ =	strace $0x8000004C;
	[dreg:$0x1] =	wrdreg $0xFFFFFFFF  }
0xa7: {  	s28 =	simm.s32 $_size_execute0_lowered;
	s2 =	sadd.s32 s2, s4;
	[dreg:$0x0] =	wrdreg $0x0  }
0xa8: {  	s4 =	sshll.u32 s28, $0x1;
	[dreg:$0x2] =	wrdreg s2  }
0xa9: {  	[dreg:$0x3] =	wrdreg s4  }
0xaa: {  	[dreg:$0x4] =	wrdreg $0xC0  }
0xab: {  	_ =	task [dreg:s6], $0x5FFFF  }
0xac: {  	[dreg:$0x1] =	wrdreg $0xFFFFFFFF  }
0xad: {  	[dreg:$0x0] =	wrdreg $0x60  }
0xae: {  	[dreg:$0x2] =	wrdreg s24  }
0xaf: {  	[dreg:$0x3] =	wrdreg $0x56800  }
0xb0: {  	[dreg:$0x4] =	wrdreg $0x59000  }
0xb1: {  	[dreg:$0x5] =	wrdreg $0x9  }
0xb2: {  	_ =	task.clear_ibuf [dreg:s6], $0x6FFFF;
	_ =	strace $0x9000004C  }
0xb3: {  	s29 =	simm.s32 $0x9;
	_ =	strace $0x8000004E  }
0xb4: {  	_ =	swait.ge [sflag:s29], $0x1  }
0xb5: {  	[sflag:s29] =	ssyncadd.s32 $0xFFFFFFFF  }
0xb6: {  	_ =	strace $0x9000004E  }
0xb7: {  	_ =	sfence  }
0xb8: {  	s30 =	sld [smem:$0x0];
	_ =	sdelay $0x2  }
0xb9: {  	s31 =	sshll.u32 s1, $0xD;
	s1 =	sshrl.u32 s1, $0x2  }
0xba: {  	s3 =	sand.u32 $0x4000, s31;
	s1 =	sadd.s32 s1, s30  }
0xbb: {  	s0 =	sor.u32 s3, s0;
	s1 =	sshll.u32 s1, $0x11  }
0xbc: {  	s0 =	sor.u32 s1, s0  }
0xbd: {  	s0 =	sadd.s32 $0x8F2B, s0  }
0xbe: {  	[sflag:s0] =	ssyncadd.remote.s32 $0x1  }
0xbf: {  	_ =	sfence.sel $0xFFFF  }
0xc0: {  	[dreg:$0x0] =	wrdreg $0xFFFFFFFF;
	(pc) =	sbr.abs _section_cstart, $3  }
0xc1: {  	[dreg:$0x1] =	wrdreg $0xFFFFFFFF  }
0xc2: {  	_ =	task.clear_ibuf [dreg:s6], $0x2FFFF;
	_ =	strace $0x9FFFFFFF  }
0xc3: {  	(tm) =	ssettm $0x7FFFFFFF  }
tec
execute0_lowered:
.L_overlay_start_1:
0x0: {  	(tag) =	ssettag $0x1  }
0x1: {  	s0 =	rddreg [dreg:$0x0]  }
0x2: {  	s1 =	rddreg [dreg:$0x1]  }
0x3: {  	s3 =	rddreg [dreg:$0x2];
	s6 =	simm.s32 $0x0  }
0x4: {  	s2 =	srdreg.scid;
	s4 =	stileid.u32;
	s15 =	simm.s32 $0xA  }
0x5: {  	s18 =	simm.s32 $0x80;
	s19 =	simm.s32 $0x5000;
	s20 =	simm.s32 $0x5200  }
0x6: {  	s21 =	simm.s32 $0x5080;
	s28 =	simm.s32 $0x5180;
	s29 =	simm.s32 $0x5380  }
0x7: {  	s30 =	simm.s32 $0x1;
	s31 =	simm.s32 $0x5;
	s16 =	simm.s32 $0x3  }
0x8: {  	s14 =	simm.s32 $0x8;
	s11 =	simm.s32 $0x0;
	s2 =	sand.u32 $0x1, s2  }
0x9: {  	s5 =	sshll.u32 s4, $0x1;
	s8 =	smul.u32 $0x280, s4;
	[smem:$0x7FF] =	sst s6  }
0xa: {  	s6 =	sadd.s32 $0x15E00, s0;
	s22 =	sor.u32 s2, s5;
	s7 =	smul.u32 $0x2800, s2  }
0xb: {  	_ =	strace $0x8000004D;
	s5 =	sadd.s32 $0x16400, s0;
	s2 =	ssub.s32 $0x2, s2  }
0xc: {  	s9 =	smul.u32 $0x500, s22;
	s10 =	sshrl.u32 s2, $0x1;
	s12 =	sadd.s32 s8, s1  }
0xd: {  	s13 =	sadd.s32 s8, s3;
	s22 =	simm.s32 $0x5280;
	s7 =	sadd.s32 s8, s7  }
0xe: {  	s2 =	ssub.s32 s2, s10;
	s10 =	simm.s32 $0x4;
	s9 =	sadd.s32 s9, s0  }
0xf: {  	s7 =	sshrl.u32 s7, $0x3;
	s26 =	smax.u32 s2, $0x1;
	s2 =	simm.s32 $0x6  }
.Ltmp0:
0x10: {  	s23 =	sadd.s32 $0x1E00, s9;
	[dreg:$0x8] =	wrdreg s26;
	(pc) =	sbr.rel .LBB2_1-.Ltmp0, $4  }
0x11: {  	s0 =	sadd.s32 s7, s0;
	s24 =	sadd.s32 $0xBE00, s9;
	[dreg:$0x4] =	wrdreg s23  }
0x12: {  	s9 =	simm.s32 $0x7;
	[dreg:$0x5] =	wrdreg s24;
	s25 =	sadd.s32 $0x16A00, s0  }
0x13: {  	s0 =	sadd.s32 $0x17400, s0;
	s24 =	simm.s32 $0x5100;
	[dreg:$0x6] =	wrdreg s25  }
0x14: {  	v0 =	vimm.f32 $0.0e+00;
	[dreg:$0x7] =	wrdreg s0;
	s25 =	simm.s32 $0x5300;
	s0 =	simm.s32 $0x2  }
.LBB2_4:
0x15: {  	s4 =	stileid.u32  }
0x16: {  	[bflag:$0x0] =	sbarrier.arrive $0xFFFF;
	s4 =	sshll.u32 s4, $0x6  }
0x17: {  	s7 =	sshrl.u32 s8, $0x3;
	s13 =	rddreg [dreg:$0x6];
	s4 =	sor.u32 $0x1C0A, s4  }
0x18: {  	[hbm:s13], [sflag:s4] =	dma.local [spmem:s7], $0x50  }
0x19: {  	_ =	swait.ge [sflag:s15], $0x50  }
0x1a: {  	s13 =	smov.u32 s17;
	[sflag:s15] =	ssyncset.done $0x0  }
0x1b: {  	s17 =	sshrl.u32 s17, $0x3;
	s23 =	rddreg [dreg:$0x7];
	[sflag:s15] =	ssyncadd.s32 $0xFFFFFFB0  }
0x1c: {  	[hbm:s23], [sflag:s4] =	dma.local [spmem:s17], $0x50  }
0x1d: {  	_ =	swait.ge [sflag:s15], $0x50  }
0x1e: {  	s11 =	sadd.s32 $0x1, s11;
	s26 =	rddreg [dreg:$0x8]  }
0x1f: {  	p0 =	sne.s32 s11, s26  }
.Ltmp1:
0x20: {  	_ = 	snop;
	(pc) =	sbr.rel @!p0 .LBB2_5-.Ltmp1, $3  }
0x21: {  	_ =	sdelay $0x1  }
0x22: {  	[sflag:s15] =	ssyncset.done $0x0  }
0x23: {  	s12 =	smov.u32 s8;
	[sflag:s15] =	ssyncadd.s32 $0xFFFFFFB0  }
.LBB2_1:
0x24: {  	[tilespmem:$0x5400] =	vst v0  }
0x25: {  	[tilespmem:$0x5410] =	vst v0  }
0x26: {  	[tilespmem:$0x5420] =	vst v0  }
0x27: {  	[tilespmem:$0x5430] =	vst v0  }
0x28: {  	[tilespmem:$0x5440] =	vst v0  }
0x29: {  	[tilespmem:$0x5450] =	vst v0  }
0x2a: {  	[tilespmem:$0x5460] =	vst v0  }
0x2b: {  	[tilespmem:$0x5470] =	vst v0  }
0x2c: {  	[tilespmem:$0x5480] =	vst v0  }
0x2d: {  	[tilespmem:$0x5490] =	vst v0  }
0x2e: {  	[tilespmem:$0x54A0] =	vst v0  }
0x2f: {  	[tilespmem:$0x54B0] =	vst v0  }
0x30: {  	[tilespmem:$0x54C0] =	vst v0  }
0x31: {  	[tilespmem:$0x54D0] =	vst v0  }
0x32: {  	[tilespmem:$0x54E0] =	vst v0  }
0x33: {  	[tilespmem:$0x54F0] =	vst v0  }
0x34: {  	[tilespmem:$0x5500] =	vst v0  }
0x35: {  	[tilespmem:$0x5510] =	vst v0  }
0x36: {  	[tilespmem:$0x5520] =	vst v0  }
0x37: {  	[tilespmem:$0x5530] =	vst v0  }
0x38: {  	[tilespmem:$0x5540] =	vst v0  }
0x39: {  	[tilespmem:$0x5550] =	vst v0  }
0x3a: {  	[tilespmem:$0x5560] =	vst v0  }
0x3b: {  	[tilespmem:$0x5570] =	vst v0  }
0x3c: {  	[tilespmem:$0x5580] =	vst v0  }
0x3d: {  	[tilespmem:$0x5590] =	vst v0  }
0x3e: {  	[tilespmem:$0x55A0] =	vst v0  }
0x3f: {  	[tilespmem:$0x55B0] =	vst v0  }
0x40: {  	[tilespmem:$0x55C0] =	vst v0  }
0x41: {  	[tilespmem:$0x55D0] =	vst v0  }
0x42: {  	[tilespmem:$0x55E0] =	vst v0  }
0x43: {  	[tilespmem:$0x55F0] =	vst v0  }
0x44: {  	[tilespmem:$0x5600] =	vst v0  }
0x45: {  	[tilespmem:$0x5610] =	vst v0  }
0x46: {  	[tilespmem:$0x5620] =	vst v0  }
0x47: {  	[tilespmem:$0x5630] =	vst v0  }
0x48: {  	[tilespmem:$0x5640] =	vst v0  }
0x49: {  	[tilespmem:$0x5650] =	vst v0  }
0x4a: {  	[tilespmem:$0x5660] =	vst v0  }
0x4b: {  	[tilespmem:$0x5670] =	vst v0;
	s4 =	simm.s32 $0x5400  }
0x4c: {  	[spmem:s12] =	stream.linear.scatter [tilespmem:s4], [sflag:$0xA], $0x280, $0x38;
	[tilespmem:$0x5B80] =	vst v63  }
0x4d: {  	_ =	swait.ge [sflag:s15], $0x280  }
0x4e: {  	[sflag:s15] =	ssyncset.done $0x0  }
0x4f: {  	[sflag:s15] =	ssyncadd.s32 $0xFFFFFD80  }
0x50: {  	[spmem:s13] =	stream.linear.scatter [tilespmem:s4], [sflag:$0xA], $0x280, $0x38;
	[tilespmem:$0x5B80] =	vst v63  }
0x51: {  	_ =	swait.ge [sflag:s15], $0x280  }
0x52: {  	[sflag:s15] =	ssyncset.done $0x0  }
0x53: {  	[sflag:s15] =	ssyncadd.s32 $0xFFFFFD80  }
0x54: {  	[bflag:$0x0] =	sbarrier.arrive $0xFFFF  }
0x55: {  	s17 =	smov.u32 s13;
	s4 =	simm.s32 $0x0;
	s7 =	rddreg [dreg:$0x4]  }
0x56: {  	[tilespmem:s4], [sflag:$0x9] =	stream.linear.gather [hbm4b:s7+s4], $0x2800, $0x38;
	[tilespmem:$0x5B80] =	vst v63  }
0x57: {  	s26 =	simm.s32 $0x2800;
	s13 =	simm.s32 $0x9;
	s23 =	rddreg [dreg:$0x5]  }
0x58: {  	[tilespmem:s26], [sflag:$0x9] =	stream.linear.gather [hbm4b:s23+s4], $0x2800, $0x38;
	[tilespmem:$0x5B80] =	vst v63  }
0x59: {  	_ =	swait.ge [sflag:s13], $0x2800  }
0x5a: {  	[sflag:s13] =	ssyncset.done $0x0  }
0x5b: {  	[sflag:s13] =	ssyncadd.s32 $0xFFFFD800  }
0x5c: {  	_ =	swait.ge [sflag:s13], $0x2800  }
0x5d: {  	[sflag:s13] =	ssyncset.done $0x0  }
0x5e: {  	[sflag:s13] =	ssyncadd.s32 $0xFFFFD800  }
0x5f: {  	[tilespmem:s19], [sflag:$0x1] =	stream.indirect.gather [hbm4b:s5+s18], $0x1, s4, s18, $0xb8;
	[tilespmem:$0x5B80] =	vst v63  }
0x60: {  	_ = 	snop  }
0x61: {  	[tilespmem:s20], [sflag:$0x5] =	stream.indirect.gather [hbm4b:s6+s18], $0x1, s4, s18, $0xb8;
	[tilespmem:$0x5B80] =	vst v63  }
0x62: {  	_ = 	snop  }
0x63: {  	[tilespmem:s21], [sflag:$0x2] =	stream.indirect.gather [hbm4b:s5+s18], $0x1, s18, s18, $0xb8;
	[tilespmem:$0x5B80] =	vst v63  }
0x64: {  	_ = 	snop  }
0x65: {  	[tilespmem:s22], [sflag:$0x6] =	stream.indirect.gather [hbm4b:s6+s18], $0x1, s18, s18, $0xb8;
	[tilespmem:$0x5B80] =	vst v63  }
0x66: {  	s23 =	simm.s32 $0x100  }
0x67: {  	[tilespmem:s24], [sflag:$0x3] =	stream.indirect.gather [hbm4b:s5+s18], $0x1, s23, s18, $0xb8;
	[tilespmem:$0x5B80] =	vst v63  }
0x68: {  	_ = 	snop  }
0x69: {  	[tilespmem:s25], [sflag:$0x7] =	stream.indirect.gather [hbm4b:s6+s18], $0x1, s23, s18, $0xb8;
	[tilespmem:$0x5B80] =	vst v63  }
0x6a: {  	s26 =	simm.s32 $0x180  }
0x6b: {  	[tilespmem:s28], [sflag:$0x4] =	stream.indirect.gather [hbm4b:s5+s18], $0x1, s26, s18, $0xb8;
	[tilespmem:$0x5B80] =	vst v63  }
0x6c: {  	s8 =	smov.u32 s12;
	s12 =	simm.s32 $0x0  }
0x6d: {  	[tilespmem:s29], [sflag:$0x8] =	stream.indirect.gather [hbm4b:s6+s18], $0x1, s26, s18, $0xb8;
	[tilespmem:$0x5B80] =	vst v63  }
.LBB2_2:
0x6e: {  	_ =	swait.ge [sflag:s30], $0x80  }
0x6f: {  	[sflag:s30] =	ssyncset.done $0x0  }
0x70: {  	[sflag:s30] =	ssyncadd.s32 $0xFFFFFF80  }
0x71: {  	_ =	swait.ge [sflag:s31], $0x80  }
0x72: {  	s13 =	sshra.s32 s12, $0x2;
	[sflag:s31] =	ssyncset.done $0x0  }
0x73: {  	s23 =	sadd.s32 $0x2800, s13;
	[sflag:s31] =	ssyncadd.s32 $0xFFFFFF80  }
0x74: {  	[spmem:s1] =	stream.indirect.scatter.add.f32 [tilespmem:s19], [sflag:$0xA], $0x1, s23, s18, $0xb8;
	[tilespmem:$0x5B80] =	vst v63  }
0x75: {  	_ =	swait.ge [sflag:s15], $0x80  }
0x76: {  	[sflag:s15] =	ssyncset.done $0x0  }
0x77: {  	[sflag:s15] =	ssyncadd.s32 $0xFFFFFF80  }
0x78: {  	[spmem:s3] =	stream.indirect.scatter.add.f32 [tilespmem:s20], [sflag:$0xA], $0x1, s23, s18, $0xb8;
	[tilespmem:$0x5B80] =	vst v63  }
0x79: {  	p0 =	seq.s32 s12, $0x9800;
	_ =	swait.ge [sflag:s15], $0x80  }
0x7a: {  	s4 =	simm.s32 @!p0 $0x80;
	s23 =	sshra.s32 @!p0 s12, $0x2;
	[sflag:s15] =	ssyncset.done $0x0  }
0x7b: {  	s7 =	simm.s32 @!p0 $0x5000;
	s26 =	sadd.s32 @!p0 $0x200, s23;
	[sflag:s15] =	ssyncadd.s32 $0xFFFFFF80  }
0x7c: {  	[tilespmem:s7], [sflag:$0x1] =	stream.indirect.gather @!p0 [hbm4b:s5+s4], $0x1, s26, s4, $0xb8;
	[tilespmem:$0x5B80] =	vst v63  }
0x7d: {  	s7 =	simm.s32 @!p0 $0x5200  }
0x7e: {  	[tilespmem:s7], [sflag:$0x5] =	stream.indirect.gather @!p0 [hbm4b:s6+s4], $0x1, s26, s4, $0xb8;
	[tilespmem:$0x5B80] =	vst v63  }
0x7f: {  	_ =	swait.ge [sflag:s0], $0x80  }
0x80: {  	[sflag:s0] =	ssyncset.done $0x0  }
0x81: {  	[sflag:s0] =	ssyncadd.s32 $0xFFFFFF80  }
0x82: {  	_ =	swait.ge [sflag:s2], $0x80  }
0x83: {  	[sflag:s2] =	ssyncset.done $0x0  }
0x84: {  	s26 =	sadd.s32 $0x2880, s13;
	[sflag:s2] =	ssyncadd.s32 $0xFFFFFF80  }
0x85: {  	[spmem:s1] =	stream.indirect.scatter.add.f32 [tilespmem:s21], [sflag:$0xA], $0x1, s26, s18, $0xb8;
	[tilespmem:$0x5B80] =	vst v63  }
0x86: {  	_ =	swait.ge [sflag:s15], $0x80  }
0x87: {  	[sflag:s15] =	ssyncset.done $0x0  }
0x88: {  	[sflag:s15] =	ssyncadd.s32 $0xFFFFFF80  }
0x89: {  	[spmem:s3] =	stream.indirect.scatter.add.f32 [tilespmem:s22], [sflag:$0xA], $0x1, s26, s18, $0xb8;
	[tilespmem:$0x5B80] =	vst v63  }
0x8a: {  	_ =	swait.ge [sflag:s15], $0x80  }
0x8b: {  	[sflag:s15] =	ssyncset.done $0x0  }
0x8c: {  	s7 =	sadd.s32 @!p0 $0x280, s23;
	s26 =	simm.s32 @!p0 $0x5080;
	[sflag:s15] =	ssyncadd.s32 $0xFFFFFF80  }
0x8d: {  	[tilespmem:s26], [sflag:$0x2] =	stream.indirect.gather @!p0 [hbm4b:s5+s4], $0x1, s7, s4, $0xb8;
	[tilespmem:$0x5B80] =	vst v63  }
0x8e: {  	s26 =	simm.s32 @!p0 $0x5280  }
0x8f: {  	[tilespmem:s26], [sflag:$0x6] =	stream.indirect.gather @!p0 [hbm4b:s6+s4], $0x1, s7, s4, $0xb8;
	[tilespmem:$0x5B80] =	vst v63  }
0x90: {  	_ =	swait.ge [sflag:s16], $0x80  }
0x91: {  	[sflag:s16] =	ssyncset.done $0x0  }
0x92: {  	[sflag:s16] =	ssyncadd.s32 $0xFFFFFF80  }
0x93: {  	_ =	swait.ge [sflag:s9], $0x80  }
0x94: {  	[sflag:s9] =	ssyncset.done $0x0  }
0x95: {  	s26 =	sadd.s32 $0x2900, s13;
	[sflag:s9] =	ssyncadd.s32 $0xFFFFFF80  }
0x96: {  	[spmem:s1] =	stream.indirect.scatter.add.f32 [tilespmem:s24], [sflag:$0xA], $0x1, s26, s18, $0xb8;
	[tilespmem:$0x5B80] =	vst v63  }
0x97: {  	_ =	swait.ge [sflag:s15], $0x80  }
0x98: {  	[sflag:s15] =	ssyncset.done $0x0  }
0x99: {  	[sflag:s15] =	ssyncadd.s32 $0xFFFFFF80  }
0x9a: {  	[spmem:s3] =	stream.indirect.scatter.add.f32 [tilespmem:s25], [sflag:$0xA], $0x1, s26, s18, $0xb8;
	[tilespmem:$0x5B80] =	vst v63  }
0x9b: {  	_ =	swait.ge [sflag:s15], $0x80  }
0x9c: {  	[sflag:s15] =	ssyncset.done $0x0  }
0x9d: {  	s7 =	sadd.s32 @!p0 $0x300, s23;
	s23 =	simm.s32 @!p0 $0x5100;
	[sflag:s15] =	ssyncadd.s32 $0xFFFFFF80  }
0x9e: {  	[tilespmem:s23], [sflag:$0x3] =	stream.indirect.gather @!p0 [hbm4b:s5+s4], $0x1, s7, s4, $0xb8;
	[tilespmem:$0x5B80] =	vst v63  }
0x9f: {  	s23 =	simm.s32 @!p0 $0x5300  }
0xa0: {  	[tilespmem:s23], [sflag:$0x7] =	stream.indirect.gather @!p0 [hbm4b:s6+s4], $0x1, s7, s4, $0xb8;
	[tilespmem:$0x5B80] =	vst v63  }
0xa1: {  	_ =	swait.ge [sflag:s10], $0x80  }
0xa2: {  	[sflag:s10] =	ssyncset.done $0x0  }
0xa3: {  	[sflag:s10] =	ssyncadd.s32 $0xFFFFFF80  }
0xa4: {  	_ =	swait.ge [sflag:s14], $0x80  }
0xa5: {  	[sflag:s14] =	ssyncset.done $0x0  }
0xa6: {  	s26 =	sadd.s32 $0x2980, s13;
	[sflag:s14] =	ssyncadd.s32 $0xFFFFFF80  }
0xa7: {  	[spmem:s1] =	stream.indirect.scatter.add.f32 [tilespmem:s28], [sflag:$0xA], $0x1, s26, s18, $0xb8;
	[tilespmem:$0x5B80] =	vst v63  }
0xa8: {  	_ =	swait.ge [sflag:s15], $0x80  }
0xa9: {  	[sflag:s15] =	ssyncset.done $0x0  }
.Ltmp2:
0xaa: {  	[sflag:s15] =	ssyncadd.s32 $0xFFFFFF80;
	(pc) =	sbr.rel @p0 .LBB2_4-.Ltmp2, $4  }
0xab: {  	[spmem:s3] =	stream.indirect.scatter.add.f32 [tilespmem:s29], [sflag:$0xA], $0x1, s26, s18, $0xb8;
	[tilespmem:$0x5B80] =	vst v63  }
0xac: {  	_ =	swait.ge [sflag:s15], $0x80  }
0xad: {  	[sflag:s15] =	ssyncset.done $0x0  }
0xae: {  	[sflag:s15] =	ssyncadd.s32 $0xFFFFFF80  }
.Ltmp3:
0xaf: {  	(pc) =	sbr.rel .LBB2_2-.Ltmp3, $4  }
0xb0: {  	s4 =	sadd.s32 $0x380, s13  }
0xb1: {  	[tilespmem:s28], [sflag:$0x4] =	stream.indirect.gather [hbm4b:s5+s18], $0x1, s4, s18, $0xb8;
	[tilespmem:$0x5B80] =	vst v63  }
0xb2: {  	s12 =	sadd.s32 $0x800, s12  }
0xb3: {  	[tilespmem:s29], [sflag:$0x8] =	stream.indirect.gather [hbm4b:s6+s18], $0x1, s4, s18, $0xb8;
	[tilespmem:$0x5B80] =	vst v63  }
.LBB2_5:
0xb4: {  	_ =	sfence.sel $0x180000  }
0xb5: {  	[bflag:$0x0] =	sbarrier.arrive $0xFFFF  }
0xb6: {  	_ =	strace $0x9000004D  }
0xb7: {  	s0 =	stileid.u32;
	[bflag:$0x2] =	sbarrier.arrive $0xFFFF  }
0xb8: {  	p0 =	sne.s32 s0, $0x0;
	s0 =	rddreg [dreg:$0x3]  }
0xb9: {  	s0 =	sadd.s32 @!p0 $0x100000, s0  }
0xba: {  	[sflag:s0] =	ssyncadd.tile.s32 @!p0 $0x1;
	_ =	shalt  }
.Lfunc_end2:
_tile_overlayer_lowered:
.L_overlay_start_2:
0xbb: {  	(tag) =	ssettag $0x2  }
0xbc: {  	s0 =	rddreg [dreg:$0x0];
	s2 =	stileid.u32  }
0xbd: {  	s1 =	rddreg [dreg:$0x1];
	p0 =	sne.s32 s2, $0x0  }
0xbe: {  	s3 =	rddreg [dreg:$0x2];
	[bflag:$0x3] =	sbarrier.arrive $0xFFFF;
	s2 =	simm.s32 @!p0 $0x1C0A  }
0xbf: {  	[timem:s3], [sflag:s2] =	dma.local @!p0 [hbm:s0], s1  }
0xc0: {  	s0 =	simm.s32 @!p0 $0xA  }
0xc1: {  	_ =	swait.ge @!p0 [sflag:s0], s1  }
0xc2: {  	s1 =	ssub.s32 @!p0 $0x0, s1;
	[sflag:s0] =	ssyncset.done @!p0 $0x0  }
0xc3: {  	[sflag:s0] =	ssyncadd.s32 @!p0 s1  }
0xc4: {  	[bflag:$0x3] =	sbarrier.arrive $0xFFFF  }
0xc5: {  	_ =	shalt  }

// kernel: kernel.8.cloned.1.call-start
scs
__scs_entry_jumppad:
0x0: {  	(pc) =	sbr.rel $0x88, $3  }
0x1: {  	(tag) =	ssettag $0x0;
	lr =	simm.s32 $0x1  }
0x2: {  	[smem:$0x3F9A] =	sst lr;
	_ =	strace $0xD0000000  }
0x3: {  	_ = 	snop  }
0x4: {  	_ = 	snop  }
0x5: {  	_ = 	snop  }
0x6: {  	_ = 	snop  }
0x7: {  	_ = 	snop  }
__scs_overlays_trampoline_lowered:
0x8: {  	[smem:$0x3FA9] =	sst s0  }
0x9: {  	[smem:$0x3FAA] =	sst s1  }
0xa: {  	[smem:$0x3FAB] =	sst s2  }
0xb: {  	[smem:$0x3FAC] =	sst s3  }
0xc: {  	[smem:$0x3FAD] =	sst s4  }
0xd: {  	[smem:$0x3FAE] =	sst s5  }
0xe: {  	[smem:$0x3FAF] =	sst s6  }
0xf: {  	[smem:$0x3FB0] =	sst s7  }
0x10: {  	[smem:$0x3FB1] =	sst s8  }
0x11: {  	[smem:$0x3FB2] =	sst s9;
	s0 =	simm.s32 @!p0 $0x0  }
0x12: {  	s1 =	sld [smem:$0x3F98];
	s0 =	simm.s32 @p0 $0x1  }
0x13: {  	[smem:$0x3FB3] =	sst s0;
	s0 =	simm.s32 @!p1 $0x0  }
0x14: {  	s2 =	sld [smem:$0x3F97];
	s0 =	simm.s32 @p1 $0x1  }
0x15: {  	[smem:$0x3FB4] =	sst s0;
	s0 =	simm.s32 @!p2 $0x0  }
0x16: {  	s3 =	sld [smem:$0x3FDB];
	s0 =	simm.s32 @p2 $0x1  }
0x17: {  	s4 =	simm.s32 $0x1BF5;
	[smem:$0x3FB6] =	sst s0  }
0x18: {  	s0 =	sld [smem:$0x3F99];
	_ =	swait.ge [sflag:s4], $0x0  }
0x19: {  	s7 =	sld [smem:$0x3F9A]  }
0x1a: {  	s8 =	sadd.s32 $0xFFFFE003, lr  }
0x1b: {  	s9 =	sadd.s32 $0xFFFFFEF7, lr;
	s5 =	simm.s32 $0xFFFFFFFF;
	p2 =	slt.u32 s8, $0xFFFFF086  }
0x1c: {  	p1 =	slt.u32 s9, $0xF7A;
	s5 =	simm.s32 @!p2 $0x0  }
0x1d: {  	s5 =	simm.s32 @p1 $0x1;
	p0 =	seq.s32 s7, s2  }
0x1e: {  	s7 =	smul.u32 @!p0 $0xF7A, s2;
	p2 =	seq.s32 @!p0 s5, $0x0  }
0x1f: {  	s9 =	smul.u32 $0xF7A, s1;
	s8 =	simm.s32 @!p0 $0x1BF5;
	p2 =	por !p2, p0  }
0x20: {  	[sflag:s8] =	ssyncset.s32 @!p0 $0xFFFFF086;
	s6 =	sadd.s32 @!p0 s3, s7;
	s7 =	simm.s32 @!p0 $0x108  }
0x21: {  	s3 =	sadd.s32 s3, s9;
	s6 =	sadd.s32 @!p0 $0x88, s6;
	s7 =	simm.s32 @p2 $0x1082  }
0x22: {  	[simem:s7], [sflag:s8] =	dma.local @!p0 [hbm:s6], $0xF7A  }
0x23: {  	s9 =	sor.u32 $0xD0000000, s2;
	s6 =	simm.s32 $0x108;
	_ =	swait.ge @!p0 [sflag:s8], $0x0  }
0x24: {  	s3 =	sadd.s32 $0x88, s3;
	s6 =	simm.s32 @!p1 $0x1082;
	[sflag:s4] =	ssyncset.s32 $0xFFFFF086  }
0x25: {  	[simem:s6], [sflag:s4] =	dma.local [hbm:s3], $0xF7A  }
0x26: {  	[smem:$0x3F9A] =	sst s1;
	(tag) =	ssettag s2;
	_ =	strace s9  }
0x27: {  	s1 =	sld [smem:$0x3FAA]  }
0x28: {  	s2 =	sld [smem:$0x3FAB]  }
0x29: {  	s4 =	sld [smem:$0x3FAD]  }
0x2a: {  	p0 =	seq.s32 s5, $0x0;
	s5 =	sld [smem:$0x3FAE]  }
0x2b: {  	s6 =	sld [smem:$0x3FAF]  }
0x2c: {  	s7 =	sld [smem:$0x3FB0]  }
0x2d: {  	s3 =	simm.s32 $0x108;
	s8 =	sld [smem:$0x3FB1]  }
0x2e: {  	s3 =	simm.s32 @!p0 $0x1082;
	s9 =	sld [smem:$0x3FB2]  }
0x2f: {  	lr =	sadd.s32 s0, s3;
	s0 =	sld [smem:$0x3FA9]  }
0x30: {  	s3 =	sld [smem:$0x3FAC]  }
0x31: {  	[smem:$0x3FB5] =	sst s10  }
0x32: {  	s10 =	sld [smem:$0x3FB3];
	_ =	sdelay $0x3  }
0x33: {  	p0 =	seq.s32 s10, $0x1;
	s10 =	sld [smem:$0x3FB5];
	_ =	sdelay $0x3  }
0x34: {  	[smem:$0x3FB5] =	sst s10  }
0x35: {  	s10 =	sld [smem:$0x3FB4];
	_ =	sdelay $0x3  }
0x36: {  	p1 =	seq.s32 s10, $0x1;
	s10 =	sld [smem:$0x3FB5];
	_ =	sdelay $0x3  }
0x37: {  	[smem:$0x3FB5] =	sst s10  }
0x38: {  	s10 =	sld [smem:$0x3FB6]  }
0x39: {  	_ = 	snop;
	(pc) =	sbr.ind lr, $3  }
0x3a: {  	_ = 	snop  }
0x3b: {  	_ = 	snop  }
0x3c: {  	p2 =	seq.s32 s10, $0x1;
	s10 =	sld [smem:$0x3FB5]  }
0x3d: {  	_ =	shalt  }
0x3e: {  	_ =	shalt  }
0x3f: {  	_ =	shalt  }
0x40: {  	_ =	shalt  }
0x41: {  	_ =	shalt  }
0x42: {  	_ =	shalt  }
0x43: {  	_ =	shalt  }
0x44: {  	_ =	shalt  }
0x45: {  	_ =	shalt  }
0x46: {  	_ =	shalt  }
0x47: {  	_ =	shalt  }
0x48: {  	_ =	shalt  }
0x49: {  	_ =	shalt  }
0x4a: {  	_ =	shalt  }
0x4b: {  	_ =	shalt  }
0x4c: {  	_ =	shalt  }
0x4d: {  	_ =	shalt  }
0x4e: {  	_ =	shalt  }
0x4f: {  	_ =	shalt  }
0x50: {  	_ =	shalt  }
0x51: {  	_ =	shalt  }
0x52: {  	_ =	shalt  }
0x53: {  	_ =	shalt  }
0x54: {  	_ =	shalt  }
0x55: {  	_ =	shalt  }
0x56: {  	_ =	shalt  }
0x57: {  	_ =	shalt  }
0x58: {  	_ =	shalt  }
0x59: {  	_ =	shalt  }
0x5a: {  	_ =	shalt  }
0x5b: {  	_ =	shalt  }
0x5c: {  	_ =	shalt  }
0x5d: {  	_ =	shalt  }
0x5e: {  	_ =	shalt  }
0x5f: {  	_ =	shalt  }
0x60: {  	_ =	shalt  }
0x61: {  	_ =	shalt  }
0x62: {  	_ =	shalt  }
0x63: {  	_ =	shalt  }
0x64: {  	_ =	shalt  }
0x65: {  	_ =	shalt  }
0x66: {  	_ =	shalt  }
0x67: {  	_ =	shalt  }
0x68: {  	_ =	shalt  }
0x69: {  	_ =	shalt  }
0x6a: {  	_ =	shalt  }
0x6b: {  	_ =	shalt  }
0x6c: {  	_ =	shalt  }
0x6d: {  	_ =	shalt  }
0x6e: {  	_ =	shalt  }
0x6f: {  	_ =	shalt  }
0x70: {  	_ =	shalt  }
0x71: {  	_ =	shalt  }
0x72: {  	_ =	shalt  }
0x73: {  	_ =	shalt  }
0x74: {  	_ =	shalt  }
0x75: {  	_ =	shalt  }
0x76: {  	_ =	shalt  }
0x77: {  	_ =	shalt  }
0x78: {  	_ =	shalt  }
0x79: {  	_ =	shalt  }
0x7a: {  	_ =	shalt  }
0x7b: {  	_ =	shalt  }
0x7c: {  	_ =	shalt  }
0x7d: {  	_ =	shalt  }
0x7e: {  	_ =	shalt  }
0x7f: {  	_ =	shalt  }
0x80: {  	_ =	shalt  }
0x81: {  	_ =	shalt  }
0x82: {  	_ =	shalt  }
0x83: {  	_ =	shalt  }
0x84: {  	_ =	shalt  }
0x85: {  	_ =	shalt  }
0x86: {  	_ =	shalt  }
0x87: {  	_ =	shalt  }
.Lfunc_end0:
.L_simem_size_0:
called_computation_lowered:
.L_overlay_start_0:
0x88: {  	s2 =	sld [smem:$0x3FD9]  }
0x89: {  	s3 =	sld [smem:$0x3FFE];
	_ =	sdelay $0x1  }
0x8a: {  	s1 =	srdreg.scid  }
0x8b: {  	s0 =	sand.u32 $0x1, s1  }
0x8c: {  	s16 =	sshll.u32 s0, $0xA;
	s2 =	sadd.s32 s3, s2  }
0x8d: {  	s2 =	sadd.s32 s2, s16  }
0x8e: {  	[smem:$0x3FC1] =	sst s2  }
0x8f: {  	_ = 	snop  }
0x90: {  	(tm) =	ssettm $0x1  }
0x91: {  	s17 =	sld [smem:$0x3FFB];
	_ =	sdelay $0x3  }
0x92: {  	_ =	strace s17  }
0x93: {  	s2 =	sld [smem:$0x3FFC];
	_ =	sdelay $0x3  }
0x94: {  	_ =	strace s2  }
0x95: {  	s2 =	sld [smem:$0x3FFD];
	_ =	sdelay $0x3  }
0x96: {  	_ =	strace s2  }
0x97: {  	_ =	strace $0x8FFFFFFF  }
0x98: {  	s18 =	sld [smem:$0x3FDB];
	_ =	sdelay $0x1  }
0x99: {  	s19 =	simm.s32 $_scs_section_size  }
0x9a: {  	s4 =	simm.s32 $_size__tile_overlayer_lowered;
	s5 =	simm.s32 $_tile_overlayer_lowered  }
0x9b: {  	s22 =	simm.s32 $0x1BFF;
	s21 =	sshll.u32 s5, $0x1;
	s2 =	sadd.s32 s19, s18  }
0x9c: {  	s6 =	simm.s32 $0x0;
	s20 =	sshll.u32 s4, $0x1;
	s4 =	sadd.s32 s21, s2  }
0x9d: {  	[timem:s6], [sflag:s22] =	dma.local [hbm:s4], s20  }
0x9e: {  	_ =	swait.ge [sflag:s22], s20  }
0x9f: {  	s3 =	ssub.s32 $0x0, s20;
	[sflag:s22] =	ssyncset.done $0x0  }
0xa0: {  	[sflag:s22] =	ssyncadd.s32 s3;
	_ =	sdelay $0x1  }
0xa1: {  	s23 =	simm.s32 $0x1B8B  }
0xa2: {  	_ =	swait.ge [sflag:s23], $0x1  }
0xa3: {  	[sflag:s23] =	ssyncset.done $0x0  }
0xa4: {  	s25 =	simm.s32 $0x1B8E;
	s24 =	sld [smem:$0x3FFE];
	[sflag:s23] =	ssyncadd.s32 $0xFFFFFFFF  }
0xa5: {  	s26 =	simm.s32 $execute0_lowered;
	[smem:$0x3FD2] =	sst s25  }
0xa6: {  	s4 =	sshll.u32 s26, $0x1;
	_ =	strace $0x80000046;
	[dreg:$0x1] =	wrdreg $0xFFFFFFFF  }
0xa7: {  	s28 =	simm.s32 $_size_execute0_lowered;
	s2 =	sadd.s32 s2, s4;
	[dreg:$0x0] =	wrdreg $0x0  }
0xa8: {  	s4 =	sshll.u32 s28, $0x1;
	[dreg:$0x2] =	wrdreg s2  }
0xa9: {  	[dreg:$0x3] =	wrdreg s4  }
0xaa: {  	[dreg:$0x4] =	wrdreg $0xC0  }
0xab: {  	_ =	task [dreg:s6], $0x5FFFF  }
0xac: {  	[dreg:$0x1] =	wrdreg $0xFFFFFFFF  }
0xad: {  	[dreg:$0x0] =	wrdreg $0x60  }
0xae: {  	[dreg:$0x2] =	wrdreg s24  }
0xaf: {  	[dreg:$0x3] =	wrdreg $0x2B000  }
0xb0: {  	[dreg:$0x4] =	wrdreg $0x9  }
0xb1: {  	_ =	task.clear_ibuf [dreg:s6], $0x5FFFF;
	_ =	strace $0x90000046  }
0xb2: {  	s29 =	simm.s32 $0x9;
	_ =	strace $0x80000048  }
0xb3: {  	_ =	swait.ge [sflag:s29], $0x1  }
0xb4: {  	[sflag:s29] =	ssyncadd.s32 $0xFFFFFFFF  }
0xb5: {  	_ =	strace $0x90000048  }
0xb6: {  	_ =	sfence  }
0xb7: {  	s30 =	sld [smem:$0x0];
	_ =	sdelay $0x2  }
0xb8: {  	s31 =	sshll.u32 s1, $0xD;
	s1 =	sshrl.u32 s1, $0x2  }
0xb9: {  	s3 =	sand.u32 $0x4000, s31;
	s1 =	sadd.s32 s1, s30  }
0xba: {  	s0 =	sor.u32 s3, s0;
	s1 =	sshll.u32 s1, $0x11  }
0xbb: {  	s0 =	sor.u32 s1, s0  }
0xbc: {  	s0 =	sadd.s32 $0x8F2B, s0  }
0xbd: {  	[sflag:s0] =	ssyncadd.remote.s32 $0x1  }
0xbe: {  	_ =	sfence.sel $0xFFFF  }
0xbf: {  	[dreg:$0x0] =	wrdreg $0xFFFFFFFF;
	(pc) =	sbr.abs _section_cstart, $3  }
0xc0: {  	[dreg:$0x1] =	wrdreg $0xFFFFFFFF  }
0xc1: {  	_ =	task.clear_ibuf [dreg:s6], $0x2FFFF;
	_ =	strace $0x9FFFFFFF  }
0xc2: {  	(tm) =	ssettm $0x7FFFFFFF  }
0xc3: {  	_ =	shalt  }
tec
execute0_lowered:
.L_overlay_start_1:
0x0: {  	(tag) =	ssettag $0x1  }
0x1: {  	s4 =	rddreg [dreg:$0x0]  }
0x2: {  	s2 =	rddreg [dreg:$0x1]  }
0x3: {  	s0 =	rddreg [dreg:$0x2];
	s3 =	srdreg.scid  }
0x4: {  	s1 =	stileid.u32;
	s10 =	simm.s32 $0x1;
	s11 =	simm.s32 $0x80  }
0x5: {  	s12 =	simm.s32 $0x2800;
	s15 =	simm.s32 $0x0;
	s5 =	sand.u32 $0x1, s3  }
0x6: {  	s6 =	sshll.u32 s1, $0x1;
	s7 =	smul.u32 $0x280, s1;
	s3 =	simm.s32 $0x0  }
0x7: {  	s13 =	sshll.u32 s1, $0x6;
	s6 =	sor.u32 s5, s6;
	s8 =	smul.u32 $0x2800, s5  }
0x8: {  	[smem:$0x7FF] =	sst s3;
	s5 =	ssub.s32 $0x2, s5;
	s13 =	sor.u32 $0x1C02, s13  }
0x9: {  	s6 =	smul.u32 $0x500, s6;
	s9 =	sshrl.u32 s5, $0x1;
	s8 =	sadd.s32 s7, s8  }
0xa: {  	_ =	strace $0x80000047;
	s9 =	ssub.s32 s5, s9;
	s8 =	sshrl.u32 s8, $0x3  }
0xb: {  	s6 =	sadd.s32 s6, s4;
	s8 =	sadd.s32 s8, s4;
	s4 =	sadd.s32 s7, s2  }
0xc: {  	s5 =	sadd.s32 $0xBE00, s6;
	s7 =	smax.u32 s9, $0x1;
	s9 =	simm.s32 $0x2  }
0xd: {  	v0 =	vimm.f32 $0.0e+00;
	v1 =	vimm.f32 $1.000000000e+00;
	s6 =	sadd.s32 $0x15E00, s8;
	s8 =	simm.s32 $0x2880;
	s14 =	sshrl.u32 s4, $0x3  }
.LBB2_1:
0xe: {  	[tilespmem:$0x2880] =	vst v0  }
0xf: {  	[tilespmem:$0x2890] =	vst v0  }
0x10: {  	[tilespmem:$0x28A0] =	vst v0  }
0x11: {  	[tilespmem:$0x28B0] =	vst v0  }
0x12: {  	[tilespmem:$0x28C0] =	vst v0  }
0x13: {  	[tilespmem:$0x28D0] =	vst v0  }
0x14: {  	[tilespmem:$0x28E0] =	vst v0  }
0x15: {  	[tilespmem:$0x28F0] =	vst v0  }
0x16: {  	[tilespmem:$0x2900] =	vst v0  }
0x17: {  	[tilespmem:$0x2910] =	vst v0  }
0x18: {  	[tilespmem:$0x2920] =	vst v0  }
0x19: {  	[tilespmem:$0x2930] =	vst v0  }
0x1a: {  	[tilespmem:$0x2940] =	vst v0  }
0x1b: {  	[tilespmem:$0x2950] =	vst v0  }
0x1c: {  	[tilespmem:$0x2960] =	vst v0  }
0x1d: {  	[tilespmem:$0x2970] =	vst v0  }
0x1e: {  	[tilespmem:$0x2980] =	vst v0  }
0x1f: {  	[tilespmem:$0x2990] =	vst v0  }
0x20: {  	[tilespmem:$0x29A0] =	vst v0  }
0x21: {  	[tilespmem:$0x29B0] =	vst v0  }
0x22: {  	[tilespmem:$0x29C0] =	vst v0  }
0x23: {  	[tilespmem:$0x29D0] =	vst v0  }
0x24: {  	[tilespmem:$0x29E0] =	vst v0  }
0x25: {  	[tilespmem:$0x29F0] =	vst v0  }
0x26: {  	[tilespmem:$0x2A00] =	vst v0  }
0x27: {  	[tilespmem:$0x2A10] =	vst v0  }
0x28: {  	[tilespmem:$0x2A20] =	vst v0  }
0x29: {  	[tilespmem:$0x2A30] =	vst v0  }
0x2a: {  	[tilespmem:$0x2A40] =	vst v0  }
0x2b: {  	[tilespmem:$0x2A50] =	vst v0  }
0x2c: {  	[tilespmem:$0x2A60] =	vst v0  }
0x2d: {  	[tilespmem:$0x2A70] =	vst v0  }
0x2e: {  	[tilespmem:$0x2A80] =	vst v0  }
0x2f: {  	[tilespmem:$0x2A90] =	vst v0  }
0x30: {  	[tilespmem:$0x2AA0] =	vst v0  }
0x31: {  	[tilespmem:$0x2AB0] =	vst v0  }
0x32: {  	[tilespmem:$0x2AC0] =	vst v0  }
0x33: {  	[tilespmem:$0x2AD0] =	vst v0  }
0x34: {  	[tilespmem:$0x2AE0] =	vst v0  }
0x35: {  	[tilespmem:$0x2AF0] =	vst v0  }
0x36: {  	[tilespmem:$0x2800] =	vst v1  }
0x37: {  	[tilespmem:$0x2810] =	vst v1  }
0x38: {  	[tilespmem:$0x2820] =	vst v1  }
0x39: {  	[tilespmem:$0x2830] =	vst v1  }
0x3a: {  	[tilespmem:$0x2840] =	vst v1  }
0x3b: {  	[tilespmem:$0x2850] =	vst v1  }
0x3c: {  	[tilespmem:$0x2860] =	vst v1  }
0x3d: {  	[tilespmem:$0x2870] =	vst v1  }
0x3e: {  	[spmem:s4] =	stream.linear.scatter [tilespmem:s8], [sflag:$0x2], $0x280, $0x38;
	[tilespmem:$0x2D80] =	vst v63  }
0x3f: {  	_ =	swait.ge [sflag:s9], $0x280  }
0x40: {  	[sflag:s9] =	ssyncset.done $0x0  }
0x41: {  	[sflag:s9] =	ssyncadd.s32 $0xFFFFFD80  }
0x42: {  	[bflag:$0x0] =	sbarrier.arrive $0xFFFF  }
0x43: {  	[tilespmem:s3], [sflag:$0x1] =	stream.linear.gather [hbm4b:s5+s3], $0x2800, $0x38;
	[tilespmem:$0x2D80] =	vst v63  }
0x44: {  	_ =	swait.ge [sflag:s10], $0x2800  }
0x45: {  	[sflag:s10] =	ssyncset.done $0x0  }
0x46: {  	s16 =	simm.s32 $0x0;
	[sflag:s10] =	ssyncadd.s32 $0xFFFFD800  }
0x47: {  	[spmem:s2] =	stream.indirect.scatter.add.f32 [tilespmem:s12], [sflag:$0x2], $0x1, s16, s11, $0xb8;
	[tilespmem:$0x2D80] =	vst v63  }
0x48: {  	_ =	swait.ge [sflag:s9], $0x80  }
0x49: {  	s16 =	simm.s32 $0x200;
	[sflag:s9] =	ssyncset.done $0x0  }
.LBB2_2:
0x4a: {  	s17 =	sshra.s32 s16, $0x2;
	[sflag:s9] =	ssyncadd.s32 $0xFFFFFF80;
	p0 =	sne.s32 s16, $0x9E00  }
0x4b: {  	[spmem:s2] =	stream.indirect.scatter.add.f32 [tilespmem:s12], [sflag:$0x2], $0x1, s17, s11, $0xb8;
	[tilespmem:$0x2D80] =	vst v63  }
.Ltmp0:
0x4c: {  	_ = 	snop;
	(pc) =	sbr.rel @p0 .LBB2_2-.Ltmp0, $4  }
0x4d: {  	_ = 	snop  }
0x4e: {  	s16 =	sadd.s32 $0x200, s16  }
0x4f: {  	_ =	swait.ge [sflag:s9], $0x80  }
0x50: {  	[sflag:s9] =	ssyncset.done $0x0  }
0x51: {  	s15 =	sadd.s32 $0x1, s15  }
0x52: {  	[sflag:s9] =	ssyncadd.s32 $0xFFFFFF80;
	p0 =	sne.s32 s15, s7  }
.Ltmp1:
0x53: {  	[bflag:$0x0] =	sbarrier.arrive $0xFFFF;
	(pc) =	sbr.rel @p0 .LBB2_1-.Ltmp1, $4  }
0x54: {  	[hbm:s6], [sflag:s13] =	dma.local [spmem:s14], $0x50  }
0x55: {  	_ =	swait.ge [sflag:s9], $0x50  }
0x56: {  	[sflag:s9] =	ssyncset.done $0x0  }
0x57: {  	[sflag:s9] =	ssyncadd.s32 $0xFFFFFFB0  }
0x58: {  	_ =	sfence.sel $0x180000  }
0x59: {  	[bflag:$0x0] =	sbarrier.arrive $0xFFFF  }
0x5a: {  	p0 =	sne.s32 s1, $0x0;
	_ =	strace $0x90000047  }
0x5b: {  	s0 =	sadd.s32 @!p0 $0x100000, s0;
	[bflag:$0x2] =	sbarrier.arrive $0xFFFF  }
0x5c: {  	[sflag:s0] =	ssyncadd.tile.s32 @!p0 $0x1;
	_ =	shalt  }
.Lfunc_end2:
_tile_overlayer_lowered:
.L_overlay_start_2:
0x5d: {  	(tag) =	ssettag $0x2  }
0x5e: {  	s0 =	rddreg [dreg:$0x0];
	s2 =	stileid.u32  }
0x5f: {  	s1 =	rddreg [dreg:$0x1];
	p0 =	sne.s32 s2, $0x0  }
0x60: {  	s3 =	rddreg [dreg:$0x2];
	[bflag:$0x3] =	sbarrier.arrive $0xFFFF;
	s2 =	simm.s32 @!p0 $0x1C02  }
0x61: {  	[timem:s3], [sflag:s2] =	dma.local @!p0 [hbm:s0], s1  }
0x62: {  	s0 =	simm.s32 @!p0 $0x2  }
0x63: {  	_ =	swait.ge @!p0 [sflag:s0], s1  }
0x64: {  	s1 =	ssub.s32 @!p0 $0x0, s1;
	[sflag:s0] =	ssyncset.done @!p0 $0x0  }
0x65: {  	[sflag:s0] =	ssyncadd.s32 @!p0 s1  }
0x66: {  	[bflag:$0x3] =	sbarrier.arrive $0xFFFF  }
0x67: {  	_ =	shalt  }

</sc_bundles>
